<compile_context>
chip_gen: v7x
topology: tpu7x:2x2x1
jax: 0.10.2.dev20260603
libtpu: 0.0.44.dev20260713+nightly
codegen_flags: <defaults>
</compile_context>

<pallas_src>
import functools

import jax
import jax.numpy as jnp
from jax import lax
from jax.experimental import pallas as pl
from jax.experimental.pallas import tpu as pltpu
from jax.experimental.pallas import tpu_sc as plsc

_N = 10000
_E = 320000
_G = 32
_D = 128

_NCORES = 2
_NSUB = 16
_DH = _D // 2
_EPT = _E // _NSUB
_BATCH = 128
_NBAT = (_EPT + _BATCH - 1) // _BATCH
_PAIRS = (_NBAT - 1) // 2
_NPAD = _N + 8
_RPT = 632
_RLAST = _N - (_NSUB - 1) * _RPT
_ZLAST = _NPAD - (_NSUB - 1) * _RPT


def _make_seg_sum(n, d):
    mesh = plsc.VectorSubcoreMesh(core_axis_name="c", subcore_axis_name="s")
    scratch = [
        pltpu.VMEM((_NBAT, _BATCH), jnp.int32),
        pltpu.VMEM((_NBAT, _BATCH), jnp.int32),
        pltpu.VMEM((_BATCH, d), jnp.float32),
        pltpu.VMEM((_BATCH, d), jnp.float32),
        pltpu.VMEM_SHARED((_NPAD, d), jnp.float32),
        pltpu.SemaphoreType.DMA,
        pltpu.SemaphoreType.DMA,
    ]

    @functools.partial(
        pl.kernel,
        out_type=jax.ShapeDtypeStruct((2 * n, d), jnp.float32),
        mesh=mesh,
        scratch_types=scratch,
        compiler_params=pltpu.CompilerParams(use_tc_tiling_on_sc=False),
    )
    def seg(table, srcs, dsts, zeros, out,
            src_t, dst_t, rows0, rows1, acc, sem0, sem1):
        c = lax.axis_index("c")
        s = lax.axis_index("s")
        r0 = s * _RPT
        rows = (rows0, rows1)
        sems = (sem0, sem1)

        pltpu.sync_copy(srcs.at[c * _NSUB + s], src_t)
        pltpu.sync_copy(dsts.at[s], dst_t)

        pltpu.sync_copy(zeros, rows0)
        for k in range(4):
            pltpu.sync_copy(rows0, acc.at[pl.ds(r0 + 128 * k, 128)])

        @pl.when(s < _NSUB - 1)
        def _():
            pltpu.sync_copy(rows0.at[pl.ds(0, 120)],
                            acc.at[pl.ds(r0 + 512, 120)])

        @pl.when(s == _NSUB - 1)
        def _():
            pltpu.sync_copy(rows0.at[pl.ds(0, 16)],
                            acc.at[pl.ds(r0 + 512, 16)])

        plsc.subcore_barrier()

        def gstart(k, slot):
            pltpu.async_copy(table.at[src_t.at[k]], rows[slot], sems[slot])

        def gwait(k, slot):
            pltpu.make_async_copy(table.at[src_t.at[k]], rows[slot],
                                  sems[slot]).wait()

        def scat(k, slot):
            pltpu.sync_copy(rows[slot], acc.at[dst_t.at[k]], add=True)

        gstart(0, 0)

        def body(j, carry):
            k = 2 * j
            gstart(k + 1, 1)
            gwait(k, 0)
            scat(k, 0)
            gstart(k + 2, 0)
            gwait(k + 1, 1)
            scat(k + 1, 1)
            return carry

        lax.fori_loop(0, _PAIRS, body, 0)
        gwait(_NBAT - 1, 0)
        scat(_NBAT - 1, 0)

        plsc.subcore_barrier()

        def chunk_out(off, size, buf):
            pltpu.sync_copy(acc.at[pl.ds(r0 + off, size)],
                            buf.at[pl.ds(0, size)])
            pltpu.sync_copy(buf.at[pl.ds(0, size)],
                            out.at[pl.ds(c * n + r0 + off, size)])

        for k in range(4):
            chunk_out(128 * k, 128, rows[k % 2])

        @pl.when(s < _NSUB - 1)
        def _():
            chunk_out(512, 120, rows0)

        @pl.when(s == _NSUB - 1)
        def _():
            chunk_out(512, 8, rows0)

    return seg


_SEG_SUM_CACHE = []


def _seg_sum(table_split, srcs, dsts, zeros):
    if not _SEG_SUM_CACHE:
        _SEG_SUM_CACHE.append(_make_seg_sum(_N, _DH))
    return _SEG_SUM_CACHE[0](table_split, srcs, dsts, zeros)


def _prep_edges(src, dst):
    s2 = jnp.pad(src.reshape(_NSUB, _EPT),
                 ((0, 0), (0, _NBAT * _BATCH - _EPT)))
    srcs = jnp.concatenate([s2, s2 + _N], axis=0).reshape(
        2 * _NSUB, _NBAT, _BATCH)
    d2 = jnp.pad(dst.reshape(_NSUB, _EPT),
                 ((0, 0), (0, _NBAT * _BATCH - _EPT)),
                 constant_values=_N)
    dsts = d2.reshape(_NSUB, _NBAT, _BATCH)
    return srcs, dsts


def _split(a):
    return jnp.concatenate([a[:, :_DH], a[:, _DH:]], axis=0)



_BR = 2000
_NBLK = _N // _BR


def _elu(y):
    return jnp.where(y > 0, y, jnp.exp(jnp.minimum(y, 0.0)) - 1.0)


def _norm_elu(y, s1, s2, g, b):
    m = s1[0:1, :] * (1.0 / _N)
    v = s2[0:1, :] * (1.0 / _N) - m * m
    return _elu((y - m) * lax.rsqrt(v + 1e-5) * g + b)


def _acc_stats(s1, s2, i, y):
    i1 = jnp.sum(y, axis=0, keepdims=True)
    i2 = jnp.sum(y * y, axis=0, keepdims=True)
    s1[0:1, :] = jnp.where(i == 0, i1, s1[0:1, :] + i1)
    s2[0:1, :] = jnp.where(i == 0, i2, s2[0:1, :] + i2)


def _dot(a, w, b):
    return jnp.dot(a, w, preferred_element_type=jnp.float32) + b


def _tc_a_body(x_ref, pa_ref, pb_ref, w0_ref, b0_ref, g0_ref, bb0_ref,
               cw_ref, cb_ref, cg_ref, cbb_ref,
               w1_ref, b1_ref, g1_ref, bb1_ref,
               h_ref, z0_ref, z1_ref,
               yc_acc, y0_acc, y1_acc, c1, c2, a1, a2, l1, l2):
    p = pl.program_id(0)
    i = pl.program_id(1)
    rows = pl.ds(i * _BR, _BR)

    @pl.when(p == 0)
    def _():
        x = x_ref[...]
        y0 = _dot(x, w0_ref[...], b0_ref[...])
        y0_acc[rows, :] = y0
        _acc_stats(a1, a2, i, y0)
        t = x + jnp.concatenate([pa_ref[...], pb_ref[...]], axis=1)
        yc = _dot(t, cw_ref[...], cb_ref[...])
        yc_acc[rows, :] = yc
        _acc_stats(c1, c2, i, yc)

    @pl.when(p == 1)
    def _():
        h = _norm_elu(yc_acc[rows, :], c1, c2, cg_ref[...], cbb_ref[...])
        yc_acc[rows, :] = h
        y1 = _dot(h, w1_ref[...], b1_ref[...])
        y1_acc[rows, :] = y1
        _acc_stats(l1, l2, i, y1)

    @pl.when(p == 2)
    def _():
        h_ref[...] = yc_acc[rows, :]
        z0_ref[...] = _norm_elu(y0_acc[rows, :], a1, a2,
                                g0_ref[...], bb0_ref[...])
        z1_ref[...] = _norm_elu(y1_acc[rows, :], l1, l2,
                                g1_ref[...], bb1_ref[...])


def _tc_b_body(h1_ref, pa_ref, pb_ref, cw_ref, cb_ref, cg_ref, cbb_ref,
               w2_ref, b2_ref, g2_ref, bb2_ref,
               z0_ref, z1_ref, lws_ref, batch_ref,
               h2_ref, zz_ref, out_ref,
               yc_acc, y2_acc, c1, c2, l1, l2, pacc):
    p = pl.program_id(0)
    i = pl.program_id(1)
    rows = pl.ds(i * _BR, _BR)

    @pl.when(p == 0)
    def _():
        t = h1_ref[...] + jnp.concatenate([pa_ref[...], pb_ref[...]], axis=1)
        yc = _dot(t, cw_ref[...], cb_ref[...])
        yc_acc[rows, :] = yc
        _acc_stats(c1, c2, i, yc)

    @pl.when(p == 1)
    def _():
        h2 = _norm_elu(yc_acc[rows, :], c1, c2, cg_ref[...], cbb_ref[...])
        yc_acc[rows, :] = h2
        y2 = _dot(h2, w2_ref[...], b2_ref[...])
        y2_acc[rows, :] = y2
        _acc_stats(l1, l2, i, y2)

    @pl.when(p == 2)
    def _():
        h2_ref[...] = yc_acc[rows, :]
        lws = lws_ref[...]
        z0 = z0_ref[...] * lws[0, 0]
        z1 = z1_ref[...] * lws[0, 1]
        z2 = _norm_elu(y2_acc[rows, :], l1, l2,
                       g2_ref[...], bb2_ref[...]) * lws[0, 2]
        zz_ref[...] = z0 + z1 + z2
        big = jnp.concatenate([z0, z1, z2], axis=1)
        batch = batch_ref[...]
        ninf = jnp.float32(-jnp.inf)
        rows_mx = []
        for g in range(_G):
            rows_mx.append(jnp.max(jnp.where(batch == g, big, ninf), axis=0))
        blockmax = jnp.stack(rows_mx)
        prev = jnp.where(i == 0, jnp.full((_G, 30), ninf), pacc[...])
        pacc[...] = jnp.maximum(prev, blockmax)

        @pl.when(i == _NBLK - 1)
        def _():
            oc = pacc[...]
            out_ref[...] = oc[:, 0:10] + oc[:, 10:20] + oc[:, 20:30]


def _f32(*shape):
    return jax.ShapeDtypeStruct(shape, jnp.float32)


def _vm(*shape):
    return pltpu.VMEM(shape, jnp.float32)


_ROW = lambda pp, ii: (jnp.where(pp == 0, ii, 0), 0)
_ROWB = lambda pp, ii: (jnp.where(pp == 0, ii, 0) + _NBLK, 0)
_ROW2 = lambda pp, ii: (jnp.where(pp == 2, ii, 0), 0)
_FIX = lambda pp, ii: (0, 0)


def kernel(x, edge_index, batch, lw,
           lin0_W, lin0_b, bn0_g, bn0_b,
           lin1_W, lin1_b, bn1_g, bn1_b,
           lin2_W, lin2_b, bn2_g, bn2_b,
           conv0_W, conv0_b, cbn0_g, cbn0_b,
           conv1_W, conv1_b, cbn1_g, cbn1_b):
    srcs, dsts = _prep_edges(edge_index[0], edge_index[1])
    zeros = jnp.zeros((_BATCH, _DH), jnp.float32)
    r2 = lambda a: a.reshape(1, -1)
    wspec = lambda k, f: [pl.BlockSpec((k, f), _FIX)] + \
        [pl.BlockSpec((1, f), _FIX)] * 3

    p1 = _seg_sum(_split(x), srcs, dsts, zeros)

    h1, z0, z1 = pl.pallas_call(
        _tc_a_body,
        grid=(3, _NBLK),
        in_specs=[pl.BlockSpec((_BR, _D), _ROW),
                  pl.BlockSpec((_BR, _DH), _ROW),
                  pl.BlockSpec((_BR, _DH), _ROWB)]
        + wspec(_D, 10) + wspec(_D, _D) + wspec(_D, 10),
        out_specs=[pl.BlockSpec((_BR, _D), _ROW2),
                   pl.BlockSpec((_BR, 10), _ROW2),
                   pl.BlockSpec((_BR, 10), _ROW2)],
        out_shape=[_f32(_N, _D), _f32(_N, 10), _f32(_N, 10)],
        scratch_shapes=[_vm(_N, _D), _vm(_N, 10), _vm(_N, 10),
                        _vm(8, _D), _vm(8, _D), _vm(8, 10), _vm(8, 10),
                        _vm(8, 10), _vm(8, 10)],
    )(x, p1, p1,
      lin0_W, r2(lin0_b), r2(bn0_g), r2(bn0_b),
      conv0_W, r2(conv0_b), r2(cbn0_g), r2(cbn0_b),
      lin1_W, r2(lin1_b), r2(bn1_g), r2(bn1_b))

    p2 = _seg_sum(_split(h1), srcs, dsts, zeros)

    h2, zz, out = pl.pallas_call(
        _tc_b_body,
        grid=(3, _NBLK),
        in_specs=[pl.BlockSpec((_BR, _D), _ROW),
                  pl.BlockSpec((_BR, _DH), _ROW),
                  pl.BlockSpec((_BR, _DH), _ROWB)]
        + wspec(_D, _D) + wspec(_D, 10)
        + [pl.BlockSpec((_BR, 10), _ROW2),
           pl.BlockSpec((_BR, 10), _ROW2),
           pl.BlockSpec((1, 3), _FIX),
           pl.BlockSpec((_BR, 1), _ROW2)],
        out_specs=[pl.BlockSpec((_BR, _D), _ROW2),
                   pl.BlockSpec((_BR, 10), _ROW2),
                   pl.BlockSpec((_G, 10), _FIX)],
        out_shape=[_f32(_N, _D), _f32(_N, 10), _f32(_G, 10)],
        scratch_shapes=[_vm(_N, _D), _vm(_N, 10),
                        _vm(8, _D), _vm(8, _D), _vm(8, 10), _vm(8, 10),
                        _vm(_G, 30)],
    )(h1, p2, p2,
      conv1_W, r2(conv1_b), r2(cbn1_g), r2(cbn1_b),
      lin2_W, r2(lin2_b), r2(bn2_g), r2(bn2_b),
      z0, z1, lw.reshape(1, 3), batch.reshape(-1, 1))

    return (out, zz, h2)

# --- scband reference (transcript-rebuilt; emitter-appended) ---
"""Pipeline reference for scband-gnn-74895639707842 (READ-ONLY COPY).

The authoritative reference and input builder live on the scoring server;
editing this copy changes nothing except your own understanding.
"""

import jax, jax.numpy as jnp
import numpy as np

N = 10000
E = 320000
G = 32
DF = 128
DT = 10
LAYERS = [128, 128, 64]


def _bn(h, g, b):
    m = jnp.mean(h, axis=0)
    v = jnp.var(h, axis=0)
    return (h - m) * jax.lax.rsqrt(v + 1e-5) * g + b


def _block(h, W, b, g, bb):
    # Linear -> BatchNorm1d (training-mode batch stats) -> ELU
    return jax.nn.elu(_bn(h @ W + b, g, bb))


def _gin(h, src, dst, W, b, g, bb):
    # GINConv with eps=0: nn((1+eps)*x + sum_{j in N(i)} x_j)
    agg = jax.ops.segment_sum(h[src], dst, num_segments=N)
    return _block(h + agg, W, b, g, bb)


def _pool(z, batch):
    # global_max_pool
    return jax.ops.segment_max(z, batch, num_segments=G)


def setup_inputs(seed: int = 0) -> dict:
    key = jax.random.key(seed)
    ks = jax.random.split(key, 32)
    x = jax.random.normal(ks[0], (N, DF), dtype=jnp.float32)
    edge_index = jax.random.randint(ks[1], (2, E), 0, N, dtype=jnp.int32)
    batch = jnp.sort(jax.random.randint(ks[2], (N,), 0, G, dtype=jnp.int32))

    def lin(k, fi, fo):
        s = 1.0 / np.sqrt(fi)
        return jax.random.uniform(k, (fi, fo), jnp.float32, -s, s)

    inp = {
        "x": x,
        "edge_index": edge_index,
        "batch": batch,
        "lw": jnp.ones((3,), jnp.float32),
        # linears[0]: Linear(128,10)+BN(10)+ELU
        "lin0_W": lin(ks[3], DF, DT), "lin0_b": jnp.zeros((DT,), jnp.float32),
        "bn0_g": jnp.ones((DT,), jnp.float32), "bn0_b": jnp.zeros((DT,), jnp.float32),
        # linears[1]: Linear(128,10)+BN(10)+ELU
        "lin1_W": lin(ks[4], LAYERS[0], DT), "lin1_b": jnp.zeros((DT,), jnp.float32),
        "bn1_g": jnp.ones((DT,), jnp.float32), "bn1_b": jnp.zeros((DT,), jnp.float32),
        # linears[2]: Linear(64,10)+BN(10)+ELU
        "lin2_W": lin(ks[5], LAYERS[1], DT), "lin2_b": jnp.zeros((DT,), jnp.float32),
        "bn2_g": jnp.ones((DT,), jnp.float32), "bn2_b": jnp.zeros((DT,), jnp.float32),
        # convs[0]: GINConv subnet Linear(128,128)+BN(128)+ELU
        "conv0_W": lin(ks[6], DF, LAYERS[0]), "conv0_b": jnp.zeros((LAYERS[0],), jnp.float32),
        "cbn0_g": jnp.ones((LAYERS[0],), jnp.float32), "cbn0_b": jnp.zeros((LAYERS[0],), jnp.float32),
        # convs[1]: GINConv subnet Linear(128,64)+BN(64)+ELU
        "conv1_W": lin(ks[7], LAYERS[0], LAYERS[1]), "conv1_b": jnp.zeros((LAYERS[1],), jnp.float32),
        "cbn1_g": jnp.ones((LAYERS[1],), jnp.float32), "cbn1_b": jnp.zeros((LAYERS[1],), jnp.float32),
    }
    return inp


def reference(x, edge_index, batch, lw,
              lin0_W, lin0_b, bn0_g, bn0_b,
              lin1_W, lin1_b, bn1_g, bn1_b,
              lin2_W, lin2_b, bn2_g, bn2_b,
              conv0_W, conv0_b, cbn0_g, cbn0_b,
              conv1_W, conv1_b, cbn1_g, cbn1_b):
    src, dst = edge_index[0], edge_index[1]
    # layer 0
    z0 = _block(x, lin0_W, lin0_b, bn0_g, bn0_b)
    Z = lw[0] * z0
    out = _pool(z0, batch)
    # layer 1: GINConv then weighted readout
    h = _gin(x, src, dst, conv0_W, conv0_b, cbn0_g, cbn0_b)
    z1 = lw[1] * _block(h, lin1_W, lin1_b, bn1_g, bn1_b)
    Z = Z + z1
    out = out + _pool(z1, batch)
    # layer 2
    h = _gin(h, src, dst, conv1_W, conv1_b, cbn1_g, cbn1_b)
    z2 = lw[2] * _block(h, lin2_W, lin2_b, bn2_g, bn2_b)
    Z = Z + z2
    out = out + _pool(z2, batch)
    return (out, Z, h)

if __name__ == "__main__":
    import jax
    _d = setup_inputs()
    print(jax.jit(kernel)(*tuple(_d.values())))

</pallas_src>

<mosaic_0001>
#map = affine_map<(d0, d1) -> (0, 0)>
#map1 = affine_map<(d0, d1) -> (0, 0, 0)>
module attributes {stable_mosaic.version = 14 : i64} {
  func.func @seg(%arg0: i32, %arg1: i32, %arg2: memref<20000x64xf32, #tpu.memory_space<hbm>>, %arg3: memref<32x157x128xi32, #tpu.memory_space<hbm>>, %arg4: memref<16x157x128xi32, #tpu.memory_space<hbm>>, %arg5: memref<128x64xf32, #tpu.memory_space<hbm>>, %arg6: memref<20000x64xf32, #tpu.memory_space<hbm>>, %arg7: memref<157x128xi32, #tpu.memory_space<vmem>>, %arg8: memref<157x128xi32, #tpu.memory_space<vmem>>, %arg9: memref<128x64xf32, #tpu.memory_space<vmem>>, %arg10: memref<128x64xf32, #tpu.memory_space<vmem>>, %arg11: memref<10008x64xf32, #tpu.memory_space<vmem_shared>>, %arg12: memref<!tpu.dma_semaphore, #tpu.memory_space<semaphore_mem>>, %arg13: memref<!tpu.dma_semaphore, #tpu.memory_space<semaphore_mem>>) attributes {dimension_semantics = [#tpu.dimension_semantics<core_parallel>, #tpu.dimension_semantics<subcore_parallel>], iteration_bounds = array<i64: 2, 16>, scalar_prefetch = 0 : i64, scratch_operands = 7 : i64, tpu.core_type = #tpu.core_type<sc_vector_subcore>, window_params = [{transform_indices = #map}, {transform_indices = #map1}, {transform_indices = #map1}, {transform_indices = #map}, {transform_indices = #map}]} {
    %mul3A = arith.constant 632 : i32
    %mul3A_0 = arith.muli %arg1, %mul3A : i32
    %mul3A_1 = arith.constant 16 : i32
    %mul3A_2 = arith.muli %arg0, %mul3A_1 : i32
    %add3A = arith.addi %mul3A_2, %arg1 : i32
    "tpu.region"() ({
      %run_scoped3A_73 = tpu.sem_alloc : memref<!tpu.dma_semaphore, #tpu.memory_space<semaphore_mem>>
      %dma_start3A_74 = arith.constant 0 : i32
      %dma_start3A_75 = arith.constant 0 : i32
      %dma_start3A_76 = tpu.memref_slice %arg3[%add3A, %dma_start3A_74, %dma_start3A_75] : memref<32x157x128xi32, #tpu.memory_space<hbm>> -> memref<1x157x128xi32, #tpu.memory_space<hbm>>
      %dma_start3A_77 = tpu.memref_squeeze %dma_start3A_76 : memref<1x157x128xi32, #tpu.memory_space<hbm>> -> memref<157x128xi32, #tpu.memory_space<hbm>>
      %dma_start3A_78 = arith.constant 0 : i32
      %dma_start3A_79 = arith.constant 0 : i32
      %dma_start3A_80 = tpu.memref_slice %arg3[%add3A, %dma_start3A_78, %dma_start3A_79] : memref<32x157x128xi32, #tpu.memory_space<hbm>> -> memref<1x157x128xi32, #tpu.memory_space<hbm>>
      %dma_start3A_81 = tpu.memref_squeeze %dma_start3A_80 : memref<1x157x128xi32, #tpu.memory_space<hbm>> -> memref<157x128xi32, #tpu.memory_space<hbm>>
      tpu.enqueue_dma source(%dma_start3A_81 : memref<157x128xi32, #tpu.memory_space<hbm>>) target(%arg7 : memref<157x128xi32, #tpu.memory_space<vmem>>) target_semaphore(%run_scoped3A_73 : memref<!tpu.dma_semaphore, #tpu.memory_space<semaphore_mem>>)
      %dma_wait3A_82 = arith.constant 0 : i32
      %dma_wait3A_83 = arith.constant 0 : i32
      %dma_wait3A_84 = tpu.memref_slice %arg3[%add3A, %dma_wait3A_82, %dma_wait3A_83] : memref<32x157x128xi32, #tpu.memory_space<hbm>> -> memref<1x157x128xi32, #tpu.memory_space<hbm>>
      %dma_wait3A_85 = tpu.memref_squeeze %dma_wait3A_84 : memref<1x157x128xi32, #tpu.memory_space<hbm>> -> memref<157x128xi32, #tpu.memory_space<hbm>>
      %dma_wait3A_86 = arith.constant 0 : i32
      %dma_wait3A_87 = arith.constant 0 : i32
      %dma_wait3A_88 = tpu.memref_slice %arg3[%add3A, %dma_wait3A_86, %dma_wait3A_87] : memref<32x157x128xi32, #tpu.memory_space<hbm>> -> memref<1x157x128xi32, #tpu.memory_space<hbm>>
      %dma_wait3A_89 = tpu.memref_squeeze %dma_wait3A_88 : memref<1x157x128xi32, #tpu.memory_space<hbm>> -> memref<157x128xi32, #tpu.memory_space<hbm>>
      tpu.wait_dma2 semaphore(%run_scoped3A_73 : memref<!tpu.dma_semaphore, #tpu.memory_space<semaphore_mem>>) src(%dma_wait3A_89 : memref<157x128xi32, #tpu.memory_space<hbm>>) dst(%arg7 : memref<157x128xi32, #tpu.memory_space<vmem>>)
      tpu.yield
    }) : () -> ()
    "tpu.region"() ({
      %run_scoped3A_73 = tpu.sem_alloc : memref<!tpu.dma_semaphore, #tpu.memory_space<semaphore_mem>>
      %dma_start3A_74 = arith.constant 0 : i32
      %dma_start3A_75 = arith.constant 0 : i32
      %dma_start3A_76 = tpu.memref_slice %arg4[%arg1, %dma_start3A_74, %dma_start3A_75] : memref<16x157x128xi32, #tpu.memory_space<hbm>> -> memref<1x157x128xi32, #tpu.memory_space<hbm>>
      %dma_start3A_77 = tpu.memref_squeeze %dma_start3A_76 : memref<1x157x128xi32, #tpu.memory_space<hbm>> -> memref<157x128xi32, #tpu.memory_space<hbm>>
      %dma_start3A_78 = arith.constant 0 : i32
      %dma_start3A_79 = arith.constant 0 : i32
      %dma_start3A_80 = tpu.memref_slice %arg4[%arg1, %dma_start3A_78, %dma_start3A_79] : memref<16x157x128xi32, #tpu.memory_space<hbm>> -> memref<1x157x128xi32, #tpu.memory_space<hbm>>
      %dma_start3A_81 = tpu.memref_squeeze %dma_start3A_80 : memref<1x157x128xi32, #tpu.memory_space<hbm>> -> memref<157x128xi32, #tpu.memory_space<hbm>>
      tpu.enqueue_dma source(%dma_start3A_81 : memref<157x128xi32, #tpu.memory_space<hbm>>) target(%arg8 : memref<157x128xi32, #tpu.memory_space<vmem>>) target_semaphore(%run_scoped3A_73 : memref<!tpu.dma_semaphore, #tpu.memory_space<semaphore_mem>>)
      %dma_wait3A_82 = arith.constant 0 : i32
      %dma_wait3A_83 = arith.constant 0 : i32
      %dma_wait3A_84 = tpu.memref_slice %arg4[%arg1, %dma_wait3A_82, %dma_wait3A_83] : memref<16x157x128xi32, #tpu.memory_space<hbm>> -> memref<1x157x128xi32, #tpu.memory_space<hbm>>
      %dma_wait3A_85 = tpu.memref_squeeze %dma_wait3A_84 : memref<1x157x128xi32, #tpu.memory_space<hbm>> -> memref<157x128xi32, #tpu.memory_space<hbm>>
      %dma_wait3A_86 = arith.constant 0 : i32
      %dma_wait3A_87 = arith.constant 0 : i32
      %dma_wait3A_88 = tpu.memref_slice %arg4[%arg1, %dma_wait3A_86, %dma_wait3A_87] : memref<16x157x128xi32, #tpu.memory_space<hbm>> -> memref<1x157x128xi32, #tpu.memory_space<hbm>>
      %dma_wait3A_89 = tpu.memref_squeeze %dma_wait3A_88 : memref<1x157x128xi32, #tpu.memory_space<hbm>> -> memref<157x128xi32, #tpu.memory_space<hbm>>
      tpu.wait_dma2 semaphore(%run_scoped3A_73 : memref<!tpu.dma_semaphore, #tpu.memory_space<semaphore_mem>>) src(%dma_wait3A_89 : memref<157x128xi32, #tpu.memory_space<hbm>>) dst(%arg8 : memref<157x128xi32, #tpu.memory_space<vmem>>)
      tpu.yield
    }) : () -> ()
    "tpu.region"() ({
      %run_scoped3A_73 = tpu.sem_alloc : memref<!tpu.dma_semaphore, #tpu.memory_space<semaphore_mem>>
      tpu.enqueue_dma source(%arg5 : memref<128x64xf32, #tpu.memory_space<hbm>>) target(%arg9 : memref<128x64xf32, #tpu.memory_space<vmem>>) target_semaphore(%run_scoped3A_73 : memref<!tpu.dma_semaphore, #tpu.memory_space<semaphore_mem>>)
      tpu.wait_dma2 semaphore(%run_scoped3A_73 : memref<!tpu.dma_semaphore, #tpu.memory_space<semaphore_mem>>) src(%arg5 : memref<128x64xf32, #tpu.memory_space<hbm>>) dst(%arg9 : memref<128x64xf32, #tpu.memory_space<vmem>>)
      tpu.yield
    }) : () -> ()
    %add3A_3 = arith.constant 0 : i32
    %add3A_4 = arith.addi %mul3A_0, %add3A_3 : i32
    "tpu.region"() ({
      %run_scoped3A_73 = tpu.sem_alloc : memref<!tpu.dma_semaphore, #tpu.memory_space<semaphore_mem>>
      %dma_start3A_74 = arith.constant 0 : i32
      %dma_start3A_75 = tpu.memref_slice %arg11[%add3A_4, %dma_start3A_74] : memref<10008x64xf32, #tpu.memory_space<vmem_shared>> -> memref<128x64xf32, #tpu.memory_space<vmem_shared>>
      %dma_start3A_76 = arith.constant 0 : i32
      %dma_start3A_77 = tpu.memref_slice %arg11[%add3A_4, %dma_start3A_76] : memref<10008x64xf32, #tpu.memory_space<vmem_shared>> -> memref<128x64xf32, #tpu.memory_space<vmem_shared>>
      tpu.enqueue_dma source(%arg9 : memref<128x64xf32, #tpu.memory_space<vmem>>) target(%dma_start3A_77 : memref<128x64xf32, #tpu.memory_space<vmem_shared>>) target_semaphore(%run_scoped3A_73 : memref<!tpu.dma_semaphore, #tpu.memory_space<semaphore_mem>>)
      %dma_wait3A_78 = arith.constant 0 : i32
      %dma_wait3A_79 = tpu.memref_slice %arg11[%add3A_4, %dma_wait3A_78] : memref<10008x64xf32, #tpu.memory_space<vmem_shared>> -> memref<128x64xf32, #tpu.memory_space<vmem_shared>>
      %dma_wait3A_80 = arith.constant 0 : i32
      %dma_wait3A_81 = tpu.memref_slice %arg11[%add3A_4, %dma_wait3A_80] : memref<10008x64xf32, #tpu.memory_space<vmem_shared>> -> memref<128x64xf32, #tpu.memory_space<vmem_shared>>
      tpu.wait_dma2 semaphore(%run_scoped3A_73 : memref<!tpu.dma_semaphore, #tpu.memory_space<semaphore_mem>>) src(%arg9 : memref<128x64xf32, #tpu.memory_space<vmem>>) dst(%dma_wait3A_81 : memref<128x64xf32, #tpu.memory_space<vmem_shared>>)
      tpu.yield
    }) : () -> ()
    %add3A_5 = arith.constant 128 : i32
    %add3A_6 = arith.addi %mul3A_0, %add3A_5 : i32
    "tpu.region"() ({
      %run_scoped3A_73 = tpu.sem_alloc : memref<!tpu.dma_semaphore, #tpu.memory_space<semaphore_mem>>
      %dma_start3A_74 = arith.constant 0 : i32
      %dma_start3A_75 = tpu.memref_slice %arg11[%add3A_6, %dma_start3A_74] : memref<10008x64xf32, #tpu.memory_space<vmem_shared>> -> memref<128x64xf32, #tpu.memory_space<vmem_shared>>
      %dma_start3A_76 = arith.constant 0 : i32
      %dma_start3A_77 = tpu.memref_slice %arg11[%add3A_6, %dma_start3A_76] : memref<10008x64xf32, #tpu.memory_space<vmem_shared>> -> memref<128x64xf32, #tpu.memory_space<vmem_shared>>
      tpu.enqueue_dma source(%arg9 : memref<128x64xf32, #tpu.memory_space<vmem>>) target(%dma_start3A_77 : memref<128x64xf32, #tpu.memory_space<vmem_shared>>) target_semaphore(%run_scoped3A_73 : memref<!tpu.dma_semaphore, #tpu.memory_space<semaphore_mem>>)
      %dma_wait3A_78 = arith.constant 0 : i32
      %dma_wait3A_79 = tpu.memref_slice %arg11[%add3A_6, %dma_wait3A_78] : memref<10008x64xf32, #tpu.memory_space<vmem_shared>> -> memref<128x64xf32, #tpu.memory_space<vmem_shared>>
      %dma_wait3A_80 = arith.constant 0 : i32
      %dma_wait3A_81 = tpu.memref_slice %arg11[%add3A_6, %dma_wait3A_80] : memref<10008x64xf32, #tpu.memory_space<vmem_shared>> -> memref<128x64xf32, #tpu.memory_space<vmem_shared>>
      tpu.wait_dma2 semaphore(%run_scoped3A_73 : memref<!tpu.dma_semaphore, #tpu.memory_space<semaphore_mem>>) src(%arg9 : memref<128x64xf32, #tpu.memory_space<vmem>>) dst(%dma_wait3A_81 : memref<128x64xf32, #tpu.memory_space<vmem_shared>>)
      tpu.yield
    }) : () -> ()
    %add3A_7 = arith.constant 256 : i32
    %add3A_8 = arith.addi %mul3A_0, %add3A_7 : i32
    "tpu.region"() ({
      %run_scoped3A_73 = tpu.sem_alloc : memref<!tpu.dma_semaphore, #tpu.memory_space<semaphore_mem>>
      %dma_start3A_74 = arith.constant 0 : i32
      %dma_start3A_75 = tpu.memref_slice %arg11[%add3A_8, %dma_start3A_74] : memref<10008x64xf32, #tpu.memory_space<vmem_shared>> -> memref<128x64xf32, #tpu.memory_space<vmem_shared>>
      %dma_start3A_76 = arith.constant 0 : i32
      %dma_start3A_77 = tpu.memref_slice %arg11[%add3A_8, %dma_start3A_76] : memref<10008x64xf32, #tpu.memory_space<vmem_shared>> -> memref<128x64xf32, #tpu.memory_space<vmem_shared>>
      tpu.enqueue_dma source(%arg9 : memref<128x64xf32, #tpu.memory_space<vmem>>) target(%dma_start3A_77 : memref<128x64xf32, #tpu.memory_space<vmem_shared>>) target_semaphore(%run_scoped3A_73 : memref<!tpu.dma_semaphore, #tpu.memory_space<semaphore_mem>>)
      %dma_wait3A_78 = arith.constant 0 : i32
      %dma_wait3A_79 = tpu.memref_slice %arg11[%add3A_8, %dma_wait3A_78] : memref<10008x64xf32, #tpu.memory_space<vmem_shared>> -> memref<128x64xf32, #tpu.memory_space<vmem_shared>>
      %dma_wait3A_80 = arith.constant 0 : i32
      %dma_wait3A_81 = tpu.memref_slice %arg11[%add3A_8, %dma_wait3A_80] : memref<10008x64xf32, #tpu.memory_space<vmem_shared>> -> memref<128x64xf32, #tpu.memory_space<vmem_shared>>
      tpu.wait_dma2 semaphore(%run_scoped3A_73 : memref<!tpu.dma_semaphore, #tpu.memory_space<semaphore_mem>>) src(%arg9 : memref<128x64xf32, #tpu.memory_space<vmem>>) dst(%dma_wait3A_81 : memref<128x64xf32, #tpu.memory_space<vmem_shared>>)
      tpu.yield
    }) : () -> ()
    %add3A_9 = arith.constant 384 : i32
    %add3A_10 = arith.addi %mul3A_0, %add3A_9 : i32
    "tpu.region"() ({
      %run_scoped3A_73 = tpu.sem_alloc : memref<!tpu.dma_semaphore, #tpu.memory_space<semaphore_mem>>
      %dma_start3A_74 = arith.constant 0 : i32
      %dma_start3A_75 = tpu.memref_slice %arg11[%add3A_10, %dma_start3A_74] : memref<10008x64xf32, #tpu.memory_space<vmem_shared>> -> memref<128x64xf32, #tpu.memory_space<vmem_shared>>
      %dma_start3A_76 = arith.constant 0 : i32
      %dma_start3A_77 = tpu.memref_slice %arg11[%add3A_10, %dma_start3A_76] : memref<10008x64xf32, #tpu.memory_space<vmem_shared>> -> memref<128x64xf32, #tpu.memory_space<vmem_shared>>
      tpu.enqueue_dma source(%arg9 : memref<128x64xf32, #tpu.memory_space<vmem>>) target(%dma_start3A_77 : memref<128x64xf32, #tpu.memory_space<vmem_shared>>) target_semaphore(%run_scoped3A_73 : memref<!tpu.dma_semaphore, #tpu.memory_space<semaphore_mem>>)
      %dma_wait3A_78 = arith.constant 0 : i32
      %dma_wait3A_79 = tpu.memref_slice %arg11[%add3A_10, %dma_wait3A_78] : memref<10008x64xf32, #tpu.memory_space<vmem_shared>> -> memref<128x64xf32, #tpu.memory_space<vmem_shared>>
      %dma_wait3A_80 = arith.constant 0 : i32
      %dma_wait3A_81 = tpu.memref_slice %arg11[%add3A_10, %dma_wait3A_80] : memref<10008x64xf32, #tpu.memory_space<vmem_shared>> -> memref<128x64xf32, #tpu.memory_space<vmem_shared>>
      tpu.wait_dma2 semaphore(%run_scoped3A_73 : memref<!tpu.dma_semaphore, #tpu.memory_space<semaphore_mem>>) src(%arg9 : memref<128x64xf32, #tpu.memory_space<vmem>>) dst(%dma_wait3A_81 : memref<128x64xf32, #tpu.memory_space<vmem_shared>>)
      tpu.yield
    }) : () -> ()
    %lt3A = arith.constant 15 : i32
    %lt3A_11 = arith.cmpi slt, %arg1, %lt3A : i32
    %convert_element_type3A = arith.extui %lt3A_11 : i1 to i32
    %cond3A = arith.constant 0 : i32
    %cond3A_12 = arith.cmpi ne, %convert_element_type3A, %cond3A : i32
    scf.if %cond3A_12 {
      %add3A_73 = arith.constant 512 : i32
      %add3A_74 = arith.addi %mul3A_0, %add3A_73 : i32
      "tpu.region"() ({
        %run_scoped3A_75 = tpu.sem_alloc : memref<!tpu.dma_semaphore, #tpu.memory_space<semaphore_mem>>
        %dma_start3A_76 = arith.constant 0 : i32
        %dma_start3A_77 = arith.constant 0 : i32
        %dma_start3A_78 = tpu.memref_slice %arg9[%dma_start3A_76, %dma_start3A_77] : memref<128x64xf32, #tpu.memory_space<vmem>> -> memref<120x64xf32, #tpu.memory_space<vmem>>
        %dma_start3A_79 = arith.constant 0 : i32
        %dma_start3A_80 = tpu.memref_slice %arg11[%add3A_74, %dma_start3A_79] : memref<10008x64xf32, #tpu.memory_space<vmem_shared>> -> memref<120x64xf32, #tpu.memory_space<vmem_shared>>
        %dma_start3A_81 = arith.constant 0 : i32
        %dma_start3A_82 = tpu.memref_slice %arg11[%add3A_74, %dma_start3A_81] : memref<10008x64xf32, #tpu.memory_space<vmem_shared>> -> memref<120x64xf32, #tpu.memory_space<vmem_shared>>
        %dma_start3A_83 = arith.constant 0 : i32
        %dma_start3A_84 = arith.constant 0 : i32
        %dma_start3A_85 = tpu.memref_slice %arg9[%dma_start3A_83, %dma_start3A_84] : memref<128x64xf32, #tpu.memory_space<vmem>> -> memref<120x64xf32, #tpu.memory_space<vmem>>
        tpu.enqueue_dma source(%dma_start3A_85 : memref<120x64xf32, #tpu.memory_space<vmem>>) target(%dma_start3A_82 : memref<120x64xf32, #tpu.memory_space<vmem_shared>>) target_semaphore(%run_scoped3A_75 : memref<!tpu.dma_semaphore, #tpu.memory_space<semaphore_mem>>)
        %dma_wait3A_86 = arith.constant 0 : i32
        %dma_wait3A_87 = arith.constant 0 : i32
        %dma_wait3A_88 = tpu.memref_slice %arg9[%dma_wait3A_86, %dma_wait3A_87] : memref<128x64xf32, #tpu.memory_space<vmem>> -> memref<120x64xf32, #tpu.memory_space<vmem>>
        %dma_wait3A_89 = arith.constant 0 : i32
        %dma_wait3A_90 = tpu.memref_slice %arg11[%add3A_74, %dma_wait3A_89] : memref<10008x64xf32, #tpu.memory_space<vmem_shared>> -> memref<120x64xf32, #tpu.memory_space<vmem_shared>>
        %dma_wait3A_91 = arith.constant 0 : i32
        %dma_wait3A_92 = tpu.memref_slice %arg11[%add3A_74, %dma_wait3A_91] : memref<10008x64xf32, #tpu.memory_space<vmem_shared>> -> memref<120x64xf32, #tpu.memory_space<vmem_shared>>
        %dma_wait3A_93 = arith.constant 0 : i32
        %dma_wait3A_94 = arith.constant 0 : i32
        %dma_wait3A_95 = tpu.memref_slice %arg9[%dma_wait3A_93, %dma_wait3A_94] : memref<128x64xf32, #tpu.memory_space<vmem>> -> memref<120x64xf32, #tpu.memory_space<vmem>>
        tpu.wait_dma2 semaphore(%run_scoped3A_75 : memref<!tpu.dma_semaphore, #tpu.memory_space<semaphore_mem>>) src(%dma_wait3A_95 : memref<120x64xf32, #tpu.memory_space<vmem>>) dst(%dma_wait3A_92 : memref<120x64xf32, #tpu.memory_space<vmem_shared>>)
        tpu.yield
      }) : () -> ()
    } else {
    }
    %eq3A = arith.constant 15 : i32
    %eq3A_13 = arith.cmpi eq, %arg1, %eq3A : i32
    %convert_element_type3A_14 = arith.extui %eq3A_13 : i1 to i32
    %cond3A_15 = arith.constant 0 : i32
    %cond3A_16 = arith.cmpi ne, %convert_element_type3A_14, %cond3A_15 : i32
    scf.if %cond3A_16 {
      %add3A_73 = arith.constant 512 : i32
      %add3A_74 = arith.addi %mul3A_0, %add3A_73 : i32
      "tpu.region"() ({
        %run_scoped3A_75 = tpu.sem_alloc : memref<!tpu.dma_semaphore, #tpu.memory_space<semaphore_mem>>
        %dma_start3A_76 = arith.constant 0 : i32
        %dma_start3A_77 = arith.constant 0 : i32
        %dma_start3A_78 = tpu.memref_slice %arg9[%dma_start3A_76, %dma_start3A_77] : memref<128x64xf32, #tpu.memory_space<vmem>> -> memref<16x64xf32, #tpu.memory_space<vmem>>
        %dma_start3A_79 = arith.constant 0 : i32
        %dma_start3A_80 = tpu.memref_slice %arg11[%add3A_74, %dma_start3A_79] : memref<10008x64xf32, #tpu.memory_space<vmem_shared>> -> memref<16x64xf32, #tpu.memory_space<vmem_shared>>
        %dma_start3A_81 = arith.constant 0 : i32
        %dma_start3A_82 = tpu.memref_slice %arg11[%add3A_74, %dma_start3A_81] : memref<10008x64xf32, #tpu.memory_space<vmem_shared>> -> memref<16x64xf32, #tpu.memory_space<vmem_shared>>
        %dma_start3A_83 = arith.constant 0 : i32
        %dma_start3A_84 = arith.constant 0 : i32
        %dma_start3A_85 = tpu.memref_slice %arg9[%dma_start3A_83, %dma_start3A_84] : memref<128x64xf32, #tpu.memory_space<vmem>> -> memref<16x64xf32, #tpu.memory_space<vmem>>
        tpu.enqueue_dma source(%dma_start3A_85 : memref<16x64xf32, #tpu.memory_space<vmem>>) target(%dma_start3A_82 : memref<16x64xf32, #tpu.memory_space<vmem_shared>>) target_semaphore(%run_scoped3A_75 : memref<!tpu.dma_semaphore, #tpu.memory_space<semaphore_mem>>)
        %dma_wait3A_86 = arith.constant 0 : i32
        %dma_wait3A_87 = arith.constant 0 : i32
        %dma_wait3A_88 = tpu.memref_slice %arg9[%dma_wait3A_86, %dma_wait3A_87] : memref<128x64xf32, #tpu.memory_space<vmem>> -> memref<16x64xf32, #tpu.memory_space<vmem>>
        %dma_wait3A_89 = arith.constant 0 : i32
        %dma_wait3A_90 = tpu.memref_slice %arg11[%add3A_74, %dma_wait3A_89] : memref<10008x64xf32, #tpu.memory_space<vmem_shared>> -> memref<16x64xf32, #tpu.memory_space<vmem_shared>>
        %dma_wait3A_91 = arith.constant 0 : i32
        %dma_wait3A_92 = tpu.memref_slice %arg11[%add3A_74, %dma_wait3A_91] : memref<10008x64xf32, #tpu.memory_space<vmem_shared>> -> memref<16x64xf32, #tpu.memory_space<vmem_shared>>
        %dma_wait3A_93 = arith.constant 0 : i32
        %dma_wait3A_94 = arith.constant 0 : i32
        %dma_wait3A_95 = tpu.memref_slice %arg9[%dma_wait3A_93, %dma_wait3A_94] : memref<128x64xf32, #tpu.memory_space<vmem>> -> memref<16x64xf32, #tpu.memory_space<vmem>>
        tpu.wait_dma2 semaphore(%run_scoped3A_75 : memref<!tpu.dma_semaphore, #tpu.memory_space<semaphore_mem>>) src(%dma_wait3A_95 : memref<16x64xf32, #tpu.memory_space<vmem>>) dst(%dma_wait3A_92 : memref<16x64xf32, #tpu.memory_space<vmem_shared>>)
        tpu.yield
      }) : () -> ()
    } else {
    }
    %barrier3A = arith.constant 0 : index
    tpu.barrier barrier_id(%barrier3A)
    %dma_start3A = arith.constant 0 : i32
    %dma_start3A_17 = arith.constant 0 : i32
    %dma_start3A_18 = tpu.memref_slice %arg7[%dma_start3A, %dma_start3A_17] : memref<157x128xi32, #tpu.memory_space<vmem>> -> memref<1x128xi32, #tpu.memory_space<vmem>>
    %dma_start3A_19 = tpu.memref_squeeze %dma_start3A_18 : memref<1x128xi32, #tpu.memory_space<vmem>> -> memref<128xi32, #tpu.memory_space<vmem>>
    %dma_start3A_20 = arith.constant 0 : i32
    %dma_start3A_21 = arith.constant 0 : i32
    %dma_start3A_22 = tpu.memref_slice %arg2[%dma_start3A_20, %dma_start3A_21] : memref<20000x64xf32, #tpu.memory_space<hbm>> -> memref<20000x64xf32, #tpu.memory_space<hbm>>
    tpu.enqueue_indirect_dma source(%dma_start3A_22 : memref<20000x64xf32, #tpu.memory_space<hbm>>) target(%arg9 : memref<128x64xf32, #tpu.memory_space<vmem>>) offsets(%dma_start3A_19 : memref<128xi32, #tpu.memory_space<vmem>>) semaphore(%arg12 : memref<!tpu.dma_semaphore, #tpu.memory_space<semaphore_mem>>)
    %scan3A = arith.constant 0 : i32
    %scan3A_23 = arith.constant 0 : i32
    %scan3A_24 = arith.constant 78 : i32
    %scan3A_25 = arith.addi %scan3A_23, %scan3A_24 : i32
    %scan3A_26 = arith.constant 1 : i32
    scf.for %scan3A_73 = %scan3A_23 to %scan3A_25 step %scan3A_26  : i32 {
      %mul3A_74 = arith.constant 2 : i32
      %mul3A_75 = arith.muli %mul3A_74, %scan3A_73 : i32
      %add3A_76 = arith.constant 1 : i32
      %add3A_77 = arith.addi %mul3A_75, %add3A_76 : i32
      %dma_start3A_78 = arith.constant 0 : i32
      %dma_start3A_79 = tpu.memref_slice %arg7[%add3A_77, %dma_start3A_78] : memref<157x128xi32, #tpu.memory_space<vmem>> -> memref<1x128xi32, #tpu.memory_space<vmem>>
      %dma_start3A_80 = tpu.memref_squeeze %dma_start3A_79 : memref<1x128xi32, #tpu.memory_space<vmem>> -> memref<128xi32, #tpu.memory_space<vmem>>
      %dma_start3A_81 = arith.constant 0 : i32
      %dma_start3A_82 = arith.constant 0 : i32
      %dma_start3A_83 = tpu.memref_slice %arg2[%dma_start3A_81, %dma_start3A_82] : memref<20000x64xf32, #tpu.memory_space<hbm>> -> memref<20000x64xf32, #tpu.memory_space<hbm>>
      tpu.enqueue_indirect_dma source(%dma_start3A_83 : memref<20000x64xf32, #tpu.memory_space<hbm>>) target(%arg10 : memref<128x64xf32, #tpu.memory_space<vmem>>) offsets(%dma_start3A_80 : memref<128xi32, #tpu.memory_space<vmem>>) semaphore(%arg13 : memref<!tpu.dma_semaphore, #tpu.memory_space<semaphore_mem>>)
      %dma_wait3A_84 = arith.constant 0 : i32
      %dma_wait3A_85 = tpu.memref_slice %arg7[%mul3A_75, %dma_wait3A_84] : memref<157x128xi32, #tpu.memory_space<vmem>> -> memref<1x128xi32, #tpu.memory_space<vmem>>
      %dma_wait3A_86 = tpu.memref_squeeze %dma_wait3A_85 : memref<1x128xi32, #tpu.memory_space<vmem>> -> memref<128xi32, #tpu.memory_space<vmem>>
      %dma_wait3A_87 = arith.constant 0 : i32
      %dma_wait3A_88 = arith.constant 0 : i32
      %dma_wait3A_89 = tpu.memref_slice %arg2[%dma_wait3A_87, %dma_wait3A_88] : memref<20000x64xf32, #tpu.memory_space<hbm>> -> memref<20000x64xf32, #tpu.memory_space<hbm>>
      tpu.wait_indirect_dma semaphore(%arg12 : memref<!tpu.dma_semaphore, #tpu.memory_space<semaphore_mem>>) src(%dma_wait3A_89 : memref<20000x64xf32, #tpu.memory_space<hbm>>) dst(%arg9 : memref<128x64xf32, #tpu.memory_space<vmem>>)
      "tpu.region"() ({
        %run_scoped3A_108 = tpu.sem_alloc : memref<!tpu.dma_semaphore, #tpu.memory_space<semaphore_mem>>
        %dma_start3A_109 = arith.constant 0 : i32
        %dma_start3A_110 = tpu.memref_slice %arg8[%mul3A_75, %dma_start3A_109] : memref<157x128xi32, #tpu.memory_space<vmem>> -> memref<1x128xi32, #tpu.memory_space<vmem>>
        %dma_start3A_111 = tpu.memref_squeeze %dma_start3A_110 : memref<1x128xi32, #tpu.memory_space<vmem>> -> memref<128xi32, #tpu.memory_space<vmem>>
        %dma_start3A_112 = arith.constant 0 : i32
        %dma_start3A_113 = arith.constant 0 : i32
        %dma_start3A_114 = tpu.memref_slice %arg11[%dma_start3A_112, %dma_start3A_113] : memref<10008x64xf32, #tpu.memory_space<vmem_shared>> -> memref<10008x64xf32, #tpu.memory_space<vmem_shared>>
        tpu.enqueue_indirect_dma source(%arg9 : memref<128x64xf32, #tpu.memory_space<vmem>>) target(%dma_start3A_114 : memref<10008x64xf32, #tpu.memory_space<vmem_shared>>) offsets(%dma_start3A_111 : memref<128xi32, #tpu.memory_space<vmem>>) semaphore(%run_scoped3A_108 : memref<!tpu.dma_semaphore, #tpu.memory_space<semaphore_mem>>) {add = true}
        %dma_wait3A_115 = arith.constant 0 : i32
        %dma_wait3A_116 = tpu.memref_slice %arg8[%mul3A_75, %dma_wait3A_115] : memref<157x128xi32, #tpu.memory_space<vmem>> -> memref<1x128xi32, #tpu.memory_space<vmem>>
        %dma_wait3A_117 = tpu.memref_squeeze %dma_wait3A_116 : memref<1x128xi32, #tpu.memory_space<vmem>> -> memref<128xi32, #tpu.memory_space<vmem>>
        %dma_wait3A_118 = arith.constant 0 : i32
        %dma_wait3A_119 = arith.constant 0 : i32
        %dma_wait3A_120 = tpu.memref_slice %arg11[%dma_wait3A_118, %dma_wait3A_119] : memref<10008x64xf32, #tpu.memory_space<vmem_shared>> -> memref<10008x64xf32, #tpu.memory_space<vmem_shared>>
        tpu.wait_indirect_dma semaphore(%run_scoped3A_108 : memref<!tpu.dma_semaphore, #tpu.memory_space<semaphore_mem>>) src(%arg9 : memref<128x64xf32, #tpu.memory_space<vmem>>) dst(%dma_wait3A_120 : memref<10008x64xf32, #tpu.memory_space<vmem_shared>>)
        tpu.yield
      }) : () -> ()
      %add3A_90 = arith.constant 2 : i32
      %add3A_91 = arith.addi %mul3A_75, %add3A_90 : i32
      %dma_start3A_92 = arith.constant 0 : i32
      %dma_start3A_93 = tpu.memref_slice %arg7[%add3A_91, %dma_start3A_92] : memref<157x128xi32, #tpu.memory_space<vmem>> -> memref<1x128xi32, #tpu.memory_space<vmem>>
      %dma_start3A_94 = tpu.memref_squeeze %dma_start3A_93 : memref<1x128xi32, #tpu.memory_space<vmem>> -> memref<128xi32, #tpu.memory_space<vmem>>
      %dma_start3A_95 = arith.constant 0 : i32
      %dma_start3A_96 = arith.constant 0 : i32
      %dma_start3A_97 = tpu.memref_slice %arg2[%dma_start3A_95, %dma_start3A_96] : memref<20000x64xf32, #tpu.memory_space<hbm>> -> memref<20000x64xf32, #tpu.memory_space<hbm>>
      tpu.enqueue_indirect_dma source(%dma_start3A_97 : memref<20000x64xf32, #tpu.memory_space<hbm>>) target(%arg9 : memref<128x64xf32, #tpu.memory_space<vmem>>) offsets(%dma_start3A_94 : memref<128xi32, #tpu.memory_space<vmem>>) semaphore(%arg12 : memref<!tpu.dma_semaphore, #tpu.memory_space<semaphore_mem>>)
      %add3A_98 = arith.constant 1 : i32
      %add3A_99 = arith.addi %mul3A_75, %add3A_98 : i32
      %dma_wait3A_100 = arith.constant 0 : i32
      %dma_wait3A_101 = tpu.memref_slice %arg7[%add3A_99, %dma_wait3A_100] : memref<157x128xi32, #tpu.memory_space<vmem>> -> memref<1x128xi32, #tpu.memory_space<vmem>>
      %dma_wait3A_102 = tpu.memref_squeeze %dma_wait3A_101 : memref<1x128xi32, #tpu.memory_space<vmem>> -> memref<128xi32, #tpu.memory_space<vmem>>
      %dma_wait3A_103 = arith.constant 0 : i32
      %dma_wait3A_104 = arith.constant 0 : i32
      %dma_wait3A_105 = tpu.memref_slice %arg2[%dma_wait3A_103, %dma_wait3A_104] : memref<20000x64xf32, #tpu.memory_space<hbm>> -> memref<20000x64xf32, #tpu.memory_space<hbm>>
      tpu.wait_indirect_dma semaphore(%arg13 : memref<!tpu.dma_semaphore, #tpu.memory_space<semaphore_mem>>) src(%dma_wait3A_105 : memref<20000x64xf32, #tpu.memory_space<hbm>>) dst(%arg10 : memref<128x64xf32, #tpu.memory_space<vmem>>)
      %add3A_106 = arith.constant 1 : i32
      %add3A_107 = arith.addi %mul3A_75, %add3A_106 : i32
      "tpu.region"() ({
        %run_scoped3A_108 = tpu.sem_alloc : memref<!tpu.dma_semaphore, #tpu.memory_space<semaphore_mem>>
        %dma_start3A_109 = arith.constant 0 : i32
        %dma_start3A_110 = tpu.memref_slice %arg8[%add3A_107, %dma_start3A_109] : memref<157x128xi32, #tpu.memory_space<vmem>> -> memref<1x128xi32, #tpu.memory_space<vmem>>
        %dma_start3A_111 = tpu.memref_squeeze %dma_start3A_110 : memref<1x128xi32, #tpu.memory_space<vmem>> -> memref<128xi32, #tpu.memory_space<vmem>>
        %dma_start3A_112 = arith.constant 0 : i32
        %dma_start3A_113 = arith.constant 0 : i32
        %dma_start3A_114 = tpu.memref_slice %arg11[%dma_start3A_112, %dma_start3A_113] : memref<10008x64xf32, #tpu.memory_space<vmem_shared>> -> memref<10008x64xf32, #tpu.memory_space<vmem_shared>>
        tpu.enqueue_indirect_dma source(%arg10 : memref<128x64xf32, #tpu.memory_space<vmem>>) target(%dma_start3A_114 : memref<10008x64xf32, #tpu.memory_space<vmem_shared>>) offsets(%dma_start3A_111 : memref<128xi32, #tpu.memory_space<vmem>>) semaphore(%run_scoped3A_108 : memref<!tpu.dma_semaphore, #tpu.memory_space<semaphore_mem>>) {add = true}
        %dma_wait3A_115 = arith.constant 0 : i32
        %dma_wait3A_116 = tpu.memref_slice %arg8[%add3A_107, %dma_wait3A_115] : memref<157x128xi32, #tpu.memory_space<vmem>> -> memref<1x128xi32, #tpu.memory_space<vmem>>
        %dma_wait3A_117 = tpu.memref_squeeze %dma_wait3A_116 : memref<1x128xi32, #tpu.memory_space<vmem>> -> memref<128xi32, #tpu.memory_space<vmem>>
        %dma_wait3A_118 = arith.constant 0 : i32
        %dma_wait3A_119 = arith.constant 0 : i32
        %dma_wait3A_120 = tpu.memref_slice %arg11[%dma_wait3A_118, %dma_wait3A_119] : memref<10008x64xf32, #tpu.memory_space<vmem_shared>> -> memref<10008x64xf32, #tpu.memory_space<vmem_shared>>
        tpu.wait_indirect_dma semaphore(%run_scoped3A_108 : memref<!tpu.dma_semaphore, #tpu.memory_space<semaphore_mem>>) src(%arg10 : memref<128x64xf32, #tpu.memory_space<vmem>>) dst(%dma_wait3A_120 : memref<10008x64xf32, #tpu.memory_space<vmem_shared>>)
        tpu.yield
      }) : () -> ()
    }
    %scan3A_27 = arith.constant 78 : i32
    %dma_wait3A = arith.constant 156 : i32
    %dma_wait3A_28 = arith.constant 0 : i32
    %dma_wait3A_29 = tpu.memref_slice %arg7[%dma_wait3A, %dma_wait3A_28] : memref<157x128xi32, #tpu.memory_space<vmem>> -> memref<1x128xi32, #tpu.memory_space<vmem>>
    %dma_wait3A_30 = tpu.memref_squeeze %dma_wait3A_29 : memref<1x128xi32, #tpu.memory_space<vmem>> -> memref<128xi32, #tpu.memory_space<vmem>>
    %dma_wait3A_31 = arith.constant 0 : i32
    %dma_wait3A_32 = arith.constant 0 : i32
    %dma_wait3A_33 = tpu.memref_slice %arg2[%dma_wait3A_31, %dma_wait3A_32] : memref<20000x64xf32, #tpu.memory_space<hbm>> -> memref<20000x64xf32, #tpu.memory_space<hbm>>
    tpu.wait_indirect_dma semaphore(%arg12 : memref<!tpu.dma_semaphore, #tpu.memory_space<semaphore_mem>>) src(%dma_wait3A_33 : memref<20000x64xf32, #tpu.memory_space<hbm>>) dst(%arg9 : memref<128x64xf32, #tpu.memory_space<vmem>>)
    %run_scoped3A = arith.constant 156 : i32
    "tpu.region"() ({
      %run_scoped3A_73 = tpu.sem_alloc : memref<!tpu.dma_semaphore, #tpu.memory_space<semaphore_mem>>
      %dma_start3A_74 = arith.constant 0 : i32
      %dma_start3A_75 = tpu.memref_slice %arg8[%run_scoped3A, %dma_start3A_74] : memref<157x128xi32, #tpu.memory_space<vmem>> -> memref<1x128xi32, #tpu.memory_space<vmem>>
      %dma_start3A_76 = tpu.memref_squeeze %dma_start3A_75 : memref<1x128xi32, #tpu.memory_space<vmem>> -> memref<128xi32, #tpu.memory_space<vmem>>
      %dma_start3A_77 = arith.constant 0 : i32
      %dma_start3A_78 = arith.constant 0 : i32
      %dma_start3A_79 = tpu.memref_slice %arg11[%dma_start3A_77, %dma_start3A_78] : memref<10008x64xf32, #tpu.memory_space<vmem_shared>> -> memref<10008x64xf32, #tpu.memory_space<vmem_shared>>
      tpu.enqueue_indirect_dma source(%arg9 : memref<128x64xf32, #tpu.memory_space<vmem>>) target(%dma_start3A_79 : memref<10008x64xf32, #tpu.memory_space<vmem_shared>>) offsets(%dma_start3A_76 : memref<128xi32, #tpu.memory_space<vmem>>) semaphore(%run_scoped3A_73 : memref<!tpu.dma_semaphore, #tpu.memory_space<semaphore_mem>>) {add = true}
      %dma_wait3A_80 = arith.constant 0 : i32
      %dma_wait3A_81 = tpu.memref_slice %arg8[%run_scoped3A, %dma_wait3A_80] : memref<157x128xi32, #tpu.memory_space<vmem>> -> memref<1x128xi32, #tpu.memory_space<vmem>>
      %dma_wait3A_82 = tpu.memref_squeeze %dma_wait3A_81 : memref<1x128xi32, #tpu.memory_space<vmem>> -> memref<128xi32, #tpu.memory_space<vmem>>
      %dma_wait3A_83 = arith.constant 0 : i32
      %dma_wait3A_84 = arith.constant 0 : i32
      %dma_wait3A_85 = tpu.memref_slice %arg11[%dma_wait3A_83, %dma_wait3A_84] : memref<10008x64xf32, #tpu.memory_space<vmem_shared>> -> memref<10008x64xf32, #tpu.memory_space<vmem_shared>>
      tpu.wait_indirect_dma semaphore(%run_scoped3A_73 : memref<!tpu.dma_semaphore, #tpu.memory_space<semaphore_mem>>) src(%arg9 : memref<128x64xf32, #tpu.memory_space<vmem>>) dst(%dma_wait3A_85 : memref<10008x64xf32, #tpu.memory_space<vmem_shared>>)
      tpu.yield
    }) : () -> ()
    %barrier3A_34 = arith.constant 0 : index
    tpu.barrier barrier_id(%barrier3A_34)
    %add3A_35 = arith.constant 0 : i32
    %add3A_36 = arith.addi %mul3A_0, %add3A_35 : i32
    "tpu.region"() ({
      %run_scoped3A_73 = tpu.sem_alloc : memref<!tpu.dma_semaphore, #tpu.memory_space<semaphore_mem>>
      %dma_start3A_74 = arith.constant 0 : i32
      %dma_start3A_75 = arith.constant 0 : i32
      %dma_start3A_76 = tpu.memref_slice %arg9[%dma_start3A_74, %dma_start3A_75] : memref<128x64xf32, #tpu.memory_space<vmem>> -> memref<128x64xf32, #tpu.memory_space<vmem>>
      %dma_start3A_77 = arith.constant 0 : i32
      %dma_start3A_78 = tpu.memref_slice %arg11[%add3A_36, %dma_start3A_77] : memref<10008x64xf32, #tpu.memory_space<vmem_shared>> -> memref<128x64xf32, #tpu.memory_space<vmem_shared>>
      %dma_start3A_79 = arith.constant 0 : i32
      %dma_start3A_80 = arith.constant 0 : i32
      %dma_start3A_81 = tpu.memref_slice %arg9[%dma_start3A_79, %dma_start3A_80] : memref<128x64xf32, #tpu.memory_space<vmem>> -> memref<128x64xf32, #tpu.memory_space<vmem>>
      %dma_start3A_82 = arith.constant 0 : i32
      %dma_start3A_83 = tpu.memref_slice %arg11[%add3A_36, %dma_start3A_82] : memref<10008x64xf32, #tpu.memory_space<vmem_shared>> -> memref<128x64xf32, #tpu.memory_space<vmem_shared>>
      tpu.enqueue_dma source(%dma_start3A_83 : memref<128x64xf32, #tpu.memory_space<vmem_shared>>) target(%dma_start3A_81 : memref<128x64xf32, #tpu.memory_space<vmem>>) target_semaphore(%run_scoped3A_73 : memref<!tpu.dma_semaphore, #tpu.memory_space<semaphore_mem>>)
      %dma_wait3A_84 = arith.constant 0 : i32
      %dma_wait3A_85 = arith.constant 0 : i32
      %dma_wait3A_86 = tpu.memref_slice %arg9[%dma_wait3A_84, %dma_wait3A_85] : memref<128x64xf32, #tpu.memory_space<vmem>> -> memref<128x64xf32, #tpu.memory_space<vmem>>
      %dma_wait3A_87 = arith.constant 0 : i32
      %dma_wait3A_88 = tpu.memref_slice %arg11[%add3A_36, %dma_wait3A_87] : memref<10008x64xf32, #tpu.memory_space<vmem_shared>> -> memref<128x64xf32, #tpu.memory_space<vmem_shared>>
      %dma_wait3A_89 = arith.constant 0 : i32
      %dma_wait3A_90 = arith.constant 0 : i32
      %dma_wait3A_91 = tpu.memref_slice %arg9[%dma_wait3A_89, %dma_wait3A_90] : memref<128x64xf32, #tpu.memory_space<vmem>> -> memref<128x64xf32, #tpu.memory_space<vmem>>
      %dma_wait3A_92 = arith.constant 0 : i32
      %dma_wait3A_93 = tpu.memref_slice %arg11[%add3A_36, %dma_wait3A_92] : memref<10008x64xf32, #tpu.memory_space<vmem_shared>> -> memref<128x64xf32, #tpu.memory_space<vmem_shared>>
      tpu.wait_dma2 semaphore(%run_scoped3A_73 : memref<!tpu.dma_semaphore, #tpu.memory_space<semaphore_mem>>) src(%dma_wait3A_93 : memref<128x64xf32, #tpu.memory_space<vmem_shared>>) dst(%dma_wait3A_91 : memref<128x64xf32, #tpu.memory_space<vmem>>)
      tpu.yield
    }) : () -> ()
    %mul3A_37 = arith.constant 10000 : i32
    %mul3A_38 = arith.muli %arg0, %mul3A_37 : i32
    %add3A_39 = arith.addi %mul3A_38, %mul3A_0 : i32
    %add3A_40 = arith.constant 0 : i32
    %add3A_41 = arith.addi %add3A_39, %add3A_40 : i32
    "tpu.region"() ({
      %run_scoped3A_73 = tpu.sem_alloc : memref<!tpu.dma_semaphore, #tpu.memory_space<semaphore_mem>>
      %dma_start3A_74 = arith.constant 0 : i32
      %dma_start3A_75 = arith.constant 0 : i32
      %dma_start3A_76 = tpu.memref_slice %arg9[%dma_start3A_74, %dma_start3A_75] : memref<128x64xf32, #tpu.memory_space<vmem>> -> memref<128x64xf32, #tpu.memory_space<vmem>>
      %dma_start3A_77 = arith.constant 0 : i32
      %dma_start3A_78 = tpu.memref_slice %arg6[%add3A_41, %dma_start3A_77] : memref<20000x64xf32, #tpu.memory_space<hbm>> -> memref<128x64xf32, #tpu.memory_space<hbm>>
      %dma_start3A_79 = arith.constant 0 : i32
      %dma_start3A_80 = tpu.memref_slice %arg6[%add3A_41, %dma_start3A_79] : memref<20000x64xf32, #tpu.memory_space<hbm>> -> memref<128x64xf32, #tpu.memory_space<hbm>>
      %dma_start3A_81 = arith.constant 0 : i32
      %dma_start3A_82 = arith.constant 0 : i32
      %dma_start3A_83 = tpu.memref_slice %arg9[%dma_start3A_81, %dma_start3A_82] : memref<128x64xf32, #tpu.memory_space<vmem>> -> memref<128x64xf32, #tpu.memory_space<vmem>>
      tpu.enqueue_dma source(%dma_start3A_83 : memref<128x64xf32, #tpu.memory_space<vmem>>) target(%dma_start3A_80 : memref<128x64xf32, #tpu.memory_space<hbm>>) target_semaphore(%run_scoped3A_73 : memref<!tpu.dma_semaphore, #tpu.memory_space<semaphore_mem>>)
      %dma_wait3A_84 = arith.constant 0 : i32
      %dma_wait3A_85 = arith.constant 0 : i32
      %dma_wait3A_86 = tpu.memref_slice %arg9[%dma_wait3A_84, %dma_wait3A_85] : memref<128x64xf32, #tpu.memory_space<vmem>> -> memref<128x64xf32, #tpu.memory_space<vmem>>
      %dma_wait3A_87 = arith.constant 0 : i32
      %dma_wait3A_88 = tpu.memref_slice %arg6[%add3A_41, %dma_wait3A_87] : memref<20000x64xf32, #tpu.memory_space<hbm>> -> memref<128x64xf32, #tpu.memory_space<hbm>>
      %dma_wait3A_89 = arith.constant 0 : i32
      %dma_wait3A_90 = tpu.memref_slice %arg6[%add3A_41, %dma_wait3A_89] : memref<20000x64xf32, #tpu.memory_space<hbm>> -> memref<128x64xf32, #tpu.memory_space<hbm>>
      %dma_wait3A_91 = arith.constant 0 : i32
      %dma_wait3A_92 = arith.constant 0 : i32
      %dma_wait3A_93 = tpu.memref_slice %arg9[%dma_wait3A_91, %dma_wait3A_92] : memref<128x64xf32, #tpu.memory_space<vmem>> -> memref<128x64xf32, #tpu.memory_space<vmem>>
      tpu.wait_dma2 semaphore(%run_scoped3A_73 : memref<!tpu.dma_semaphore, #tpu.memory_space<semaphore_mem>>) src(%dma_wait3A_93 : memref<128x64xf32, #tpu.memory_space<vmem>>) dst(%dma_wait3A_90 : memref<128x64xf32, #tpu.memory_space<hbm>>)
      tpu.yield
    }) : () -> ()
    %add3A_42 = arith.constant 128 : i32
    %add3A_43 = arith.addi %mul3A_0, %add3A_42 : i32
    "tpu.region"() ({
      %run_scoped3A_73 = tpu.sem_alloc : memref<!tpu.dma_semaphore, #tpu.memory_space<semaphore_mem>>
      %dma_start3A_74 = arith.constant 0 : i32
      %dma_start3A_75 = arith.constant 0 : i32
      %dma_start3A_76 = tpu.memref_slice %arg10[%dma_start3A_74, %dma_start3A_75] : memref<128x64xf32, #tpu.memory_space<vmem>> -> memref<128x64xf32, #tpu.memory_space<vmem>>
      %dma_start3A_77 = arith.constant 0 : i32
      %dma_start3A_78 = tpu.memref_slice %arg11[%add3A_43, %dma_start3A_77] : memref<10008x64xf32, #tpu.memory_space<vmem_shared>> -> memref<128x64xf32, #tpu.memory_space<vmem_shared>>
      %dma_start3A_79 = arith.constant 0 : i32
      %dma_start3A_80 = arith.constant 0 : i32
      %dma_start3A_81 = tpu.memref_slice %arg10[%dma_start3A_79, %dma_start3A_80] : memref<128x64xf32, #tpu.memory_space<vmem>> -> memref<128x64xf32, #tpu.memory_space<vmem>>
      %dma_start3A_82 = arith.constant 0 : i32
      %dma_start3A_83 = tpu.memref_slice %arg11[%add3A_43, %dma_start3A_82] : memref<10008x64xf32, #tpu.memory_space<vmem_shared>> -> memref<128x64xf32, #tpu.memory_space<vmem_shared>>
      tpu.enqueue_dma source(%dma_start3A_83 : memref<128x64xf32, #tpu.memory_space<vmem_shared>>) target(%dma_start3A_81 : memref<128x64xf32, #tpu.memory_space<vmem>>) target_semaphore(%run_scoped3A_73 : memref<!tpu.dma_semaphore, #tpu.memory_space<semaphore_mem>>)
      %dma_wait3A_84 = arith.constant 0 : i32
      %dma_wait3A_85 = arith.constant 0 : i32
      %dma_wait3A_86 = tpu.memref_slice %arg10[%dma_wait3A_84, %dma_wait3A_85] : memref<128x64xf32, #tpu.memory_space<vmem>> -> memref<128x64xf32, #tpu.memory_space<vmem>>
      %dma_wait3A_87 = arith.constant 0 : i32
      %dma_wait3A_88 = tpu.memref_slice %arg11[%add3A_43, %dma_wait3A_87] : memref<10008x64xf32, #tpu.memory_space<vmem_shared>> -> memref<128x64xf32, #tpu.memory_space<vmem_shared>>
      %dma_wait3A_89 = arith.constant 0 : i32
      %dma_wait3A_90 = arith.constant 0 : i32
      %dma_wait3A_91 = tpu.memref_slice %arg10[%dma_wait3A_89, %dma_wait3A_90] : memref<128x64xf32, #tpu.memory_space<vmem>> -> memref<128x64xf32, #tpu.memory_space<vmem>>
      %dma_wait3A_92 = arith.constant 0 : i32
      %dma_wait3A_93 = tpu.memref_slice %arg11[%add3A_43, %dma_wait3A_92] : memref<10008x64xf32, #tpu.memory_space<vmem_shared>> -> memref<128x64xf32, #tpu.memory_space<vmem_shared>>
      tpu.wait_dma2 semaphore(%run_scoped3A_73 : memref<!tpu.dma_semaphore, #tpu.memory_space<semaphore_mem>>) src(%dma_wait3A_93 : memref<128x64xf32, #tpu.memory_space<vmem_shared>>) dst(%dma_wait3A_91 : memref<128x64xf32, #tpu.memory_space<vmem>>)
      tpu.yield
    }) : () -> ()
    %mul3A_44 = arith.constant 10000 : i32
    %mul3A_45 = arith.muli %arg0, %mul3A_44 : i32
    %add3A_46 = arith.addi %mul3A_45, %mul3A_0 : i32
    %add3A_47 = arith.constant 128 : i32
    %add3A_48 = arith.addi %add3A_46, %add3A_47 : i32
    "tpu.region"() ({
      %run_scoped3A_73 = tpu.sem_alloc : memref<!tpu.dma_semaphore, #tpu.memory_space<semaphore_mem>>
      %dma_start3A_74 = arith.constant 0 : i32
      %dma_start3A_75 = arith.constant 0 : i32
      %dma_start3A_76 = tpu.memref_slice %arg10[%dma_start3A_74, %dma_start3A_75] : memref<128x64xf32, #tpu.memory_space<vmem>> -> memref<128x64xf32, #tpu.memory_space<vmem>>
      %dma_start3A_77 = arith.constant 0 : i32
      %dma_start3A_78 = tpu.memref_slice %arg6[%add3A_48, %dma_start3A_77] : memref<20000x64xf32, #tpu.memory_space<hbm>> -> memref<128x64xf32, #tpu.memory_space<hbm>>
      %dma_start3A_79 = arith.constant 0 : i32
      %dma_start3A_80 = tpu.memref_slice %arg6[%add3A_48, %dma_start3A_79] : memref<20000x64xf32, #tpu.memory_space<hbm>> -> memref<128x64xf32, #tpu.memory_space<hbm>>
      %dma_start3A_81 = arith.constant 0 : i32
      %dma_start3A_82 = arith.constant 0 : i32
      %dma_start3A_83 = tpu.memref_slice %arg10[%dma_start3A_81, %dma_start3A_82] : memref<128x64xf32, #tpu.memory_space<vmem>> -> memref<128x64xf32, #tpu.memory_space<vmem>>
      tpu.enqueue_dma source(%dma_start3A_83 : memref<128x64xf32, #tpu.memory_space<vmem>>) target(%dma_start3A_80 : memref<128x64xf32, #tpu.memory_space<hbm>>) target_semaphore(%run_scoped3A_73 : memref<!tpu.dma_semaphore, #tpu.memory_space<semaphore_mem>>)
      %dma_wait3A_84 = arith.constant 0 : i32
      %dma_wait3A_85 = arith.constant 0 : i32
      %dma_wait3A_86 = tpu.memref_slice %arg10[%dma_wait3A_84, %dma_wait3A_85] : memref<128x64xf32, #tpu.memory_space<vmem>> -> memref<128x64xf32, #tpu.memory_space<vmem>>
      %dma_wait3A_87 = arith.constant 0 : i32
      %dma_wait3A_88 = tpu.memref_slice %arg6[%add3A_48, %dma_wait3A_87] : memref<20000x64xf32, #tpu.memory_space<hbm>> -> memref<128x64xf32, #tpu.memory_space<hbm>>
      %dma_wait3A_89 = arith.constant 0 : i32
      %dma_wait3A_90 = tpu.memref_slice %arg6[%add3A_48, %dma_wait3A_89] : memref<20000x64xf32, #tpu.memory_space<hbm>> -> memref<128x64xf32, #tpu.memory_space<hbm>>
      %dma_wait3A_91 = arith.constant 0 : i32
      %dma_wait3A_92 = arith.constant 0 : i32
      %dma_wait3A_93 = tpu.memref_slice %arg10[%dma_wait3A_91, %dma_wait3A_92] : memref<128x64xf32, #tpu.memory_space<vmem>> -> memref<128x64xf32, #tpu.memory_space<vmem>>
      tpu.wait_dma2 semaphore(%run_scoped3A_73 : memref<!tpu.dma_semaphore, #tpu.memory_space<semaphore_mem>>) src(%dma_wait3A_93 : memref<128x64xf32, #tpu.memory_space<vmem>>) dst(%dma_wait3A_90 : memref<128x64xf32, #tpu.memory_space<hbm>>)
      tpu.yield
    }) : () -> ()
    %add3A_49 = arith.constant 256 : i32
    %add3A_50 = arith.addi %mul3A_0, %add3A_49 : i32
    "tpu.region"() ({
      %run_scoped3A_73 = tpu.sem_alloc : memref<!tpu.dma_semaphore, #tpu.memory_space<semaphore_mem>>
      %dma_start3A_74 = arith.constant 0 : i32
      %dma_start3A_75 = arith.constant 0 : i32
      %dma_start3A_76 = tpu.memref_slice %arg9[%dma_start3A_74, %dma_start3A_75] : memref<128x64xf32, #tpu.memory_space<vmem>> -> memref<128x64xf32, #tpu.memory_space<vmem>>
      %dma_start3A_77 = arith.constant 0 : i32
      %dma_start3A_78 = tpu.memref_slice %arg11[%add3A_50, %dma_start3A_77] : memref<10008x64xf32, #tpu.memory_space<vmem_shared>> -> memref<128x64xf32, #tpu.memory_space<vmem_shared>>
      %dma_start3A_79 = arith.constant 0 : i32
      %dma_start3A_80 = arith.constant 0 : i32
      %dma_start3A_81 = tpu.memref_slice %arg9[%dma_start3A_79, %dma_start3A_80] : memref<128x64xf32, #tpu.memory_space<vmem>> -> memref<128x64xf32, #tpu.memory_space<vmem>>
      %dma_start3A_82 = arith.constant 0 : i32
      %dma_start3A_83 = tpu.memref_slice %arg11[%add3A_50, %dma_start3A_82] : memref<10008x64xf32, #tpu.memory_space<vmem_shared>> -> memref<128x64xf32, #tpu.memory_space<vmem_shared>>
      tpu.enqueue_dma source(%dma_start3A_83 : memref<128x64xf32, #tpu.memory_space<vmem_shared>>) target(%dma_start3A_81 : memref<128x64xf32, #tpu.memory_space<vmem>>) target_semaphore(%run_scoped3A_73 : memref<!tpu.dma_semaphore, #tpu.memory_space<semaphore_mem>>)
      %dma_wait3A_84 = arith.constant 0 : i32
      %dma_wait3A_85 = arith.constant 0 : i32
      %dma_wait3A_86 = tpu.memref_slice %arg9[%dma_wait3A_84, %dma_wait3A_85] : memref<128x64xf32, #tpu.memory_space<vmem>> -> memref<128x64xf32, #tpu.memory_space<vmem>>
      %dma_wait3A_87 = arith.constant 0 : i32
      %dma_wait3A_88 = tpu.memref_slice %arg11[%add3A_50, %dma_wait3A_87] : memref<10008x64xf32, #tpu.memory_space<vmem_shared>> -> memref<128x64xf32, #tpu.memory_space<vmem_shared>>
      %dma_wait3A_89 = arith.constant 0 : i32
      %dma_wait3A_90 = arith.constant 0 : i32
      %dma_wait3A_91 = tpu.memref_slice %arg9[%dma_wait3A_89, %dma_wait3A_90] : memref<128x64xf32, #tpu.memory_space<vmem>> -> memref<128x64xf32, #tpu.memory_space<vmem>>
      %dma_wait3A_92 = arith.constant 0 : i32
      %dma_wait3A_93 = tpu.memref_slice %arg11[%add3A_50, %dma_wait3A_92] : memref<10008x64xf32, #tpu.memory_space<vmem_shared>> -> memref<128x64xf32, #tpu.memory_space<vmem_shared>>
      tpu.wait_dma2 semaphore(%run_scoped3A_73 : memref<!tpu.dma_semaphore, #tpu.memory_space<semaphore_mem>>) src(%dma_wait3A_93 : memref<128x64xf32, #tpu.memory_space<vmem_shared>>) dst(%dma_wait3A_91 : memref<128x64xf32, #tpu.memory_space<vmem>>)
      tpu.yield
    }) : () -> ()
    %mul3A_51 = arith.constant 10000 : i32
    %mul3A_52 = arith.muli %arg0, %mul3A_51 : i32
    %add3A_53 = arith.addi %mul3A_52, %mul3A_0 : i32
    %add3A_54 = arith.constant 256 : i32
    %add3A_55 = arith.addi %add3A_53, %add3A_54 : i32
    "tpu.region"() ({
      %run_scoped3A_73 = tpu.sem_alloc : memref<!tpu.dma_semaphore, #tpu.memory_space<semaphore_mem>>
      %dma_start3A_74 = arith.constant 0 : i32
      %dma_start3A_75 = arith.constant 0 : i32
      %dma_start3A_76 = tpu.memref_slice %arg9[%dma_start3A_74, %dma_start3A_75] : memref<128x64xf32, #tpu.memory_space<vmem>> -> memref<128x64xf32, #tpu.memory_space<vmem>>
      %dma_start3A_77 = arith.constant 0 : i32
      %dma_start3A_78 = tpu.memref_slice %arg6[%add3A_55, %dma_start3A_77] : memref<20000x64xf32, #tpu.memory_space<hbm>> -> memref<128x64xf32, #tpu.memory_space<hbm>>
      %dma_start3A_79 = arith.constant 0 : i32
      %dma_start3A_80 = tpu.memref_slice %arg6[%add3A_55, %dma_start3A_79] : memref<20000x64xf32, #tpu.memory_space<hbm>> -> memref<128x64xf32, #tpu.memory_space<hbm>>
      %dma_start3A_81 = arith.constant 0 : i32
      %dma_start3A_82 = arith.constant 0 : i32
      %dma_start3A_83 = tpu.memref_slice %arg9[%dma_start3A_81, %dma_start3A_82] : memref<128x64xf32, #tpu.memory_space<vmem>> -> memref<128x64xf32, #tpu.memory_space<vmem>>
      tpu.enqueue_dma source(%dma_start3A_83 : memref<128x64xf32, #tpu.memory_space<vmem>>) target(%dma_start3A_80 : memref<128x64xf32, #tpu.memory_space<hbm>>) target_semaphore(%run_scoped3A_73 : memref<!tpu.dma_semaphore, #tpu.memory_space<semaphore_mem>>)
      %dma_wait3A_84 = arith.constant 0 : i32
      %dma_wait3A_85 = arith.constant 0 : i32
      %dma_wait3A_86 = tpu.memref_slice %arg9[%dma_wait3A_84, %dma_wait3A_85] : memref<128x64xf32, #tpu.memory_space<vmem>> -> memref<128x64xf32, #tpu.memory_space<vmem>>
      %dma_wait3A_87 = arith.constant 0 : i32
      %dma_wait3A_88 = tpu.memref_slice %arg6[%add3A_55, %dma_wait3A_87] : memref<20000x64xf32, #tpu.memory_space<hbm>> -> memref<128x64xf32, #tpu.memory_space<hbm>>
      %dma_wait3A_89 = arith.constant 0 : i32
      %dma_wait3A_90 = tpu.memref_slice %arg6[%add3A_55, %dma_wait3A_89] : memref<20000x64xf32, #tpu.memory_space<hbm>> -> memref<128x64xf32, #tpu.memory_space<hbm>>
      %dma_wait3A_91 = arith.constant 0 : i32
      %dma_wait3A_92 = arith.constant 0 : i32
      %dma_wait3A_93 = tpu.memref_slice %arg9[%dma_wait3A_91, %dma_wait3A_92] : memref<128x64xf32, #tpu.memory_space<vmem>> -> memref<128x64xf32, #tpu.memory_space<vmem>>
      tpu.wait_dma2 semaphore(%run_scoped3A_73 : memref<!tpu.dma_semaphore, #tpu.memory_space<semaphore_mem>>) src(%dma_wait3A_93 : memref<128x64xf32, #tpu.memory_space<vmem>>) dst(%dma_wait3A_90 : memref<128x64xf32, #tpu.memory_space<hbm>>)
      tpu.yield
    }) : () -> ()
    %add3A_56 = arith.constant 384 : i32
    %add3A_57 = arith.addi %mul3A_0, %add3A_56 : i32
    "tpu.region"() ({
      %run_scoped3A_73 = tpu.sem_alloc : memref<!tpu.dma_semaphore, #tpu.memory_space<semaphore_mem>>
      %dma_start3A_74 = arith.constant 0 : i32
      %dma_start3A_75 = arith.constant 0 : i32
      %dma_start3A_76 = tpu.memref_slice %arg10[%dma_start3A_74, %dma_start3A_75] : memref<128x64xf32, #tpu.memory_space<vmem>> -> memref<128x64xf32, #tpu.memory_space<vmem>>
      %dma_start3A_77 = arith.constant 0 : i32
      %dma_start3A_78 = tpu.memref_slice %arg11[%add3A_57, %dma_start3A_77] : memref<10008x64xf32, #tpu.memory_space<vmem_shared>> -> memref<128x64xf32, #tpu.memory_space<vmem_shared>>
      %dma_start3A_79 = arith.constant 0 : i32
      %dma_start3A_80 = arith.constant 0 : i32
      %dma_start3A_81 = tpu.memref_slice %arg10[%dma_start3A_79, %dma_start3A_80] : memref<128x64xf32, #tpu.memory_space<vmem>> -> memref<128x64xf32, #tpu.memory_space<vmem>>
      %dma_start3A_82 = arith.constant 0 : i32
      %dma_start3A_83 = tpu.memref_slice %arg11[%add3A_57, %dma_start3A_82] : memref<10008x64xf32, #tpu.memory_space<vmem_shared>> -> memref<128x64xf32, #tpu.memory_space<vmem_shared>>
      tpu.enqueue_dma source(%dma_start3A_83 : memref<128x64xf32, #tpu.memory_space<vmem_shared>>) target(%dma_start3A_81 : memref<128x64xf32, #tpu.memory_space<vmem>>) target_semaphore(%run_scoped3A_73 : memref<!tpu.dma_semaphore, #tpu.memory_space<semaphore_mem>>)
      %dma_wait3A_84 = arith.constant 0 : i32
      %dma_wait3A_85 = arith.constant 0 : i32
      %dma_wait3A_86 = tpu.memref_slice %arg10[%dma_wait3A_84, %dma_wait3A_85] : memref<128x64xf32, #tpu.memory_space<vmem>> -> memref<128x64xf32, #tpu.memory_space<vmem>>
      %dma_wait3A_87 = arith.constant 0 : i32
      %dma_wait3A_88 = tpu.memref_slice %arg11[%add3A_57, %dma_wait3A_87] : memref<10008x64xf32, #tpu.memory_space<vmem_shared>> -> memref<128x64xf32, #tpu.memory_space<vmem_shared>>
      %dma_wait3A_89 = arith.constant 0 : i32
      %dma_wait3A_90 = arith.constant 0 : i32
      %dma_wait3A_91 = tpu.memref_slice %arg10[%dma_wait3A_89, %dma_wait3A_90] : memref<128x64xf32, #tpu.memory_space<vmem>> -> memref<128x64xf32, #tpu.memory_space<vmem>>
      %dma_wait3A_92 = arith.constant 0 : i32
      %dma_wait3A_93 = tpu.memref_slice %arg11[%add3A_57, %dma_wait3A_92] : memref<10008x64xf32, #tpu.memory_space<vmem_shared>> -> memref<128x64xf32, #tpu.memory_space<vmem_shared>>
      tpu.wait_dma2 semaphore(%run_scoped3A_73 : memref<!tpu.dma_semaphore, #tpu.memory_space<semaphore_mem>>) src(%dma_wait3A_93 : memref<128x64xf32, #tpu.memory_space<vmem_shared>>) dst(%dma_wait3A_91 : memref<128x64xf32, #tpu.memory_space<vmem>>)
      tpu.yield
    }) : () -> ()
    %mul3A_58 = arith.constant 10000 : i32
    %mul3A_59 = arith.muli %arg0, %mul3A_58 : i32
    %add3A_60 = arith.addi %mul3A_59, %mul3A_0 : i32
    %add3A_61 = arith.constant 384 : i32
    %add3A_62 = arith.addi %add3A_60, %add3A_61 : i32
    "tpu.region"() ({
      %run_scoped3A_73 = tpu.sem_alloc : memref<!tpu.dma_semaphore, #tpu.memory_space<semaphore_mem>>
      %dma_start3A_74 = arith.constant 0 : i32
      %dma_start3A_75 = arith.constant 0 : i32
      %dma_start3A_76 = tpu.memref_slice %arg10[%dma_start3A_74, %dma_start3A_75] : memref<128x64xf32, #tpu.memory_space<vmem>> -> memref<128x64xf32, #tpu.memory_space<vmem>>
      %dma_start3A_77 = arith.constant 0 : i32
      %dma_start3A_78 = tpu.memref_slice %arg6[%add3A_62, %dma_start3A_77] : memref<20000x64xf32, #tpu.memory_space<hbm>> -> memref<128x64xf32, #tpu.memory_space<hbm>>
      %dma_start3A_79 = arith.constant 0 : i32
      %dma_start3A_80 = tpu.memref_slice %arg6[%add3A_62, %dma_start3A_79] : memref<20000x64xf32, #tpu.memory_space<hbm>> -> memref<128x64xf32, #tpu.memory_space<hbm>>
      %dma_start3A_81 = arith.constant 0 : i32
      %dma_start3A_82 = arith.constant 0 : i32
      %dma_start3A_83 = tpu.memref_slice %arg10[%dma_start3A_81, %dma_start3A_82] : memref<128x64xf32, #tpu.memory_space<vmem>> -> memref<128x64xf32, #tpu.memory_space<vmem>>
      tpu.enqueue_dma source(%dma_start3A_83 : memref<128x64xf32, #tpu.memory_space<vmem>>) target(%dma_start3A_80 : memref<128x64xf32, #tpu.memory_space<hbm>>) target_semaphore(%run_scoped3A_73 : memref<!tpu.dma_semaphore, #tpu.memory_space<semaphore_mem>>)
      %dma_wait3A_84 = arith.constant 0 : i32
      %dma_wait3A_85 = arith.constant 0 : i32
      %dma_wait3A_86 = tpu.memref_slice %arg10[%dma_wait3A_84, %dma_wait3A_85] : memref<128x64xf32, #tpu.memory_space<vmem>> -> memref<128x64xf32, #tpu.memory_space<vmem>>
      %dma_wait3A_87 = arith.constant 0 : i32
      %dma_wait3A_88 = tpu.memref_slice %arg6[%add3A_62, %dma_wait3A_87] : memref<20000x64xf32, #tpu.memory_space<hbm>> -> memref<128x64xf32, #tpu.memory_space<hbm>>
      %dma_wait3A_89 = arith.constant 0 : i32
      %dma_wait3A_90 = tpu.memref_slice %arg6[%add3A_62, %dma_wait3A_89] : memref<20000x64xf32, #tpu.memory_space<hbm>> -> memref<128x64xf32, #tpu.memory_space<hbm>>
      %dma_wait3A_91 = arith.constant 0 : i32
      %dma_wait3A_92 = arith.constant 0 : i32
      %dma_wait3A_93 = tpu.memref_slice %arg10[%dma_wait3A_91, %dma_wait3A_92] : memref<128x64xf32, #tpu.memory_space<vmem>> -> memref<128x64xf32, #tpu.memory_space<vmem>>
      tpu.wait_dma2 semaphore(%run_scoped3A_73 : memref<!tpu.dma_semaphore, #tpu.memory_space<semaphore_mem>>) src(%dma_wait3A_93 : memref<128x64xf32, #tpu.memory_space<vmem>>) dst(%dma_wait3A_90 : memref<128x64xf32, #tpu.memory_space<hbm>>)
      tpu.yield
    }) : () -> ()
    %lt3A_63 = arith.constant 15 : i32
    %lt3A_64 = arith.cmpi slt, %arg1, %lt3A_63 : i32
    %convert_element_type3A_65 = arith.extui %lt3A_64 : i1 to i32
    %cond3A_66 = arith.constant 0 : i32
    %cond3A_67 = arith.cmpi ne, %convert_element_type3A_65, %cond3A_66 : i32
    scf.if %cond3A_67 {
      %add3A_73 = arith.constant 512 : i32
      %add3A_74 = arith.addi %mul3A_0, %add3A_73 : i32
      "tpu.region"() ({
        %run_scoped3A_80 = tpu.sem_alloc : memref<!tpu.dma_semaphore, #tpu.memory_space<semaphore_mem>>
        %dma_start3A_81 = arith.constant 0 : i32
        %dma_start3A_82 = arith.constant 0 : i32
        %dma_start3A_83 = tpu.memref_slice %arg9[%dma_start3A_81, %dma_start3A_82] : memref<128x64xf32, #tpu.memory_space<vmem>> -> memref<120x64xf32, #tpu.memory_space<vmem>>
        %dma_start3A_84 = arith.constant 0 : i32
        %dma_start3A_85 = tpu.memref_slice %arg11[%add3A_74, %dma_start3A_84] : memref<10008x64xf32, #tpu.memory_space<vmem_shared>> -> memref<120x64xf32, #tpu.memory_space<vmem_shared>>
        %dma_start3A_86 = arith.constant 0 : i32
        %dma_start3A_87 = arith.constant 0 : i32
        %dma_start3A_88 = tpu.memref_slice %arg9[%dma_start3A_86, %dma_start3A_87] : memref<128x64xf32, #tpu.memory_space<vmem>> -> memref<120x64xf32, #tpu.memory_space<vmem>>
        %dma_start3A_89 = arith.constant 0 : i32
        %dma_start3A_90 = tpu.memref_slice %arg11[%add3A_74, %dma_start3A_89] : memref<10008x64xf32, #tpu.memory_space<vmem_shared>> -> memref<120x64xf32, #tpu.memory_space<vmem_shared>>
        tpu.enqueue_dma source(%dma_start3A_90 : memref<120x64xf32, #tpu.memory_space<vmem_shared>>) target(%dma_start3A_88 : memref<120x64xf32, #tpu.memory_space<vmem>>) target_semaphore(%run_scoped3A_80 : memref<!tpu.dma_semaphore, #tpu.memory_space<semaphore_mem>>)
        %dma_wait3A_91 = arith.constant 0 : i32
        %dma_wait3A_92 = arith.constant 0 : i32
        %dma_wait3A_93 = tpu.memref_slice %arg9[%dma_wait3A_91, %dma_wait3A_92] : memref<128x64xf32, #tpu.memory_space<vmem>> -> memref<120x64xf32, #tpu.memory_space<vmem>>
        %dma_wait3A_94 = arith.constant 0 : i32
        %dma_wait3A_95 = tpu.memref_slice %arg11[%add3A_74, %dma_wait3A_94] : memref<10008x64xf32, #tpu.memory_space<vmem_shared>> -> memref<120x64xf32, #tpu.memory_space<vmem_shared>>
        %dma_wait3A_96 = arith.constant 0 : i32
        %dma_wait3A_97 = arith.constant 0 : i32
        %dma_wait3A_98 = tpu.memref_slice %arg9[%dma_wait3A_96, %dma_wait3A_97] : memref<128x64xf32, #tpu.memory_space<vmem>> -> memref<120x64xf32, #tpu.memory_space<vmem>>
        %dma_wait3A_99 = arith.constant 0 : i32
        %dma_wait3A_100 = tpu.memref_slice %arg11[%add3A_74, %dma_wait3A_99] : memref<10008x64xf32, #tpu.memory_space<vmem_shared>> -> memref<120x64xf32, #tpu.memory_space<vmem_shared>>
        tpu.wait_dma2 semaphore(%run_scoped3A_80 : memref<!tpu.dma_semaphore, #tpu.memory_space<semaphore_mem>>) src(%dma_wait3A_100 : memref<120x64xf32, #tpu.memory_space<vmem_shared>>) dst(%dma_wait3A_98 : memref<120x64xf32, #tpu.memory_space<vmem>>)
        tpu.yield
      }) : () -> ()
      %mul3A_75 = arith.constant 10000 : i32
      %mul3A_76 = arith.muli %arg0, %mul3A_75 : i32
      %add3A_77 = arith.addi %mul3A_76, %mul3A_0 : i32
      %add3A_78 = arith.constant 512 : i32
      %add3A_79 = arith.addi %add3A_77, %add3A_78 : i32
      "tpu.region"() ({
        %run_scoped3A_80 = tpu.sem_alloc : memref<!tpu.dma_semaphore, #tpu.memory_space<semaphore_mem>>
        %dma_start3A_81 = arith.constant 0 : i32
        %dma_start3A_82 = arith.constant 0 : i32
        %dma_start3A_83 = tpu.memref_slice %arg9[%dma_start3A_81, %dma_start3A_82] : memref<128x64xf32, #tpu.memory_space<vmem>> -> memref<120x64xf32, #tpu.memory_space<vmem>>
        %dma_start3A_84 = arith.constant 0 : i32
        %dma_start3A_85 = tpu.memref_slice %arg6[%add3A_79, %dma_start3A_84] : memref<20000x64xf32, #tpu.memory_space<hbm>> -> memref<120x64xf32, #tpu.memory_space<hbm>>
        %dma_start3A_86 = arith.constant 0 : i32
        %dma_start3A_87 = tpu.memref_slice %arg6[%add3A_79, %dma_start3A_86] : memref<20000x64xf32, #tpu.memory_space<hbm>> -> memref<120x64xf32, #tpu.memory_space<hbm>>
        %dma_start3A_88 = arith.constant 0 : i32
        %dma_start3A_89 = arith.constant 0 : i32
        %dma_start3A_90 = tpu.memref_slice %arg9[%dma_start3A_88, %dma_start3A_89] : memref<128x64xf32, #tpu.memory_space<vmem>> -> memref<120x64xf32, #tpu.memory_space<vmem>>
        tpu.enqueue_dma source(%dma_start3A_90 : memref<120x64xf32, #tpu.memory_space<vmem>>) target(%dma_start3A_87 : memref<120x64xf32, #tpu.memory_space<hbm>>) target_semaphore(%run_scoped3A_80 : memref<!tpu.dma_semaphore, #tpu.memory_space<semaphore_mem>>)
        %dma_wait3A_91 = arith.constant 0 : i32
        %dma_wait3A_92 = arith.constant 0 : i32
        %dma_wait3A_93 = tpu.memref_slice %arg9[%dma_wait3A_91, %dma_wait3A_92] : memref<128x64xf32, #tpu.memory_space<vmem>> -> memref<120x64xf32, #tpu.memory_space<vmem>>
        %dma_wait3A_94 = arith.constant 0 : i32
        %dma_wait3A_95 = tpu.memref_slice %arg6[%add3A_79, %dma_wait3A_94] : memref<20000x64xf32, #tpu.memory_space<hbm>> -> memref<120x64xf32, #tpu.memory_space<hbm>>
        %dma_wait3A_96 = arith.constant 0 : i32
        %dma_wait3A_97 = tpu.memref_slice %arg6[%add3A_79, %dma_wait3A_96] : memref<20000x64xf32, #tpu.memory_space<hbm>> -> memref<120x64xf32, #tpu.memory_space<hbm>>
        %dma_wait3A_98 = arith.constant 0 : i32
        %dma_wait3A_99 = arith.constant 0 : i32
        %dma_wait3A_100 = tpu.memref_slice %arg9[%dma_wait3A_98, %dma_wait3A_99] : memref<128x64xf32, #tpu.memory_space<vmem>> -> memref<120x64xf32, #tpu.memory_space<vmem>>
        tpu.wait_dma2 semaphore(%run_scoped3A_80 : memref<!tpu.dma_semaphore, #tpu.memory_space<semaphore_mem>>) src(%dma_wait3A_100 : memref<120x64xf32, #tpu.memory_space<vmem>>) dst(%dma_wait3A_97 : memref<120x64xf32, #tpu.memory_space<hbm>>)
        tpu.yield
      }) : () -> ()
    } else {
    }
    %eq3A_68 = arith.constant 15 : i32
    %eq3A_69 = arith.cmpi eq, %arg1, %eq3A_68 : i32
    %convert_element_type3A_70 = arith.extui %eq3A_69 : i1 to i32
    %cond3A_71 = arith.constant 0 : i32
    %cond3A_72 = arith.cmpi ne, %convert_element_type3A_70, %cond3A_71 : i32
    scf.if %cond3A_72 {
      %add3A_73 = arith.constant 512 : i32
      %add3A_74 = arith.addi %mul3A_0, %add3A_73 : i32
      "tpu.region"() ({
        %run_scoped3A_80 = tpu.sem_alloc : memref<!tpu.dma_semaphore, #tpu.memory_space<semaphore_mem>>
        %dma_start3A_81 = arith.constant 0 : i32
        %dma_start3A_82 = arith.constant 0 : i32
        %dma_start3A_83 = tpu.memref_slice %arg9[%dma_start3A_81, %dma_start3A_82] : memref<128x64xf32, #tpu.memory_space<vmem>> -> memref<8x64xf32, #tpu.memory_space<vmem>>
        %dma_start3A_84 = arith.constant 0 : i32
        %dma_start3A_85 = tpu.memref_slice %arg11[%add3A_74, %dma_start3A_84] : memref<10008x64xf32, #tpu.memory_space<vmem_shared>> -> memref<8x64xf32, #tpu.memory_space<vmem_shared>>
        %dma_start3A_86 = arith.constant 0 : i32
        %dma_start3A_87 = arith.constant 0 : i32
        %dma_start3A_88 = tpu.memref_slice %arg9[%dma_start3A_86, %dma_start3A_87] : memref<128x64xf32, #tpu.memory_space<vmem>> -> memref<8x64xf32, #tpu.memory_space<vmem>>
        %dma_start3A_89 = arith.constant 0 : i32
        %dma_start3A_90 = tpu.memref_slice %arg11[%add3A_74, %dma_start3A_89] : memref<10008x64xf32, #tpu.memory_space<vmem_shared>> -> memref<8x64xf32, #tpu.memory_space<vmem_shared>>
        tpu.enqueue_dma source(%dma_start3A_90 : memref<8x64xf32, #tpu.memory_space<vmem_shared>>) target(%dma_start3A_88 : memref<8x64xf32, #tpu.memory_space<vmem>>) target_semaphore(%run_scoped3A_80 : memref<!tpu.dma_semaphore, #tpu.memory_space<semaphore_mem>>)
        %dma_wait3A_91 = arith.constant 0 : i32
        %dma_wait3A_92 = arith.constant 0 : i32
        %dma_wait3A_93 = tpu.memref_slice %arg9[%dma_wait3A_91, %dma_wait3A_92] : memref<128x64xf32, #tpu.memory_space<vmem>> -> memref<8x64xf32, #tpu.memory_space<vmem>>
        %dma_wait3A_94 = arith.constant 0 : i32
        %dma_wait3A_95 = tpu.memref_slice %arg11[%add3A_74, %dma_wait3A_94] : memref<10008x64xf32, #tpu.memory_space<vmem_shared>> -> memref<8x64xf32, #tpu.memory_space<vmem_shared>>
        %dma_wait3A_96 = arith.constant 0 : i32
        %dma_wait3A_97 = arith.constant 0 : i32
        %dma_wait3A_98 = tpu.memref_slice %arg9[%dma_wait3A_96, %dma_wait3A_97] : memref<128x64xf32, #tpu.memory_space<vmem>> -> memref<8x64xf32, #tpu.memory_space<vmem>>
        %dma_wait3A_99 = arith.constant 0 : i32
        %dma_wait3A_100 = tpu.memref_slice %arg11[%add3A_74, %dma_wait3A_99] : memref<10008x64xf32, #tpu.memory_space<vmem_shared>> -> memref<8x64xf32, #tpu.memory_space<vmem_shared>>
        tpu.wait_dma2 semaphore(%run_scoped3A_80 : memref<!tpu.dma_semaphore, #tpu.memory_space<semaphore_mem>>) src(%dma_wait3A_100 : memref<8x64xf32, #tpu.memory_space<vmem_shared>>) dst(%dma_wait3A_98 : memref<8x64xf32, #tpu.memory_space<vmem>>)
        tpu.yield
      }) : () -> ()
      %mul3A_75 = arith.constant 10000 : i32
      %mul3A_76 = arith.muli %arg0, %mul3A_75 : i32
      %add3A_77 = arith.addi %mul3A_76, %mul3A_0 : i32
      %add3A_78 = arith.constant 512 : i32
      %add3A_79 = arith.addi %add3A_77, %add3A_78 : i32
      "tpu.region"() ({
        %run_scoped3A_80 = tpu.sem_alloc : memref<!tpu.dma_semaphore, #tpu.memory_space<semaphore_mem>>
        %dma_start3A_81 = arith.constant 0 : i32
        %dma_start3A_82 = arith.constant 0 : i32
        %dma_start3A_83 = tpu.memref_slice %arg9[%dma_start3A_81, %dma_start3A_82] : memref<128x64xf32, #tpu.memory_space<vmem>> -> memref<8x64xf32, #tpu.memory_space<vmem>>
        %dma_start3A_84 = arith.constant 0 : i32
        %dma_start3A_85 = tpu.memref_slice %arg6[%add3A_79, %dma_start3A_84] : memref<20000x64xf32, #tpu.memory_space<hbm>> -> memref<8x64xf32, #tpu.memory_space<hbm>>
        %dma_start3A_86 = arith.constant 0 : i32
        %dma_start3A_87 = tpu.memref_slice %arg6[%add3A_79, %dma_start3A_86] : memref<20000x64xf32, #tpu.memory_space<hbm>> -> memref<8x64xf32, #tpu.memory_space<hbm>>
        %dma_start3A_88 = arith.constant 0 : i32
        %dma_start3A_89 = arith.constant 0 : i32
        %dma_start3A_90 = tpu.memref_slice %arg9[%dma_start3A_88, %dma_start3A_89] : memref<128x64xf32, #tpu.memory_space<vmem>> -> memref<8x64xf32, #tpu.memory_space<vmem>>
        tpu.enqueue_dma source(%dma_start3A_90 : memref<8x64xf32, #tpu.memory_space<vmem>>) target(%dma_start3A_87 : memref<8x64xf32, #tpu.memory_space<hbm>>) target_semaphore(%run_scoped3A_80 : memref<!tpu.dma_semaphore, #tpu.memory_space<semaphore_mem>>)
        %dma_wait3A_91 = arith.constant 0 : i32
        %dma_wait3A_92 = arith.constant 0 : i32
        %dma_wait3A_93 = tpu.memref_slice %arg9[%dma_wait3A_91, %dma_wait3A_92] : memref<128x64xf32, #tpu.memory_space<vmem>> -> memref<8x64xf32, #tpu.memory_space<vmem>>
        %dma_wait3A_94 = arith.constant 0 : i32
        %dma_wait3A_95 = tpu.memref_slice %arg6[%add3A_79, %dma_wait3A_94] : memref<20000x64xf32, #tpu.memory_space<hbm>> -> memref<8x64xf32, #tpu.memory_space<hbm>>
        %dma_wait3A_96 = arith.constant 0 : i32
        %dma_wait3A_97 = tpu.memref_slice %arg6[%add3A_79, %dma_wait3A_96] : memref<20000x64xf32, #tpu.memory_space<hbm>> -> memref<8x64xf32, #tpu.memory_space<hbm>>
        %dma_wait3A_98 = arith.constant 0 : i32
        %dma_wait3A_99 = arith.constant 0 : i32
        %dma_wait3A_100 = tpu.memref_slice %arg9[%dma_wait3A_98, %dma_wait3A_99] : memref<128x64xf32, #tpu.memory_space<vmem>> -> memref<8x64xf32, #tpu.memory_space<vmem>>
        tpu.wait_dma2 semaphore(%run_scoped3A_80 : memref<!tpu.dma_semaphore, #tpu.memory_space<semaphore_mem>>) src(%dma_wait3A_100 : memref<8x64xf32, #tpu.memory_space<vmem>>) dst(%dma_wait3A_97 : memref<8x64xf32, #tpu.memory_space<hbm>>)
        tpu.yield
      }) : () -> ()
    } else {
    }
    return
  }
}

#map = affine_map<(d0, d1) -> (0, 0)>
#map1 = affine_map<(d0, d1) -> (0, 0, 0)>
module attributes {stable_mosaic.version = 14 : i64} {
  func.func @seg(%arg0: i32, %arg1: i32, %arg2: memref<20000x64xf32, #tpu.memory_space<hbm>>, %arg3: memref<32x157x128xi32, #tpu.memory_space<hbm>>, %arg4: memref<16x157x128xi32, #tpu.memory_space<hbm>>, %arg5: memref<128x64xf32, #tpu.memory_space<hbm>>, %arg6: memref<20000x64xf32, #tpu.memory_space<hbm>>, %arg7: memref<157x128xi32, #tpu.memory_space<vmem>>, %arg8: memref<157x128xi32, #tpu.memory_space<vmem>>, %arg9: memref<128x64xf32, #tpu.memory_space<vmem>>, %arg10: memref<128x64xf32, #tpu.memory_space<vmem>>, %arg11: memref<10008x64xf32, #tpu.memory_space<vmem_shared>>, %arg12: memref<!tpu.dma_semaphore, #tpu.memory_space<semaphore_mem>>, %arg13: memref<!tpu.dma_semaphore, #tpu.memory_space<semaphore_mem>>) attributes {dimension_semantics = [#tpu.dimension_semantics<core_parallel>, #tpu.dimension_semantics<subcore_parallel>], iteration_bounds = array<i64: 2, 16>, scalar_prefetch = 0 : i64, scratch_operands = 7 : i64, tpu.core_type = #tpu.core_type<sc_vector_subcore>, window_params = [{transform_indices = #map}, {transform_indices = #map1}, {transform_indices = #map1}, {transform_indices = #map}, {transform_indices = #map}]} {
    %mul3A = arith.constant 632 : i32
    %mul3A_0 = arith.muli %arg1, %mul3A : i32
    %mul3A_1 = arith.constant 16 : i32
    %mul3A_2 = arith.muli %arg0, %mul3A_1 : i32
    %add3A = arith.addi %mul3A_2, %arg1 : i32
    "tpu.region"() ({
      %run_scoped3A_73 = tpu.sem_alloc : memref<!tpu.dma_semaphore, #tpu.memory_space<semaphore_mem>>
      %dma_start3A_74 = arith.constant 0 : i32
      %dma_start3A_75 = arith.constant 0 : i32
      %dma_start3A_76 = tpu.memref_slice %arg3[%add3A, %dma_start3A_74, %dma_start3A_75] : memref<32x157x128xi32, #tpu.memory_space<hbm>> -> memref<1x157x128xi32, #tpu.memory_space<hbm>>
      %dma_start3A_77 = tpu.memref_squeeze %dma_start3A_76 : memref<1x157x128xi32, #tpu.memory_space<hbm>> -> memref<157x128xi32, #tpu.memory_space<hbm>>
      %dma_start3A_78 = arith.constant 0 : i32
      %dma_start3A_79 = arith.constant 0 : i32
      %dma_start3A_80 = tpu.memref_slice %arg3[%add3A, %dma_start3A_78, %dma_start3A_79] : memref<32x157x128xi32, #tpu.memory_space<hbm>> -> memref<1x157x128xi32, #tpu.memory_space<hbm>>
      %dma_start3A_81 = tpu.memref_squeeze %dma_start3A_80 : memref<1x157x128xi32, #tpu.memory_space<hbm>> -> memref<157x128xi32, #tpu.memory_space<hbm>>
      tpu.enqueue_dma source(%dma_start3A_81 : memref<157x128xi32, #tpu.memory_space<hbm>>) target(%arg7 : memref<157x128xi32, #tpu.memory_space<vmem>>) target_semaphore(%run_scoped3A_73 : memref<!tpu.dma_semaphore, #tpu.memory_space<semaphore_mem>>)
      %dma_wait3A_82 = arith.constant 0 : i32
      %dma_wait3A_83 = arith.constant 0 : i32
      %dma_wait3A_84 = tpu.memref_slice %arg3[%add3A, %dma_wait3A_82, %dma_wait3A_83] : memref<32x157x128xi32, #tpu.memory_space<hbm>> -> memref<1x157x128xi32, #tpu.memory_space<hbm>>
      %dma_wait3A_85 = tpu.memref_squeeze %dma_wait3A_84 : memref<1x157x128xi32, #tpu.memory_space<hbm>> -> memref<157x128xi32, #tpu.memory_space<hbm>>
      %dma_wait3A_86 = arith.constant 0 : i32
      %dma_wait3A_87 = arith.constant 0 : i32
      %dma_wait3A_88 = tpu.memref_slice %arg3[%add3A, %dma_wait3A_86, %dma_wait3A_87] : memref<32x157x128xi32, #tpu.memory_space<hbm>> -> memref<1x157x128xi32, #tpu.memory_space<hbm>>
      %dma_wait3A_89 = tpu.memref_squeeze %dma_wait3A_88 : memref<1x157x128xi32, #tpu.memory_space<hbm>> -> memref<157x128xi32, #tpu.memory_space<hbm>>
      tpu.wait_dma2 semaphore(%run_scoped3A_73 : memref<!tpu.dma_semaphore, #tpu.memory_space<semaphore_mem>>) src(%dma_wait3A_89 : memref<157x128xi32, #tpu.memory_space<hbm>>) dst(%arg7 : memref<157x128xi32, #tpu.memory_space<vmem>>)
      tpu.yield
    }) : () -> ()
    "tpu.region"() ({
      %run_scoped3A_73 = tpu.sem_alloc : memref<!tpu.dma_semaphore, #tpu.memory_space<semaphore_mem>>
      %dma_start3A_74 = arith.constant 0 : i32
      %dma_start3A_75 = arith.constant 0 : i32
      %dma_start3A_76 = tpu.memref_slice %arg4[%arg1, %dma_start3A_74, %dma_start3A_75] : memref<16x157x128xi32, #tpu.memory_space<hbm>> -> memref<1x157x128xi32, #tpu.memory_space<hbm>>
      %dma_start3A_77 = tpu.memref_squeeze %dma_start3A_76 : memref<1x157x128xi32, #tpu.memory_space<hbm>> -> memref<157x128xi32, #tpu.memory_space<hbm>>
      %dma_start3A_78 = arith.constant 0 : i32
      %dma_start3A_79 = arith.constant 0 : i32
      %dma_start3A_80 = tpu.memref_slice %arg4[%arg1, %dma_start3A_78, %dma_start3A_79] : memref<16x157x128xi32, #tpu.memory_space<hbm>> -> memref<1x157x128xi32, #tpu.memory_space<hbm>>
      %dma_start3A_81 = tpu.memref_squeeze %dma_start3A_80 : memref<1x157x128xi32, #tpu.memory_space<hbm>> -> memref<157x128xi32, #tpu.memory_space<hbm>>
      tpu.enqueue_dma source(%dma_start3A_81 : memref<157x128xi32, #tpu.memory_space<hbm>>) target(%arg8 : memref<157x128xi32, #tpu.memory_space<vmem>>) target_semaphore(%run_scoped3A_73 : memref<!tpu.dma_semaphore, #tpu.memory_space<semaphore_mem>>)
      %dma_wait3A_82 = arith.constant 0 : i32
      %dma_wait3A_83 = arith.constant 0 : i32
      %dma_wait3A_84 = tpu.memref_slice %arg4[%arg1, %dma_wait3A_82, %dma_wait3A_83] : memref<16x157x128xi32, #tpu.memory_space<hbm>> -> memref<1x157x128xi32, #tpu.memory_space<hbm>>
      %dma_wait3A_85 = tpu.memref_squeeze %dma_wait3A_84 : memref<1x157x128xi32, #tpu.memory_space<hbm>> -> memref<157x128xi32, #tpu.memory_space<hbm>>
      %dma_wait3A_86 = arith.constant 0 : i32
      %dma_wait3A_87 = arith.constant 0 : i32
      %dma_wait3A_88 = tpu.memref_slice %arg4[%arg1, %dma_wait3A_86, %dma_wait3A_87] : memref<16x157x128xi32, #tpu.memory_space<hbm>> -> memref<1x157x128xi32, #tpu.memory_space<hbm>>
      %dma_wait3A_89 = tpu.memref_squeeze %dma_wait3A_88 : memref<1x157x128xi32, #tpu.memory_space<hbm>> -> memref<157x128xi32, #tpu.memory_space<hbm>>
      tpu.wait_dma2 semaphore(%run_scoped3A_73 : memref<!tpu.dma_semaphore, #tpu.memory_space<semaphore_mem>>) src(%dma_wait3A_89 : memref<157x128xi32, #tpu.memory_space<hbm>>) dst(%arg8 : memref<157x128xi32, #tpu.memory_space<vmem>>)
      tpu.yield
    }) : () -> ()
    "tpu.region"() ({
      %run_scoped3A_73 = tpu.sem_alloc : memref<!tpu.dma_semaphore, #tpu.memory_space<semaphore_mem>>
      tpu.enqueue_dma source(%arg5 : memref<128x64xf32, #tpu.memory_space<hbm>>) target(%arg9 : memref<128x64xf32, #tpu.memory_space<vmem>>) target_semaphore(%run_scoped3A_73 : memref<!tpu.dma_semaphore, #tpu.memory_space<semaphore_mem>>)
      tpu.wait_dma2 semaphore(%run_scoped3A_73 : memref<!tpu.dma_semaphore, #tpu.memory_space<semaphore_mem>>) src(%arg5 : memref<128x64xf32, #tpu.memory_space<hbm>>) dst(%arg9 : memref<128x64xf32, #tpu.memory_space<vmem>>)
      tpu.yield
    }) : () -> ()
    %add3A_3 = arith.constant 0 : i32
    %add3A_4 = arith.addi %mul3A_0, %add3A_3 : i32
    "tpu.region"() ({
      %run_scoped3A_73 = tpu.sem_alloc : memref<!tpu.dma_semaphore, #tpu.memory_space<semaphore_mem>>
      %dma_start3A_74 = arith.constant 0 : i32
      %dma_start3A_75 = tpu.memref_slice %arg11[%add3A_4, %dma_start3A_74] : memref<10008x64xf32, #tpu.memory_space<vmem_shared>> -> memref<128x64xf32, #tpu.memory_space<vmem_shared>>
      %dma_start3A_76 = arith.constant 0 : i32
      %dma_start3A_77 = tpu.memref_slice %arg11[%add3A_4, %dma_start3A_76] : memref<10008x64xf32, #tpu.memory_space<vmem_shared>> -> memref<128x64xf32, #tpu.memory_space<vmem_shared>>
      tpu.enqueue_dma source(%arg9 : memref<128x64xf32, #tpu.memory_space<vmem>>) target(%dma_start3A_77 : memref<128x64xf32, #tpu.memory_space<vmem_shared>>) target_semaphore(%run_scoped3A_73 : memref<!tpu.dma_semaphore, #tpu.memory_space<semaphore_mem>>)
      %dma_wait3A_78 = arith.constant 0 : i32
      %dma_wait3A_79 = tpu.memref_slice %arg11[%add3A_4, %dma_wait3A_78] : memref<10008x64xf32, #tpu.memory_space<vmem_shared>> -> memref<128x64xf32, #tpu.memory_space<vmem_shared>>
      %dma_wait3A_80 = arith.constant 0 : i32
      %dma_wait3A_81 = tpu.memref_slice %arg11[%add3A_4, %dma_wait3A_80] : memref<10008x64xf32, #tpu.memory_space<vmem_shared>> -> memref<128x64xf32, #tpu.memory_space<vmem_shared>>
      tpu.wait_dma2 semaphore(%run_scoped3A_73 : memref<!tpu.dma_semaphore, #tpu.memory_space<semaphore_mem>>) src(%arg9 : memref<128x64xf32, #tpu.memory_space<vmem>>) dst(%dma_wait3A_81 : memref<128x64xf32, #tpu.memory_space<vmem_shared>>)
      tpu.yield
    }) : () -> ()
    %add3A_5 = arith.constant 128 : i32
    %add3A_6 = arith.addi %mul3A_0, %add3A_5 : i32
    "tpu.region"() ({
      %run_scoped3A_73 = tpu.sem_alloc : memref<!tpu.dma_semaphore, #tpu.memory_space<semaphore_mem>>
      %dma_start3A_74 = arith.constant 0 : i32
      %dma_start3A_75 = tpu.memref_slice %arg11[%add3A_6, %dma_start3A_74] : memref<10008x64xf32, #tpu.memory_space<vmem_shared>> -> memref<128x64xf32, #tpu.memory_space<vmem_shared>>
      %dma_start3A_76 = arith.constant 0 : i32
      %dma_start3A_77 = tpu.memref_slice %arg11[%add3A_6, %dma_start3A_76] : memref<10008x64xf32, #tpu.memory_space<vmem_shared>> -> memref<128x64xf32, #tpu.memory_space<vmem_shared>>
      tpu.enqueue_dma source(%arg9 : memref<128x64xf32, #tpu.memory_space<vmem>>) target(%dma_start3A_77 : memref<128x64xf32, #tpu.memory_space<vmem_shared>>) target_semaphore(%run_scoped3A_73 : memref<!tpu.dma_semaphore, #tpu.memory_space<semaphore_mem>>)
      %dma_wait3A_78 = arith.constant 0 : i32
      %dma_wait3A_79 = tpu.memref_slice %arg11[%add3A_6, %dma_wait3A_78] : memref<10008x64xf32, #tpu.memory_space<vmem_shared>> -> memref<128x64xf32, #tpu.memory_space<vmem_shared>>
      %dma_wait3A_80 = arith.constant 0 : i32
      %dma_wait3A_81 = tpu.memref_slice %arg11[%add3A_6, %dma_wait3A_80] : memref<10008x64xf32, #tpu.memory_space<vmem_shared>> -> memref<128x64xf32, #tpu.memory_space<vmem_shared>>
      tpu.wait_dma2 semaphore(%run_scoped3A_73 : memref<!tpu.dma_semaphore, #tpu.memory_space<semaphore_mem>>) src(%arg9 : memref<128x64xf32, #tpu.memory_space<vmem>>) dst(%dma_wait3A_81 : memref<128x64xf32, #tpu.memory_space<vmem_shared>>)
      tpu.yield
    }) : () -> ()
    %add3A_7 = arith.constant 256 : i32
    %add3A_8 = arith.addi %mul3A_0, %add3A_7 : i32
    "tpu.region"() ({
      %run_scoped3A_73 = tpu.sem_alloc : memref<!tpu.dma_semaphore, #tpu.memory_space<semaphore_mem>>
      %dma_start3A_74 = arith.constant 0 : i32
      %dma_start3A_75 = tpu.memref_slice %arg11[%add3A_8, %dma_start3A_74] : memref<10008x64xf32, #tpu.memory_space<vmem_shared>> -> memref<128x64xf32, #tpu.memory_space<vmem_shared>>
      %dma_start3A_76 = arith.constant 0 : i32
      %dma_start3A_77 = tpu.memref_slice %arg11[%add3A_8, %dma_start3A_76] : memref<10008x64xf32, #tpu.memory_space<vmem_shared>> -> memref<128x64xf32, #tpu.memory_space<vmem_shared>>
      tpu.enqueue_dma source(%arg9 : memref<128x64xf32, #tpu.memory_space<vmem>>) target(%dma_start3A_77 : memref<128x64xf32, #tpu.memory_space<vmem_shared>>) target_semaphore(%run_scoped3A_73 : memref<!tpu.dma_semaphore, #tpu.memory_space<semaphore_mem>>)
      %dma_wait3A_78 = arith.constant 0 : i32
      %dma_wait3A_79 = tpu.memref_slice %arg11[%add3A_8, %dma_wait3A_78] : memref<10008x64xf32, #tpu.memory_space<vmem_shared>> -> memref<128x64xf32, #tpu.memory_space<vmem_shared>>
      %dma_wait3A_80 = arith.constant 0 : i32
      %dma_wait3A_81 = tpu.memref_slice %arg11[%add3A_8, %dma_wait3A_80] : memref<10008x64xf32, #tpu.memory_space<vmem_shared>> -> memref<128x64xf32, #tpu.memory_space<vmem_shared>>
      tpu.wait_dma2 semaphore(%run_scoped3A_73 : memref<!tpu.dma_semaphore, #tpu.memory_space<semaphore_mem>>) src(%arg9 : memref<128x64xf32, #tpu.memory_space<vmem>>) dst(%dma_wait3A_81 : memref<128x64xf32, #tpu.memory_space<vmem_shared>>)
      tpu.yield
    }) : () -> ()
    %add3A_9 = arith.constant 384 : i32
    %add3A_10 = arith.addi %mul3A_0, %add3A_9 : i32
    "tpu.region"() ({
      %run_scoped3A_73 = tpu.sem_alloc : memref<!tpu.dma_semaphore, #tpu.memory_space<semaphore_mem>>
      %dma_start3A_74 = arith.constant 0 : i32
      %dma_start3A_75 = tpu.memref_slice %arg11[%add3A_10, %dma_start3A_74] : memref<10008x64xf32, #tpu.memory_space<vmem_shared>> -> memref<128x64xf32, #tpu.memory_space<vmem_shared>>
      %dma_start3A_76 = arith.constant 0 : i32
      %dma_start3A_77 = tpu.memref_slice %arg11[%add3A_10, %dma_start3A_76] : memref<10008x64xf32, #tpu.memory_space<vmem_shared>> -> memref<128x64xf32, #tpu.memory_space<vmem_shared>>
      tpu.enqueue_dma source(%arg9 : memref<128x64xf32, #tpu.memory_space<vmem>>) target(%dma_start3A_77 : memref<128x64xf32, #tpu.memory_space<vmem_shared>>) target_semaphore(%run_scoped3A_73 : memref<!tpu.dma_semaphore, #tpu.memory_space<semaphore_mem>>)
      %dma_wait3A_78 = arith.constant 0 : i32
      %dma_wait3A_79 = tpu.memref_slice %arg11[%add3A_10, %dma_wait3A_78] : memref<10008x64xf32, #tpu.memory_space<vmem_shared>> -> memref<128x64xf32, #tpu.memory_space<vmem_shared>>
      %dma_wait3A_80 = arith.constant 0 : i32
      %dma_wait3A_81 = tpu.memref_slice %arg11[%add3A_10, %dma_wait3A_80] : memref<10008x64xf32, #tpu.memory_space<vmem_shared>> -> memref<128x64xf32, #tpu.memory_space<vmem_shared>>
      tpu.wait_dma2 semaphore(%run_scoped3A_73 : memref<!tpu.dma_semaphore, #tpu.memory_space<semaphore_mem>>) src(%arg9 : memref<128x64xf32, #tpu.memory_space<vmem>>) dst(%dma_wait3A_81 : memref<128x64xf32, #tpu.memory_space<vmem_shared>>)
      tpu.yield
    }) : () -> ()
    %lt3A = arith.constant 15 : i32
    %lt3A_11 = arith.cmpi slt, %arg1, %lt3A : i32
    %convert_element_type3A = arith.extui %lt3A_11 : i1 to i32
    %cond3A = arith.constant 0 : i32
    %cond3A_12 = arith.cmpi ne, %convert_element_type3A, %cond3A : i32
    scf.if %cond3A_12 {
      %add3A_73 = arith.constant 512 : i32
      %add3A_74 = arith.addi %mul3A_0, %add3A_73 : i32
      "tpu.region"() ({
        %run_scoped3A_75 = tpu.sem_alloc : memref<!tpu.dma_semaphore, #tpu.memory_space<semaphore_mem>>
        %dma_start3A_76 = arith.constant 0 : i32
        %dma_start3A_77 = arith.constant 0 : i32
        %dma_start3A_78 = tpu.memref_slice %arg9[%dma_start3A_76, %dma_start3A_77] : memref<128x64xf32, #tpu.memory_space<vmem>> -> memref<120x64xf32, #tpu.memory_space<vmem>>
        %dma_start3A_79 = arith.constant 0 : i32
        %dma_start3A_80 = tpu.memref_slice %arg11[%add3A_74, %dma_start3A_79] : memref<10008x64xf32, #tpu.memory_space<vmem_shared>> -> memref<120x64xf32, #tpu.memory_space<vmem_shared>>
        %dma_start3A_81 = arith.constant 0 : i32
        %dma_start3A_82 = tpu.memref_slice %arg11[%add3A_74, %dma_start3A_81] : memref<10008x64xf32, #tpu.memory_space<vmem_shared>> -> memref<120x64xf32, #tpu.memory_space<vmem_shared>>
        %dma_start3A_83 = arith.constant 0 : i32
        %dma_start3A_84 = arith.constant 0 : i32
        %dma_start3A_85 = tpu.memref_slice %arg9[%dma_start3A_83, %dma_start3A_84] : memref<128x64xf32, #tpu.memory_space<vmem>> -> memref<120x64xf32, #tpu.memory_space<vmem>>
        tpu.enqueue_dma source(%dma_start3A_85 : memref<120x64xf32, #tpu.memory_space<vmem>>) target(%dma_start3A_82 : memref<120x64xf32, #tpu.memory_space<vmem_shared>>) target_semaphore(%run_scoped3A_75 : memref<!tpu.dma_semaphore, #tpu.memory_space<semaphore_mem>>)
        %dma_wait3A_86 = arith.constant 0 : i32
        %dma_wait3A_87 = arith.constant 0 : i32
        %dma_wait3A_88 = tpu.memref_slice %arg9[%dma_wait3A_86, %dma_wait3A_87] : memref<128x64xf32, #tpu.memory_space<vmem>> -> memref<120x64xf32, #tpu.memory_space<vmem>>
        %dma_wait3A_89 = arith.constant 0 : i32
        %dma_wait3A_90 = tpu.memref_slice %arg11[%add3A_74, %dma_wait3A_89] : memref<10008x64xf32, #tpu.memory_space<vmem_shared>> -> memref<120x64xf32, #tpu.memory_space<vmem_shared>>
        %dma_wait3A_91 = arith.constant 0 : i32
        %dma_wait3A_92 = tpu.memref_slice %arg11[%add3A_74, %dma_wait3A_91] : memref<10008x64xf32, #tpu.memory_space<vmem_shared>> -> memref<120x64xf32, #tpu.memory_space<vmem_shared>>
        %dma_wait3A_93 = arith.constant 0 : i32
        %dma_wait3A_94 = arith.constant 0 : i32
        %dma_wait3A_95 = tpu.memref_slice %arg9[%dma_wait3A_93, %dma_wait3A_94] : memref<128x64xf32, #tpu.memory_space<vmem>> -> memref<120x64xf32, #tpu.memory_space<vmem>>
        tpu.wait_dma2 semaphore(%run_scoped3A_75 : memref<!tpu.dma_semaphore, #tpu.memory_space<semaphore_mem>>) src(%dma_wait3A_95 : memref<120x64xf32, #tpu.memory_space<vmem>>) dst(%dma_wait3A_92 : memref<120x64xf32, #tpu.memory_space<vmem_shared>>)
        tpu.yield
      }) : () -> ()
    } else {
    }
    %eq3A = arith.constant 15 : i32
    %eq3A_13 = arith.cmpi eq, %arg1, %eq3A : i32
    %convert_element_type3A_14 = arith.extui %eq3A_13 : i1 to i32
    %cond3A_15 = arith.constant 0 : i32
    %cond3A_16 = arith.cmpi ne, %convert_element_type3A_14, %cond3A_15 : i32
    scf.if %cond3A_16 {
      %add3A_73 = arith.constant 512 : i32
      %add3A_74 = arith.addi %mul3A_0, %add3A_73 : i32
      "tpu.region"() ({
        %run_scoped3A_75 = tpu.sem_alloc : memref<!tpu.dma_semaphore, #tpu.memory_space<semaphore_mem>>
        %dma_start3A_76 = arith.constant 0 : i32
        %dma_start3A_77 = arith.constant 0 : i32
        %dma_start3A_78 = tpu.memref_slice %arg9[%dma_start3A_76, %dma_start3A_77] : memref<128x64xf32, #tpu.memory_space<vmem>> -> memref<16x64xf32, #tpu.memory_space<vmem>>
        %dma_start3A_79 = arith.constant 0 : i32
        %dma_start3A_80 = tpu.memref_slice %arg11[%add3A_74, %dma_start3A_79] : memref<10008x64xf32, #tpu.memory_space<vmem_shared>> -> memref<16x64xf32, #tpu.memory_space<vmem_shared>>
        %dma_start3A_81 = arith.constant 0 : i32
        %dma_start3A_82 = tpu.memref_slice %arg11[%add3A_74, %dma_start3A_81] : memref<10008x64xf32, #tpu.memory_space<vmem_shared>> -> memref<16x64xf32, #tpu.memory_space<vmem_shared>>
        %dma_start3A_83 = arith.constant 0 : i32
        %dma_start3A_84 = arith.constant 0 : i32
        %dma_start3A_85 = tpu.memref_slice %arg9[%dma_start3A_83, %dma_start3A_84] : memref<128x64xf32, #tpu.memory_space<vmem>> -> memref<16x64xf32, #tpu.memory_space<vmem>>
        tpu.enqueue_dma source(%dma_start3A_85 : memref<16x64xf32, #tpu.memory_space<vmem>>) target(%dma_start3A_82 : memref<16x64xf32, #tpu.memory_space<vmem_shared>>) target_semaphore(%run_scoped3A_75 : memref<!tpu.dma_semaphore, #tpu.memory_space<semaphore_mem>>)
        %dma_wait3A_86 = arith.constant 0 : i32
        %dma_wait3A_87 = arith.constant 0 : i32
        %dma_wait3A_88 = tpu.memref_slice %arg9[%dma_wait3A_86, %dma_wait3A_87] : memref<128x64xf32, #tpu.memory_space<vmem>> -> memref<16x64xf32, #tpu.memory_space<vmem>>
        %dma_wait3A_89 = arith.constant 0 : i32
        %dma_wait3A_90 = tpu.memref_slice %arg11[%add3A_74, %dma_wait3A_89] : memref<10008x64xf32, #tpu.memory_space<vmem_shared>> -> memref<16x64xf32, #tpu.memory_space<vmem_shared>>
        %dma_wait3A_91 = arith.constant 0 : i32
        %dma_wait3A_92 = tpu.memref_slice %arg11[%add3A_74, %dma_wait3A_91] : memref<10008x64xf32, #tpu.memory_space<vmem_shared>> -> memref<16x64xf32, #tpu.memory_space<vmem_shared>>
        %dma_wait3A_93 = arith.constant 0 : i32
        %dma_wait3A_94 = arith.constant 0 : i32
        %dma_wait3A_95 = tpu.memref_slice %arg9[%dma_wait3A_93, %dma_wait3A_94] : memref<128x64xf32, #tpu.memory_space<vmem>> -> memref<16x64xf32, #tpu.memory_space<vmem>>
        tpu.wait_dma2 semaphore(%run_scoped3A_75 : memref<!tpu.dma_semaphore, #tpu.memory_space<semaphore_mem>>) src(%dma_wait3A_95 : memref<16x64xf32, #tpu.memory_space<vmem>>) dst(%dma_wait3A_92 : memref<16x64xf32, #tpu.memory_space<vmem_shared>>)
        tpu.yield
      }) : () -> ()
    } else {
    }
    %barrier3A = arith.constant 0 : index
    tpu.barrier barrier_id(%barrier3A)
    %dma_start3A = arith.constant 0 : i32
    %dma_start3A_17 = arith.constant 0 : i32
    %dma_start3A_18 = tpu.memref_slice %arg7[%dma_start3A, %dma_start3A_17] : memref<157x128xi32, #tpu.memory_space<vmem>> -> memref<1x128xi32, #tpu.memory_space<vmem>>
    %dma_start3A_19 = tpu.memref_squeeze %dma_start3A_18 : memref<1x128xi32, #tpu.memory_space<vmem>> -> memref<128xi32, #tpu.memory_space<vmem>>
    %dma_start3A_20 = arith.constant 0 : i32
    %dma_start3A_21 = arith.constant 0 : i32
    %dma_start3A_22 = tpu.memref_slice %arg2[%dma_start3A_20, %dma_start3A_21] : memref<20000x64xf32, #tpu.memory_space<hbm>> -> memref<20000x64xf32, #tpu.memory_space<hbm>>
    tpu.enqueue_indirect_dma source(%dma_start3A_22 : memref<20000x64xf32, #tpu.memory_space<hbm>>) target(%arg9 : memref<128x64xf32, #tpu.memory_space<vmem>>) offsets(%dma_start3A_19 : memref<128xi32, #tpu.memory_space<vmem>>) semaphore(%arg12 : memref<!tpu.dma_semaphore, #tpu.memory_space<semaphore_mem>>)
    %scan3A = arith.constant 0 : i32
    %scan3A_23 = arith.constant 0 : i32
    %scan3A_24 = arith.constant 78 : i32
    %scan3A_25 = arith.addi %scan3A_23, %scan3A_24 : i32
    %scan3A_26 = arith.constant 1 : i32
    scf.for %scan3A_73 = %scan3A_23 to %scan3A_25 step %scan3A_26  : i32 {
      %mul3A_74 = arith.constant 2 : i32
      %mul3A_75 = arith.muli %mul3A_74, %scan3A_73 : i32
      %add3A_76 = arith.constant 1 : i32
      %add3A_77 = arith.addi %mul3A_75, %add3A_76 : i32
      %dma_start3A_78 = arith.constant 0 : i32
      %dma_start3A_79 = tpu.memref_slice %arg7[%add3A_77, %dma_start3A_78] : memref<157x128xi32, #tpu.memory_space<vmem>> -> memref<1x128xi32, #tpu.memory_space<vmem>>
      %dma_start3A_80 = tpu.memref_squeeze %dma_start3A_79 : memref<1x128xi32, #tpu.memory_space<vmem>> -> memref<128xi32, #tpu.memory_space<vmem>>
      %dma_start3A_81 = arith.constant 0 : i32
      %dma_start3A_82 = arith.constant 0 : i32
      %dma_start3A_83 = tpu.memref_slice %arg2[%dma_start3A_81, %dma_start3A_82] : memref<20000x64xf32, #tpu.memory_space<hbm>> -> memref<20000x64xf32, #tpu.memory_space<hbm>>
      tpu.enqueue_indirect_dma source(%dma_start3A_83 : memref<20000x64xf32, #tpu.memory_space<hbm>>) target(%arg10 : memref<128x64xf32, #tpu.memory_space<vmem>>) offsets(%dma_start3A_80 : memref<128xi32, #tpu.memory_space<vmem>>) semaphore(%arg13 : memref<!tpu.dma_semaphore, #tpu.memory_space<semaphore_mem>>)
      %dma_wait3A_84 = arith.constant 0 : i32
      %dma_wait3A_85 = tpu.memref_slice %arg7[%mul3A_75, %dma_wait3A_84] : memref<157x128xi32, #tpu.memory_space<vmem>> -> memref<1x128xi32, #tpu.memory_space<vmem>>
      %dma_wait3A_86 = tpu.memref_squeeze %dma_wait3A_85 : memref<1x128xi32, #tpu.memory_space<vmem>> -> memref<128xi32, #tpu.memory_space<vmem>>
      %dma_wait3A_87 = arith.constant 0 : i32
      %dma_wait3A_88 = arith.constant 0 : i32
      %dma_wait3A_89 = tpu.memref_slice %arg2[%dma_wait3A_87, %dma_wait3A_88] : memref<20000x64xf32, #tpu.memory_space<hbm>> -> memref<20000x64xf32, #tpu.memory_space<hbm>>
      tpu.wait_indirect_dma semaphore(%arg12 : memref<!tpu.dma_semaphore, #tpu.memory_space<semaphore_mem>>) src(%dma_wait3A_89 : memref<20000x64xf32, #tpu.memory_space<hbm>>) dst(%arg9 : memref<128x64xf32, #tpu.memory_space<vmem>>)
      "tpu.region"() ({
        %run_scoped3A_108 = tpu.sem_alloc : memref<!tpu.dma_semaphore, #tpu.memory_space<semaphore_mem>>
        %dma_start3A_109 = arith.constant 0 : i32
        %dma_start3A_110 = tpu.memref_slice %arg8[%mul3A_75, %dma_start3A_109] : memref<157x128xi32, #tpu.memory_space<vmem>> -> memref<1x128xi32, #tpu.memory_space<vmem>>
        %dma_start3A_111 = tpu.memref_squeeze %dma_start3A_110 : memref<1x128xi32, #tpu.memory_space<vmem>> -> memref<128xi32, #tpu.memory_space<vmem>>
        %dma_start3A_112 = arith.constant 0 : i32
        %dma_start3A_113 = arith.constant 0 : i32
        %dma_start3A_114 = tpu.memref_slice %arg11[%dma_start3A_112, %dma_start3A_113] : memref<10008x64xf32, #tpu.memory_space<vmem_shared>> -> memref<10008x64xf32, #tpu.memory_space<vmem_shared>>
        tpu.enqueue_indirect_dma source(%arg9 : memref<128x64xf32, #tpu.memory_space<vmem>>) target(%dma_start3A_114 : memref<10008x64xf32, #tpu.memory_space<vmem_shared>>) offsets(%dma_start3A_111 : memref<128xi32, #tpu.memory_space<vmem>>) semaphore(%run_scoped3A_108 : memref<!tpu.dma_semaphore, #tpu.memory_space<semaphore_mem>>) {add = true}
        %dma_wait3A_115 = arith.constant 0 : i32
        %dma_wait3A_116 = tpu.memref_slice %arg8[%mul3A_75, %dma_wait3A_115] : memref<157x128xi32, #tpu.memory_space<vmem>> -> memref<1x128xi32, #tpu.memory_space<vmem>>
        %dma_wait3A_117 = tpu.memref_squeeze %dma_wait3A_116 : memref<1x128xi32, #tpu.memory_space<vmem>> -> memref<128xi32, #tpu.memory_space<vmem>>
        %dma_wait3A_118 = arith.constant 0 : i32
        %dma_wait3A_119 = arith.constant 0 : i32
        %dma_wait3A_120 = tpu.memref_slice %arg11[%dma_wait3A_118, %dma_wait3A_119] : memref<10008x64xf32, #tpu.memory_space<vmem_shared>> -> memref<10008x64xf32, #tpu.memory_space<vmem_shared>>
        tpu.wait_indirect_dma semaphore(%run_scoped3A_108 : memref<!tpu.dma_semaphore, #tpu.memory_space<semaphore_mem>>) src(%arg9 : memref<128x64xf32, #tpu.memory_space<vmem>>) dst(%dma_wait3A_120 : memref<10008x64xf32, #tpu.memory_space<vmem_shared>>)
        tpu.yield
      }) : () -> ()
      %add3A_90 = arith.constant 2 : i32
      %add3A_91 = arith.addi %mul3A_75, %add3A_90 : i32
      %dma_start3A_92 = arith.constant 0 : i32
      %dma_start3A_93 = tpu.memref_slice %arg7[%add3A_91, %dma_start3A_92] : memref<157x128xi32, #tpu.memory_space<vmem>> -> memref<1x128xi32, #tpu.memory_space<vmem>>
      %dma_start3A_94 = tpu.memref_squeeze %dma_start3A_93 : memref<1x128xi32, #tpu.memory_space<vmem>> -> memref<128xi32, #tpu.memory_space<vmem>>
      %dma_start3A_95 = arith.constant 0 : i32
      %dma_start3A_96 = arith.constant 0 : i32
      %dma_start3A_97 = tpu.memref_slice %arg2[%dma_start3A_95, %dma_start3A_96] : memref<20000x64xf32, #tpu.memory_space<hbm>> -> memref<20000x64xf32, #tpu.memory_space<hbm>>
      tpu.enqueue_indirect_dma source(%dma_start3A_97 : memref<20000x64xf32, #tpu.memory_space<hbm>>) target(%arg9 : memref<128x64xf32, #tpu.memory_space<vmem>>) offsets(%dma_start3A_94 : memref<128xi32, #tpu.memory_space<vmem>>) semaphore(%arg12 : memref<!tpu.dma_semaphore, #tpu.memory_space<semaphore_mem>>)
      %add3A_98 = arith.constant 1 : i32
      %add3A_99 = arith.addi %mul3A_75, %add3A_98 : i32
      %dma_wait3A_100 = arith.constant 0 : i32
      %dma_wait3A_101 = tpu.memref_slice %arg7[%add3A_99, %dma_wait3A_100] : memref<157x128xi32, #tpu.memory_space<vmem>> -> memref<1x128xi32, #tpu.memory_space<vmem>>
      %dma_wait3A_102 = tpu.memref_squeeze %dma_wait3A_101 : memref<1x128xi32, #tpu.memory_space<vmem>> -> memref<128xi32, #tpu.memory_space<vmem>>
      %dma_wait3A_103 = arith.constant 0 : i32
      %dma_wait3A_104 = arith.constant 0 : i32
      %dma_wait3A_105 = tpu.memref_slice %arg2[%dma_wait3A_103, %dma_wait3A_104] : memref<20000x64xf32, #tpu.memory_space<hbm>> -> memref<20000x64xf32, #tpu.memory_space<hbm>>
      tpu.wait_indirect_dma semaphore(%arg13 : memref<!tpu.dma_semaphore, #tpu.memory_space<semaphore_mem>>) src(%dma_wait3A_105 : memref<20000x64xf32, #tpu.memory_space<hbm>>) dst(%arg10 : memref<128x64xf32, #tpu.memory_space<vmem>>)
      %add3A_106 = arith.constant 1 : i32
      %add3A_107 = arith.addi %mul3A_75, %add3A_106 : i32
      "tpu.region"() ({
        %run_scoped3A_108 = tpu.sem_alloc : memref<!tpu.dma_semaphore, #tpu.memory_space<semaphore_mem>>
        %dma_start3A_109 = arith.constant 0 : i32
        %dma_start3A_110 = tpu.memref_slice %arg8[%add3A_107, %dma_start3A_109] : memref<157x128xi32, #tpu.memory_space<vmem>> -> memref<1x128xi32, #tpu.memory_space<vmem>>
        %dma_start3A_111 = tpu.memref_squeeze %dma_start3A_110 : memref<1x128xi32, #tpu.memory_space<vmem>> -> memref<128xi32, #tpu.memory_space<vmem>>
        %dma_start3A_112 = arith.constant 0 : i32
        %dma_start3A_113 = arith.constant 0 : i32
        %dma_start3A_114 = tpu.memref_slice %arg11[%dma_start3A_112, %dma_start3A_113] : memref<10008x64xf32, #tpu.memory_space<vmem_shared>> -> memref<10008x64xf32, #tpu.memory_space<vmem_shared>>
        tpu.enqueue_indirect_dma source(%arg10 : memref<128x64xf32, #tpu.memory_space<vmem>>) target(%dma_start3A_114 : memref<10008x64xf32, #tpu.memory_space<vmem_shared>>) offsets(%dma_start3A_111 : memref<128xi32, #tpu.memory_space<vmem>>) semaphore(%run_scoped3A_108 : memref<!tpu.dma_semaphore, #tpu.memory_space<semaphore_mem>>) {add = true}
        %dma_wait3A_115 = arith.constant 0 : i32
        %dma_wait3A_116 = tpu.memref_slice %arg8[%add3A_107, %dma_wait3A_115] : memref<157x128xi32, #tpu.memory_space<vmem>> -> memref<1x128xi32, #tpu.memory_space<vmem>>
        %dma_wait3A_117 = tpu.memref_squeeze %dma_wait3A_116 : memref<1x128xi32, #tpu.memory_space<vmem>> -> memref<128xi32, #tpu.memory_space<vmem>>
        %dma_wait3A_118 = arith.constant 0 : i32
        %dma_wait3A_119 = arith.constant 0 : i32
        %dma_wait3A_120 = tpu.memref_slice %arg11[%dma_wait3A_118, %dma_wait3A_119] : memref<10008x64xf32, #tpu.memory_space<vmem_shared>> -> memref<10008x64xf32, #tpu.memory_space<vmem_shared>>
        tpu.wait_indirect_dma semaphore(%run_scoped3A_108 : memref<!tpu.dma_semaphore, #tpu.memory_space<semaphore_mem>>) src(%arg10 : memref<128x64xf32, #tpu.memory_space<vmem>>) dst(%dma_wait3A_120 : memref<10008x64xf32, #tpu.memory_space<vmem_shared>>)
        tpu.yield
      }) : () -> ()
    }
    %scan3A_27 = arith.constant 78 : i32
    %dma_wait3A = arith.constant 156 : i32
    %dma_wait3A_28 = arith.constant 0 : i32
    %dma_wait3A_29 = tpu.memref_slice %arg7[%dma_wait3A, %dma_wait3A_28] : memref<157x128xi32, #tpu.memory_space<vmem>> -> memref<1x128xi32, #tpu.memory_space<vmem>>
    %dma_wait3A_30 = tpu.memref_squeeze %dma_wait3A_29 : memref<1x128xi32, #tpu.memory_space<vmem>> -> memref<128xi32, #tpu.memory_space<vmem>>
    %dma_wait3A_31 = arith.constant 0 : i32
    %dma_wait3A_32 = arith.constant 0 : i32
    %dma_wait3A_33 = tpu.memref_slice %arg2[%dma_wait3A_31, %dma_wait3A_32] : memref<20000x64xf32, #tpu.memory_space<hbm>> -> memref<20000x64xf32, #tpu.memory_space<hbm>>
    tpu.wait_indirect_dma semaphore(%arg12 : memref<!tpu.dma_semaphore, #tpu.memory_space<semaphore_mem>>) src(%dma_wait3A_33 : memref<20000x64xf32, #tpu.memory_space<hbm>>) dst(%arg9 : memref<128x64xf32, #tpu.memory_space<vmem>>)
    %run_scoped3A = arith.constant 156 : i32
    "tpu.region"() ({
      %run_scoped3A_73 = tpu.sem_alloc : memref<!tpu.dma_semaphore, #tpu.memory_space<semaphore_mem>>
      %dma_start3A_74 = arith.constant 0 : i32
      %dma_start3A_75 = tpu.memref_slice %arg8[%run_scoped3A, %dma_start3A_74] : memref<157x128xi32, #tpu.memory_space<vmem>> -> memref<1x128xi32, #tpu.memory_space<vmem>>
      %dma_start3A_76 = tpu.memref_squeeze %dma_start3A_75 : memref<1x128xi32, #tpu.memory_space<vmem>> -> memref<128xi32, #tpu.memory_space<vmem>>
      %dma_start3A_77 = arith.constant 0 : i32
      %dma_start3A_78 = arith.constant 0 : i32
      %dma_start3A_79 = tpu.memref_slice %arg11[%dma_start3A_77, %dma_start3A_78] : memref<10008x64xf32, #tpu.memory_space<vmem_shared>> -> memref<10008x64xf32, #tpu.memory_space<vmem_shared>>
      tpu.enqueue_indirect_dma source(%arg9 : memref<128x64xf32, #tpu.memory_space<vmem>>) target(%dma_start3A_79 : memref<10008x64xf32, #tpu.memory_space<vmem_shared>>) offsets(%dma_start3A_76 : memref<128xi32, #tpu.memory_space<vmem>>) semaphore(%run_scoped3A_73 : memref<!tpu.dma_semaphore, #tpu.memory_space<semaphore_mem>>) {add = true}
      %dma_wait3A_80 = arith.constant 0 : i32
      %dma_wait3A_81 = tpu.memref_slice %arg8[%run_scoped3A, %dma_wait3A_80] : memref<157x128xi32, #tpu.memory_space<vmem>> -> memref<1x128xi32, #tpu.memory_space<vmem>>
      %dma_wait3A_82 = tpu.memref_squeeze %dma_wait3A_81 : memref<1x128xi32, #tpu.memory_space<vmem>> -> memref<128xi32, #tpu.memory_space<vmem>>
      %dma_wait3A_83 = arith.constant 0 : i32
      %dma_wait3A_84 = arith.constant 0 : i32
      %dma_wait3A_85 = tpu.memref_slice %arg11[%dma_wait3A_83, %dma_wait3A_84] : memref<10008x64xf32, #tpu.memory_space<vmem_shared>> -> memref<10008x64xf32, #tpu.memory_space<vmem_shared>>
      tpu.wait_indirect_dma semaphore(%run_scoped3A_73 : memref<!tpu.dma_semaphore, #tpu.memory_space<semaphore_mem>>) src(%arg9 : memref<128x64xf32, #tpu.memory_space<vmem>>) dst(%dma_wait3A_85 : memref<10008x64xf32, #tpu.memory_space<vmem_shared>>)
      tpu.yield
    }) : () -> ()
    %barrier3A_34 = arith.constant 0 : index
    tpu.barrier barrier_id(%barrier3A_34)
    %add3A_35 = arith.constant 0 : i32
    %add3A_36 = arith.addi %mul3A_0, %add3A_35 : i32
    "tpu.region"() ({
      %run_scoped3A_73 = tpu.sem_alloc : memref<!tpu.dma_semaphore, #tpu.memory_space<semaphore_mem>>
      %dma_start3A_74 = arith.constant 0 : i32
      %dma_start3A_75 = arith.constant 0 : i32
      %dma_start3A_76 = tpu.memref_slice %arg9[%dma_start3A_74, %dma_start3A_75] : memref<128x64xf32, #tpu.memory_space<vmem>> -> memref<128x64xf32, #tpu.memory_space<vmem>>
      %dma_start3A_77 = arith.constant 0 : i32
      %dma_start3A_78 = tpu.memref_slice %arg11[%add3A_36, %dma_start3A_77] : memref<10008x64xf32, #tpu.memory_space<vmem_shared>> -> memref<128x64xf32, #tpu.memory_space<vmem_shared>>
      %dma_start3A_79 = arith.constant 0 : i32
      %dma_start3A_80 = arith.constant 0 : i32
      %dma_start3A_81 = tpu.memref_slice %arg9[%dma_start3A_79, %dma_start3A_80] : memref<128x64xf32, #tpu.memory_space<vmem>> -> memref<128x64xf32, #tpu.memory_space<vmem>>
      %dma_start3A_82 = arith.constant 0 : i32
      %dma_start3A_83 = tpu.memref_slice %arg11[%add3A_36, %dma_start3A_82] : memref<10008x64xf32, #tpu.memory_space<vmem_shared>> -> memref<128x64xf32, #tpu.memory_space<vmem_shared>>
      tpu.enqueue_dma source(%dma_start3A_83 : memref<128x64xf32, #tpu.memory_space<vmem_shared>>) target(%dma_start3A_81 : memref<128x64xf32, #tpu.memory_space<vmem>>) target_semaphore(%run_scoped3A_73 : memref<!tpu.dma_semaphore, #tpu.memory_space<semaphore_mem>>)
      %dma_wait3A_84 = arith.constant 0 : i32
      %dma_wait3A_85 = arith.constant 0 : i32
      %dma_wait3A_86 = tpu.memref_slice %arg9[%dma_wait3A_84, %dma_wait3A_85] : memref<128x64xf32, #tpu.memory_space<vmem>> -> memref<128x64xf32, #tpu.memory_space<vmem>>
      %dma_wait3A_87 = arith.constant 0 : i32
      %dma_wait3A_88 = tpu.memref_slice %arg11[%add3A_36, %dma_wait3A_87] : memref<10008x64xf32, #tpu.memory_space<vmem_shared>> -> memref<128x64xf32, #tpu.memory_space<vmem_shared>>
      %dma_wait3A_89 = arith.constant 0 : i32
      %dma_wait3A_90 = arith.constant 0 : i32
      %dma_wait3A_91 = tpu.memref_slice %arg9[%dma_wait3A_89, %dma_wait3A_90] : memref<128x64xf32, #tpu.memory_space<vmem>> -> memref<128x64xf32, #tpu.memory_space<vmem>>
      %dma_wait3A_92 = arith.constant 0 : i32
      %dma_wait3A_93 = tpu.memref_slice %arg11[%add3A_36, %dma_wait3A_92] : memref<10008x64xf32, #tpu.memory_space<vmem_shared>> -> memref<128x64xf32, #tpu.memory_space<vmem_shared>>
      tpu.wait_dma2 semaphore(%run_scoped3A_73 : memref<!tpu.dma_semaphore, #tpu.memory_space<semaphore_mem>>) src(%dma_wait3A_93 : memref<128x64xf32, #tpu.memory_space<vmem_shared>>) dst(%dma_wait3A_91 : memref<128x64xf32, #tpu.memory_space<vmem>>)
      tpu.yield
    }) : () -> ()
    %mul3A_37 = arith.constant 10000 : i32
    %mul3A_38 = arith.muli %arg0, %mul3A_37 : i32
    %add3A_39 = arith.addi %mul3A_38, %mul3A_0 : i32
    %add3A_40 = arith.constant 0 : i32
    %add3A_41 = arith.addi %add3A_39, %add3A_40 : i32
    "tpu.region"() ({
      %run_scoped3A_73 = tpu.sem_alloc : memref<!tpu.dma_semaphore, #tpu.memory_space<semaphore_mem>>
      %dma_start3A_74 = arith.constant 0 : i32
      %dma_start3A_75 = arith.constant 0 : i32
      %dma_start3A_76 = tpu.memref_slice %arg9[%dma_start3A_74, %dma_start3A_75] : memref<128x64xf32, #tpu.memory_space<vmem>> -> memref<128x64xf32, #tpu.memory_space<vmem>>
      %dma_start3A_77 = arith.constant 0 : i32
      %dma_start3A_78 = tpu.memref_slice %arg6[%add3A_41, %dma_start3A_77] : memref<20000x64xf32, #tpu.memory_space<hbm>> -> memref<128x64xf32, #tpu.memory_space<hbm>>
      %dma_start3A_79 = arith.constant 0 : i32
      %dma_start3A_80 = tpu.memref_slice %arg6[%add3A_41, %dma_start3A_79] : memref<20000x64xf32, #tpu.memory_space<hbm>> -> memref<128x64xf32, #tpu.memory_space<hbm>>
      %dma_start3A_81 = arith.constant 0 : i32
      %dma_start3A_82 = arith.constant 0 : i32
      %dma_start3A_83 = tpu.memref_slice %arg9[%dma_start3A_81, %dma_start3A_82] : memref<128x64xf32, #tpu.memory_space<vmem>> -> memref<128x64xf32, #tpu.memory_space<vmem>>
      tpu.enqueue_dma source(%dma_start3A_83 : memref<128x64xf32, #tpu.memory_space<vmem>>) target(%dma_start3A_80 : memref<128x64xf32, #tpu.memory_space<hbm>>) target_semaphore(%run_scoped3A_73 : memref<!tpu.dma_semaphore, #tpu.memory_space<semaphore_mem>>)
      %dma_wait3A_84 = arith.constant 0 : i32
      %dma_wait3A_85 = arith.constant 0 : i32
      %dma_wait3A_86 = tpu.memref_slice %arg9[%dma_wait3A_84, %dma_wait3A_85] : memref<128x64xf32, #tpu.memory_space<vmem>> -> memref<128x64xf32, #tpu.memory_space<vmem>>
      %dma_wait3A_87 = arith.constant 0 : i32
      %dma_wait3A_88 = tpu.memref_slice %arg6[%add3A_41, %dma_wait3A_87] : memref<20000x64xf32, #tpu.memory_space<hbm>> -> memref<128x64xf32, #tpu.memory_space<hbm>>
      %dma_wait3A_89 = arith.constant 0 : i32
      %dma_wait3A_90 = tpu.memref_slice %arg6[%add3A_41, %dma_wait3A_89] : memref<20000x64xf32, #tpu.memory_space<hbm>> -> memref<128x64xf32, #tpu.memory_space<hbm>>
      %dma_wait3A_91 = arith.constant 0 : i32
      %dma_wait3A_92 = arith.constant 0 : i32
      %dma_wait3A_93 = tpu.memref_slice %arg9[%dma_wait3A_91, %dma_wait3A_92] : memref<128x64xf32, #tpu.memory_space<vmem>> -> memref<128x64xf32, #tpu.memory_space<vmem>>
      tpu.wait_dma2 semaphore(%run_scoped3A_73 : memref<!tpu.dma_semaphore, #tpu.memory_space<semaphore_mem>>) src(%dma_wait3A_93 : memref<128x64xf32, #tpu.memory_space<vmem>>) dst(%dma_wait3A_90 : memref<128x64xf32, #tpu.memory_space<hbm>>)
      tpu.yield
    }) : () -> ()
    %add3A_42 = arith.constant 128 : i32
    %add3A_43 = arith.addi %mul3A_0, %add3A_42 : i32
    "tpu.region"() ({
      %run_scoped3A_73 = tpu.sem_alloc : memref<!tpu.dma_semaphore, #tpu.memory_space<semaphore_mem>>
      %dma_start3A_74 = arith.constant 0 : i32
      %dma_start3A_75 = arith.constant 0 : i32
      %dma_start3A_76 = tpu.memref_slice %arg10[%dma_start3A_74, %dma_start3A_75] : memref<128x64xf32, #tpu.memory_space<vmem>> -> memref<128x64xf32, #tpu.memory_space<vmem>>
      %dma_start3A_77 = arith.constant 0 : i32
      %dma_start3A_78 = tpu.memref_slice %arg11[%add3A_43, %dma_start3A_77] : memref<10008x64xf32, #tpu.memory_space<vmem_shared>> -> memref<128x64xf32, #tpu.memory_space<vmem_shared>>
      %dma_start3A_79 = arith.constant 0 : i32
      %dma_start3A_80 = arith.constant 0 : i32
      %dma_start3A_81 = tpu.memref_slice %arg10[%dma_start3A_79, %dma_start3A_80] : memref<128x64xf32, #tpu.memory_space<vmem>> -> memref<128x64xf32, #tpu.memory_space<vmem>>
      %dma_start3A_82 = arith.constant 0 : i32
      %dma_start3A_83 = tpu.memref_slice %arg11[%add3A_43, %dma_start3A_82] : memref<10008x64xf32, #tpu.memory_space<vmem_shared>> -> memref<128x64xf32, #tpu.memory_space<vmem_shared>>
      tpu.enqueue_dma source(%dma_start3A_83 : memref<128x64xf32, #tpu.memory_space<vmem_shared>>) target(%dma_start3A_81 : memref<128x64xf32, #tpu.memory_space<vmem>>) target_semaphore(%run_scoped3A_73 : memref<!tpu.dma_semaphore, #tpu.memory_space<semaphore_mem>>)
      %dma_wait3A_84 = arith.constant 0 : i32
      %dma_wait3A_85 = arith.constant 0 : i32
      %dma_wait3A_86 = tpu.memref_slice %arg10[%dma_wait3A_84, %dma_wait3A_85] : memref<128x64xf32, #tpu.memory_space<vmem>> -> memref<128x64xf32, #tpu.memory_space<vmem>>
      %dma_wait3A_87 = arith.constant 0 : i32
      %dma_wait3A_88 = tpu.memref_slice %arg11[%add3A_43, %dma_wait3A_87] : memref<10008x64xf32, #tpu.memory_space<vmem_shared>> -> memref<128x64xf32, #tpu.memory_space<vmem_shared>>
      %dma_wait3A_89 = arith.constant 0 : i32
      %dma_wait3A_90 = arith.constant 0 : i32
      %dma_wait3A_91 = tpu.memref_slice %arg10[%dma_wait3A_89, %dma_wait3A_90] : memref<128x64xf32, #tpu.memory_space<vmem>> -> memref<128x64xf32, #tpu.memory_space<vmem>>
      %dma_wait3A_92 = arith.constant 0 : i32
      %dma_wait3A_93 = tpu.memref_slice %arg11[%add3A_43, %dma_wait3A_92] : memref<10008x64xf32, #tpu.memory_space<vmem_shared>> -> memref<128x64xf32, #tpu.memory_space<vmem_shared>>
      tpu.wait_dma2 semaphore(%run_scoped3A_73 : memref<!tpu.dma_semaphore, #tpu.memory_space<semaphore_mem>>) src(%dma_wait3A_93 : memref<128x64xf32, #tpu.memory_space<vmem_shared>>) dst(%dma_wait3A_91 : memref<128x64xf32, #tpu.memory_space<vmem>>)
      tpu.yield
    }) : () -> ()
    %mul3A_44 = arith.constant 10000 : i32
    %mul3A_45 = arith.muli %arg0, %mul3A_44 : i32
    %add3A_46 = arith.addi %mul3A_45, %mul3A_0 : i32
    %add3A_47 = arith.constant 128 : i32
    %add3A_48 = arith.addi %add3A_46, %add3A_47 : i32
    "tpu.region"() ({
      %run_scoped3A_73 = tpu.sem_alloc : memref<!tpu.dma_semaphore, #tpu.memory_space<semaphore_mem>>
      %dma_start3A_74 = arith.constant 0 : i32
      %dma_start3A_75 = arith.constant 0 : i32
      %dma_start3A_76 = tpu.memref_slice %arg10[%dma_start3A_74, %dma_start3A_75] : memref<128x64xf32, #tpu.memory_space<vmem>> -> memref<128x64xf32, #tpu.memory_space<vmem>>
      %dma_start3A_77 = arith.constant 0 : i32
      %dma_start3A_78 = tpu.memref_slice %arg6[%add3A_48, %dma_start3A_77] : memref<20000x64xf32, #tpu.memory_space<hbm>> -> memref<128x64xf32, #tpu.memory_space<hbm>>
      %dma_start3A_79 = arith.constant 0 : i32
      %dma_start3A_80 = tpu.memref_slice %arg6[%add3A_48, %dma_start3A_79] : memref<20000x64xf32, #tpu.memory_space<hbm>> -> memref<128x64xf32, #tpu.memory_space<hbm>>
      %dma_start3A_81 = arith.constant 0 : i32
      %dma_start3A_82 = arith.constant 0 : i32
      %dma_start3A_83 = tpu.memref_slice %arg10[%dma_start3A_81, %dma_start3A_82] : memref<128x64xf32, #tpu.memory_space<vmem>> -> memref<128x64xf32, #tpu.memory_space<vmem>>
      tpu.enqueue_dma source(%dma_start3A_83 : memref<128x64xf32, #tpu.memory_space<vmem>>) target(%dma_start3A_80 : memref<128x64xf32, #tpu.memory_space<hbm>>) target_semaphore(%run_scoped3A_73 : memref<!tpu.dma_semaphore, #tpu.memory_space<semaphore_mem>>)
      %dma_wait3A_84 = arith.constant 0 : i32
      %dma_wait3A_85 = arith.constant 0 : i32
      %dma_wait3A_86 = tpu.memref_slice %arg10[%dma_wait3A_84, %dma_wait3A_85] : memref<128x64xf32, #tpu.memory_space<vmem>> -> memref<128x64xf32, #tpu.memory_space<vmem>>
      %dma_wait3A_87 = arith.constant 0 : i32
      %dma_wait3A_88 = tpu.memref_slice %arg6[%add3A_48, %dma_wait3A_87] : memref<20000x64xf32, #tpu.memory_space<hbm>> -> memref<128x64xf32, #tpu.memory_space<hbm>>
      %dma_wait3A_89 = arith.constant 0 : i32
      %dma_wait3A_90 = tpu.memref_slice %arg6[%add3A_48, %dma_wait3A_89] : memref<20000x64xf32, #tpu.memory_space<hbm>> -> memref<128x64xf32, #tpu.memory_space<hbm>>
      %dma_wait3A_91 = arith.constant 0 : i32
      %dma_wait3A_92 = arith.constant 0 : i32
      %dma_wait3A_93 = tpu.memref_slice %arg10[%dma_wait3A_91, %dma_wait3A_92] : memref<128x64xf32, #tpu.memory_space<vmem>> -> memref<128x64xf32, #tpu.memory_space<vmem>>
      tpu.wait_dma2 semaphore(%run_scoped3A_73 : memref<!tpu.dma_semaphore, #tpu.memory_space<semaphore_mem>>) src(%dma_wait3A_93 : memref<128x64xf32, #tpu.memory_space<vmem>>) dst(%dma_wait3A_90 : memref<128x64xf32, #tpu.memory_space<hbm>>)
      tpu.yield
    }) : () -> ()
    %add3A_49 = arith.constant 256 : i32
    %add3A_50 = arith.addi %mul3A_0, %add3A_49 : i32
    "tpu.region"() ({
      %run_scoped3A_73 = tpu.sem_alloc : memref<!tpu.dma_semaphore, #tpu.memory_space<semaphore_mem>>
      %dma_start3A_74 = arith.constant 0 : i32
      %dma_start3A_75 = arith.constant 0 : i32
      %dma_start3A_76 = tpu.memref_slice %arg9[%dma_start3A_74, %dma_start3A_75] : memref<128x64xf32, #tpu.memory_space<vmem>> -> memref<128x64xf32, #tpu.memory_space<vmem>>
      %dma_start3A_77 = arith.constant 0 : i32
      %dma_start3A_78 = tpu.memref_slice %arg11[%add3A_50, %dma_start3A_77] : memref<10008x64xf32, #tpu.memory_space<vmem_shared>> -> memref<128x64xf32, #tpu.memory_space<vmem_shared>>
      %dma_start3A_79 = arith.constant 0 : i32
      %dma_start3A_80 = arith.constant 0 : i32
      %dma_start3A_81 = tpu.memref_slice %arg9[%dma_start3A_79, %dma_start3A_80] : memref<128x64xf32, #tpu.memory_space<vmem>> -> memref<128x64xf32, #tpu.memory_space<vmem>>
      %dma_start3A_82 = arith.constant 0 : i32
      %dma_start3A_83 = tpu.memref_slice %arg11[%add3A_50, %dma_start3A_82] : memref<10008x64xf32, #tpu.memory_space<vmem_shared>> -> memref<128x64xf32, #tpu.memory_space<vmem_shared>>
      tpu.enqueue_dma source(%dma_start3A_83 : memref<128x64xf32, #tpu.memory_space<vmem_shared>>) target(%dma_start3A_81 : memref<128x64xf32, #tpu.memory_space<vmem>>) target_semaphore(%run_scoped3A_73 : memref<!tpu.dma_semaphore, #tpu.memory_space<semaphore_mem>>)
      %dma_wait3A_84 = arith.constant 0 : i32
      %dma_wait3A_85 = arith.constant 0 : i32
      %dma_wait3A_86 = tpu.memref_slice %arg9[%dma_wait3A_84, %dma_wait3A_85] : memref<128x64xf32, #tpu.memory_space<vmem>> -> memref<128x64xf32, #tpu.memory_space<vmem>>
      %dma_wait3A_87 = arith.constant 0 : i32
      %dma_wait3A_88 = tpu.memref_slice %arg11[%add3A_50, %dma_wait3A_87] : memref<10008x64xf32, #tpu.memory_space<vmem_shared>> -> memref<128x64xf32, #tpu.memory_space<vmem_shared>>
      %dma_wait3A_89 = arith.constant 0 : i32
      %dma_wait3A_90 = arith.constant 0 : i32
      %dma_wait3A_91 = tpu.memref_slice %arg9[%dma_wait3A_89, %dma_wait3A_90] : memref<128x64xf32, #tpu.memory_space<vmem>> -> memref<128x64xf32, #tpu.memory_space<vmem>>
      %dma_wait3A_92 = arith.constant 0 : i32
      %dma_wait3A_93 = tpu.memref_slice %arg11[%add3A_50, %dma_wait3A_92] : memref<10008x64xf32, #tpu.memory_space<vmem_shared>> -> memref<128x64xf32, #tpu.memory_space<vmem_shared>>
      tpu.wait_dma2 semaphore(%run_scoped3A_73 : memref<!tpu.dma_semaphore, #tpu.memory_space<semaphore_mem>>) src(%dma_wait3A_93 : memref<128x64xf32, #tpu.memory_space<vmem_shared>>) dst(%dma_wait3A_91 : memref<128x64xf32, #tpu.memory_space<vmem>>)
      tpu.yield
    }) : () -> ()
    %mul3A_51 = arith.constant 10000 : i32
    %mul3A_52 = arith.muli %arg0, %mul3A_51 : i32
    %add3A_53 = arith.addi %mul3A_52, %mul3A_0 : i32
    %add3A_54 = arith.constant 256 : i32
    %add3A_55 = arith.addi %add3A_53, %add3A_54 : i32
    "tpu.region"() ({
      %run_scoped3A_73 = tpu.sem_alloc : memref<!tpu.dma_semaphore, #tpu.memory_space<semaphore_mem>>
      %dma_start3A_74 = arith.constant 0 : i32
      %dma_start3A_75 = arith.constant 0 : i32
      %dma_start3A_76 = tpu.memref_slice %arg9[%dma_start3A_74, %dma_start3A_75] : memref<128x64xf32, #tpu.memory_space<vmem>> -> memref<128x64xf32, #tpu.memory_space<vmem>>
      %dma_start3A_77 = arith.constant 0 : i32
      %dma_start3A_78 = tpu.memref_slice %arg6[%add3A_55, %dma_start3A_77] : memref<20000x64xf32, #tpu.memory_space<hbm>> -> memref<128x64xf32, #tpu.memory_space<hbm>>
      %dma_start3A_79 = arith.constant 0 : i32
      %dma_start3A_80 = tpu.memref_slice %arg6[%add3A_55, %dma_start3A_79] : memref<20000x64xf32, #tpu.memory_space<hbm>> -> memref<128x64xf32, #tpu.memory_space<hbm>>
      %dma_start3A_81 = arith.constant 0 : i32
      %dma_start3A_82 = arith.constant 0 : i32
      %dma_start3A_83 = tpu.memref_slice %arg9[%dma_start3A_81, %dma_start3A_82] : memref<128x64xf32, #tpu.memory_space<vmem>> -> memref<128x64xf32, #tpu.memory_space<vmem>>
      tpu.enqueue_dma source(%dma_start3A_83 : memref<128x64xf32, #tpu.memory_space<vmem>>) target(%dma_start3A_80 : memref<128x64xf32, #tpu.memory_space<hbm>>) target_semaphore(%run_scoped3A_73 : memref<!tpu.dma_semaphore, #tpu.memory_space<semaphore_mem>>)
      %dma_wait3A_84 = arith.constant 0 : i32
      %dma_wait3A_85 = arith.constant 0 : i32
      %dma_wait3A_86 = tpu.memref_slice %arg9[%dma_wait3A_84, %dma_wait3A_85] : memref<128x64xf32, #tpu.memory_space<vmem>> -> memref<128x64xf32, #tpu.memory_space<vmem>>
      %dma_wait3A_87 = arith.constant 0 : i32
      %dma_wait3A_88 = tpu.memref_slice %arg6[%add3A_55, %dma_wait3A_87] : memref<20000x64xf32, #tpu.memory_space<hbm>> -> memref<128x64xf32, #tpu.memory_space<hbm>>
      %dma_wait3A_89 = arith.constant 0 : i32
      %dma_wait3A_90 = tpu.memref_slice %arg6[%add3A_55, %dma_wait3A_89] : memref<20000x64xf32, #tpu.memory_space<hbm>> -> memref<128x64xf32, #tpu.memory_space<hbm>>
      %dma_wait3A_91 = arith.constant 0 : i32
      %dma_wait3A_92 = arith.constant 0 : i32
      %dma_wait3A_93 = tpu.memref_slice %arg9[%dma_wait3A_91, %dma_wait3A_92] : memref<128x64xf32, #tpu.memory_space<vmem>> -> memref<128x64xf32, #tpu.memory_space<vmem>>
      tpu.wait_dma2 semaphore(%run_scoped3A_73 : memref<!tpu.dma_semaphore, #tpu.memory_space<semaphore_mem>>) src(%dma_wait3A_93 : memref<128x64xf32, #tpu.memory_space<vmem>>) dst(%dma_wait3A_90 : memref<128x64xf32, #tpu.memory_space<hbm>>)
      tpu.yield
    }) : () -> ()
    %add3A_56 = arith.constant 384 : i32
    %add3A_57 = arith.addi %mul3A_0, %add3A_56 : i32
    "tpu.region"() ({
      %run_scoped3A_73 = tpu.sem_alloc : memref<!tpu.dma_semaphore, #tpu.memory_space<semaphore_mem>>
      %dma_start3A_74 = arith.constant 0 : i32
      %dma_start3A_75 = arith.constant 0 : i32
      %dma_start3A_76 = tpu.memref_slice %arg10[%dma_start3A_74, %dma_start3A_75] : memref<128x64xf32, #tpu.memory_space<vmem>> -> memref<128x64xf32, #tpu.memory_space<vmem>>
      %dma_start3A_77 = arith.constant 0 : i32
      %dma_start3A_78 = tpu.memref_slice %arg11[%add3A_57, %dma_start3A_77] : memref<10008x64xf32, #tpu.memory_space<vmem_shared>> -> memref<128x64xf32, #tpu.memory_space<vmem_shared>>
      %dma_start3A_79 = arith.constant 0 : i32
      %dma_start3A_80 = arith.constant 0 : i32
      %dma_start3A_81 = tpu.memref_slice %arg10[%dma_start3A_79, %dma_start3A_80] : memref<128x64xf32, #tpu.memory_space<vmem>> -> memref<128x64xf32, #tpu.memory_space<vmem>>
      %dma_start3A_82 = arith.constant 0 : i32
      %dma_start3A_83 = tpu.memref_slice %arg11[%add3A_57, %dma_start3A_82] : memref<10008x64xf32, #tpu.memory_space<vmem_shared>> -> memref<128x64xf32, #tpu.memory_space<vmem_shared>>
      tpu.enqueue_dma source(%dma_start3A_83 : memref<128x64xf32, #tpu.memory_space<vmem_shared>>) target(%dma_start3A_81 : memref<128x64xf32, #tpu.memory_space<vmem>>) target_semaphore(%run_scoped3A_73 : memref<!tpu.dma_semaphore, #tpu.memory_space<semaphore_mem>>)
      %dma_wait3A_84 = arith.constant 0 : i32
      %dma_wait3A_85 = arith.constant 0 : i32
      %dma_wait3A_86 = tpu.memref_slice %arg10[%dma_wait3A_84, %dma_wait3A_85] : memref<128x64xf32, #tpu.memory_space<vmem>> -> memref<128x64xf32, #tpu.memory_space<vmem>>
      %dma_wait3A_87 = arith.constant 0 : i32
      %dma_wait3A_88 = tpu.memref_slice %arg11[%add3A_57, %dma_wait3A_87] : memref<10008x64xf32, #tpu.memory_space<vmem_shared>> -> memref<128x64xf32, #tpu.memory_space<vmem_shared>>
      %dma_wait3A_89 = arith.constant 0 : i32
      %dma_wait3A_90 = arith.constant 0 : i32
      %dma_wait3A_91 = tpu.memref_slice %arg10[%dma_wait3A_89, %dma_wait3A_90] : memref<128x64xf32, #tpu.memory_space<vmem>> -> memref<128x64xf32, #tpu.memory_space<vmem>>
      %dma_wait3A_92 = arith.constant 0 : i32
      %dma_wait3A_93 = tpu.memref_slice %arg11[%add3A_57, %dma_wait3A_92] : memref<10008x64xf32, #tpu.memory_space<vmem_shared>> -> memref<128x64xf32, #tpu.memory_space<vmem_shared>>
      tpu.wait_dma2 semaphore(%run_scoped3A_73 : memref<!tpu.dma_semaphore, #tpu.memory_space<semaphore_mem>>) src(%dma_wait3A_93 : memref<128x64xf32, #tpu.memory_space<vmem_shared>>) dst(%dma_wait3A_91 : memref<128x64xf32, #tpu.memory_space<vmem>>)
      tpu.yield
    }) : () -> ()
    %mul3A_58 = arith.constant 10000 : i32
    %mul3A_59 = arith.muli %arg0, %mul3A_58 : i32
    %add3A_60 = arith.addi %mul3A_59, %mul3A_0 : i32
    %add3A_61 = arith.constant 384 : i32
    %add3A_62 = arith.addi %add3A_60, %add3A_61 : i32
    "tpu.region"() ({
      %run_scoped3A_73 = tpu.sem_alloc : memref<!tpu.dma_semaphore, #tpu.memory_space<semaphore_mem>>
      %dma_start3A_74 = arith.constant 0 : i32
      %dma_start3A_75 = arith.constant 0 : i32
      %dma_start3A_76 = tpu.memref_slice %arg10[%dma_start3A_74, %dma_start3A_75] : memref<128x64xf32, #tpu.memory_space<vmem>> -> memref<128x64xf32, #tpu.memory_space<vmem>>
      %dma_start3A_77 = arith.constant 0 : i32
      %dma_start3A_78 = tpu.memref_slice %arg6[%add3A_62, %dma_start3A_77] : memref<20000x64xf32, #tpu.memory_space<hbm>> -> memref<128x64xf32, #tpu.memory_space<hbm>>
      %dma_start3A_79 = arith.constant 0 : i32
      %dma_start3A_80 = tpu.memref_slice %arg6[%add3A_62, %dma_start3A_79] : memref<20000x64xf32, #tpu.memory_space<hbm>> -> memref<128x64xf32, #tpu.memory_space<hbm>>
      %dma_start3A_81 = arith.constant 0 : i32
      %dma_start3A_82 = arith.constant 0 : i32
      %dma_start3A_83 = tpu.memref_slice %arg10[%dma_start3A_81, %dma_start3A_82] : memref<128x64xf32, #tpu.memory_space<vmem>> -> memref<128x64xf32, #tpu.memory_space<vmem>>
      tpu.enqueue_dma source(%dma_start3A_83 : memref<128x64xf32, #tpu.memory_space<vmem>>) target(%dma_start3A_80 : memref<128x64xf32, #tpu.memory_space<hbm>>) target_semaphore(%run_scoped3A_73 : memref<!tpu.dma_semaphore, #tpu.memory_space<semaphore_mem>>)
      %dma_wait3A_84 = arith.constant 0 : i32
      %dma_wait3A_85 = arith.constant 0 : i32
      %dma_wait3A_86 = tpu.memref_slice %arg10[%dma_wait3A_84, %dma_wait3A_85] : memref<128x64xf32, #tpu.memory_space<vmem>> -> memref<128x64xf32, #tpu.memory_space<vmem>>
      %dma_wait3A_87 = arith.constant 0 : i32
      %dma_wait3A_88 = tpu.memref_slice %arg6[%add3A_62, %dma_wait3A_87] : memref<20000x64xf32, #tpu.memory_space<hbm>> -> memref<128x64xf32, #tpu.memory_space<hbm>>
      %dma_wait3A_89 = arith.constant 0 : i32
      %dma_wait3A_90 = tpu.memref_slice %arg6[%add3A_62, %dma_wait3A_89] : memref<20000x64xf32, #tpu.memory_space<hbm>> -> memref<128x64xf32, #tpu.memory_space<hbm>>
      %dma_wait3A_91 = arith.constant 0 : i32
      %dma_wait3A_92 = arith.constant 0 : i32
      %dma_wait3A_93 = tpu.memref_slice %arg10[%dma_wait3A_91, %dma_wait3A_92] : memref<128x64xf32, #tpu.memory_space<vmem>> -> memref<128x64xf32, #tpu.memory_space<vmem>>
      tpu.wait_dma2 semaphore(%run_scoped3A_73 : memref<!tpu.dma_semaphore, #tpu.memory_space<semaphore_mem>>) src(%dma_wait3A_93 : memref<128x64xf32, #tpu.memory_space<vmem>>) dst(%dma_wait3A_90 : memref<128x64xf32, #tpu.memory_space<hbm>>)
      tpu.yield
    }) : () -> ()
    %lt3A_63 = arith.constant 15 : i32
    %lt3A_64 = arith.cmpi slt, %arg1, %lt3A_63 : i32
    %convert_element_type3A_65 = arith.extui %lt3A_64 : i1 to i32
    %cond3A_66 = arith.constant 0 : i32
    %cond3A_67 = arith.cmpi ne, %convert_element_type3A_65, %cond3A_66 : i32
    scf.if %cond3A_67 {
      %add3A_73 = arith.constant 512 : i32
      %add3A_74 = arith.addi %mul3A_0, %add3A_73 : i32
      "tpu.region"() ({
        %run_scoped3A_80 = tpu.sem_alloc : memref<!tpu.dma_semaphore, #tpu.memory_space<semaphore_mem>>
        %dma_start3A_81 = arith.constant 0 : i32
        %dma_start3A_82 = arith.constant 0 : i32
        %dma_start3A_83 = tpu.memref_slice %arg9[%dma_start3A_81, %dma_start3A_82] : memref<128x64xf32, #tpu.memory_space<vmem>> -> memref<120x64xf32, #tpu.memory_space<vmem>>
        %dma_start3A_84 = arith.constant 0 : i32
        %dma_start3A_85 = tpu.memref_slice %arg11[%add3A_74, %dma_start3A_84] : memref<10008x64xf32, #tpu.memory_space<vmem_shared>> -> memref<120x64xf32, #tpu.memory_space<vmem_shared>>
        %dma_start3A_86 = arith.constant 0 : i32
        %dma_start3A_87 = arith.constant 0 : i32
        %dma_start3A_88 = tpu.memref_slice %arg9[%dma_start3A_86, %dma_start3A_87] : memref<128x64xf32, #tpu.memory_space<vmem>> -> memref<120x64xf32, #tpu.memory_space<vmem>>
        %dma_start3A_89 = arith.constant 0 : i32
        %dma_start3A_90 = tpu.memref_slice %arg11[%add3A_74, %dma_start3A_89] : memref<10008x64xf32, #tpu.memory_space<vmem_shared>> -> memref<120x64xf32, #tpu.memory_space<vmem_shared>>
        tpu.enqueue_dma source(%dma_start3A_90 : memref<120x64xf32, #tpu.memory_space<vmem_shared>>) target(%dma_start3A_88 : memref<120x64xf32, #tpu.memory_space<vmem>>) target_semaphore(%run_scoped3A_80 : memref<!tpu.dma_semaphore, #tpu.memory_space<semaphore_mem>>)
        %dma_wait3A_91 = arith.constant 0 : i32
        %dma_wait3A_92 = arith.constant 0 : i32
        %dma_wait3A_93 = tpu.memref_slice %arg9[%dma_wait3A_91, %dma_wait3A_92] : memref<128x64xf32, #tpu.memory_space<vmem>> -> memref<120x64xf32, #tpu.memory_space<vmem>>
        %dma_wait3A_94 = arith.constant 0 : i32
        %dma_wait3A_95 = tpu.memref_slice %arg11[%add3A_74, %dma_wait3A_94] : memref<10008x64xf32, #tpu.memory_space<vmem_shared>> -> memref<120x64xf32, #tpu.memory_space<vmem_shared>>
        %dma_wait3A_96 = arith.constant 0 : i32
        %dma_wait3A_97 = arith.constant 0 : i32
        %dma_wait3A_98 = tpu.memref_slice %arg9[%dma_wait3A_96, %dma_wait3A_97] : memref<128x64xf32, #tpu.memory_space<vmem>> -> memref<120x64xf32, #tpu.memory_space<vmem>>
        %dma_wait3A_99 = arith.constant 0 : i32
        %dma_wait3A_100 = tpu.memref_slice %arg11[%add3A_74, %dma_wait3A_99] : memref<10008x64xf32, #tpu.memory_space<vmem_shared>> -> memref<120x64xf32, #tpu.memory_space<vmem_shared>>
        tpu.wait_dma2 semaphore(%run_scoped3A_80 : memref<!tpu.dma_semaphore, #tpu.memory_space<semaphore_mem>>) src(%dma_wait3A_100 : memref<120x64xf32, #tpu.memory_space<vmem_shared>>) dst(%dma_wait3A_98 : memref<120x64xf32, #tpu.memory_space<vmem>>)
        tpu.yield
      }) : () -> ()
      %mul3A_75 = arith.constant 10000 : i32
      %mul3A_76 = arith.muli %arg0, %mul3A_75 : i32
      %add3A_77 = arith.addi %mul3A_76, %mul3A_0 : i32
      %add3A_78 = arith.constant 512 : i32
      %add3A_79 = arith.addi %add3A_77, %add3A_78 : i32
      "tpu.region"() ({
        %run_scoped3A_80 = tpu.sem_alloc : memref<!tpu.dma_semaphore, #tpu.memory_space<semaphore_mem>>
        %dma_start3A_81 = arith.constant 0 : i32
        %dma_start3A_82 = arith.constant 0 : i32
        %dma_start3A_83 = tpu.memref_slice %arg9[%dma_start3A_81, %dma_start3A_82] : memref<128x64xf32, #tpu.memory_space<vmem>> -> memref<120x64xf32, #tpu.memory_space<vmem>>
        %dma_start3A_84 = arith.constant 0 : i32
        %dma_start3A_85 = tpu.memref_slice %arg6[%add3A_79, %dma_start3A_84] : memref<20000x64xf32, #tpu.memory_space<hbm>> -> memref<120x64xf32, #tpu.memory_space<hbm>>
        %dma_start3A_86 = arith.constant 0 : i32
        %dma_start3A_87 = tpu.memref_slice %arg6[%add3A_79, %dma_start3A_86] : memref<20000x64xf32, #tpu.memory_space<hbm>> -> memref<120x64xf32, #tpu.memory_space<hbm>>
        %dma_start3A_88 = arith.constant 0 : i32
        %dma_start3A_89 = arith.constant 0 : i32
        %dma_start3A_90 = tpu.memref_slice %arg9[%dma_start3A_88, %dma_start3A_89] : memref<128x64xf32, #tpu.memory_space<vmem>> -> memref<120x64xf32, #tpu.memory_space<vmem>>
        tpu.enqueue_dma source(%dma_start3A_90 : memref<120x64xf32, #tpu.memory_space<vmem>>) target(%dma_start3A_87 : memref<120x64xf32, #tpu.memory_space<hbm>>) target_semaphore(%run_scoped3A_80 : memref<!tpu.dma_semaphore, #tpu.memory_space<semaphore_mem>>)
        %dma_wait3A_91 = arith.constant 0 : i32
        %dma_wait3A_92 = arith.constant 0 : i32
        %dma_wait3A_93 = tpu.memref_slice %arg9[%dma_wait3A_91, %dma_wait3A_92] : memref<128x64xf32, #tpu.memory_space<vmem>> -> memref<120x64xf32, #tpu.memory_space<vmem>>
        %dma_wait3A_94 = arith.constant 0 : i32
        %dma_wait3A_95 = tpu.memref_slice %arg6[%add3A_79, %dma_wait3A_94] : memref<20000x64xf32, #tpu.memory_space<hbm>> -> memref<120x64xf32, #tpu.memory_space<hbm>>
        %dma_wait3A_96 = arith.constant 0 : i32
        %dma_wait3A_97 = tpu.memref_slice %arg6[%add3A_79, %dma_wait3A_96] : memref<20000x64xf32, #tpu.memory_space<hbm>> -> memref<120x64xf32, #tpu.memory_space<hbm>>
        %dma_wait3A_98 = arith.constant 0 : i32
        %dma_wait3A_99 = arith.constant 0 : i32
        %dma_wait3A_100 = tpu.memref_slice %arg9[%dma_wait3A_98, %dma_wait3A_99] : memref<128x64xf32, #tpu.memory_space<vmem>> -> memref<120x64xf32, #tpu.memory_space<vmem>>
        tpu.wait_dma2 semaphore(%run_scoped3A_80 : memref<!tpu.dma_semaphore, #tpu.memory_space<semaphore_mem>>) src(%dma_wait3A_100 : memref<120x64xf32, #tpu.memory_space<vmem>>) dst(%dma_wait3A_97 : memref<120x64xf32, #tpu.memory_space<hbm>>)
        tpu.yield
      }) : () -> ()
    } else {
    }
    %eq3A_68 = arith.constant 15 : i32
    %eq3A_69 = arith.cmpi eq, %arg1, %eq3A_68 : i32
    %convert_element_type3A_70 = arith.extui %eq3A_69 : i1 to i32
    %cond3A_71 = arith.constant 0 : i32
    %cond3A_72 = arith.cmpi ne, %convert_element_type3A_70, %cond3A_71 : i32
    scf.if %cond3A_72 {
      %add3A_73 = arith.constant 512 : i32
      %add3A_74 = arith.addi %mul3A_0, %add3A_73 : i32
      "tpu.region"() ({
        %run_scoped3A_80 = tpu.sem_alloc : memref<!tpu.dma_semaphore, #tpu.memory_space<semaphore_mem>>
        %dma_start3A_81 = arith.constant 0 : i32
        %dma_start3A_82 = arith.constant 0 : i32
        %dma_start3A_83 = tpu.memref_slice %arg9[%dma_start3A_81, %dma_start3A_82] : memref<128x64xf32, #tpu.memory_space<vmem>> -> memref<8x64xf32, #tpu.memory_space<vmem>>
        %dma_start3A_84 = arith.constant 0 : i32
        %dma_start3A_85 = tpu.memref_slice %arg11[%add3A_74, %dma_start3A_84] : memref<10008x64xf32, #tpu.memory_space<vmem_shared>> -> memref<8x64xf32, #tpu.memory_space<vmem_shared>>
        %dma_start3A_86 = arith.constant 0 : i32
        %dma_start3A_87 = arith.constant 0 : i32
        %dma_start3A_88 = tpu.memref_slice %arg9[%dma_start3A_86, %dma_start3A_87] : memref<128x64xf32, #tpu.memory_space<vmem>> -> memref<8x64xf32, #tpu.memory_space<vmem>>
        %dma_start3A_89 = arith.constant 0 : i32
        %dma_start3A_90 = tpu.memref_slice %arg11[%add3A_74, %dma_start3A_89] : memref<10008x64xf32, #tpu.memory_space<vmem_shared>> -> memref<8x64xf32, #tpu.memory_space<vmem_shared>>
        tpu.enqueue_dma source(%dma_start3A_90 : memref<8x64xf32, #tpu.memory_space<vmem_shared>>) target(%dma_start3A_88 : memref<8x64xf32, #tpu.memory_space<vmem>>) target_semaphore(%run_scoped3A_80 : memref<!tpu.dma_semaphore, #tpu.memory_space<semaphore_mem>>)
        %dma_wait3A_91 = arith.constant 0 : i32
        %dma_wait3A_92 = arith.constant 0 : i32
        %dma_wait3A_93 = tpu.memref_slice %arg9[%dma_wait3A_91, %dma_wait3A_92] : memref<128x64xf32, #tpu.memory_space<vmem>> -> memref<8x64xf32, #tpu.memory_space<vmem>>
        %dma_wait3A_94 = arith.constant 0 : i32
        %dma_wait3A_95 = tpu.memref_slice %arg11[%add3A_74, %dma_wait3A_94] : memref<10008x64xf32, #tpu.memory_space<vmem_shared>> -> memref<8x64xf32, #tpu.memory_space<vmem_shared>>
        %dma_wait3A_96 = arith.constant 0 : i32
        %dma_wait3A_97 = arith.constant 0 : i32
        %dma_wait3A_98 = tpu.memref_slice %arg9[%dma_wait3A_96, %dma_wait3A_97] : memref<128x64xf32, #tpu.memory_space<vmem>> -> memref<8x64xf32, #tpu.memory_space<vmem>>
        %dma_wait3A_99 = arith.constant 0 : i32
        %dma_wait3A_100 = tpu.memref_slice %arg11[%add3A_74, %dma_wait3A_99] : memref<10008x64xf32, #tpu.memory_space<vmem_shared>> -> memref<8x64xf32, #tpu.memory_space<vmem_shared>>
        tpu.wait_dma2 semaphore(%run_scoped3A_80 : memref<!tpu.dma_semaphore, #tpu.memory_space<semaphore_mem>>) src(%dma_wait3A_100 : memref<8x64xf32, #tpu.memory_space<vmem_shared>>) dst(%dma_wait3A_98 : memref<8x64xf32, #tpu.memory_space<vmem>>)
        tpu.yield
      }) : () -> ()
      %mul3A_75 = arith.constant 10000 : i32
      %mul3A_76 = arith.muli %arg0, %mul3A_75 : i32
      %add3A_77 = arith.addi %mul3A_76, %mul3A_0 : i32
      %add3A_78 = arith.constant 512 : i32
      %add3A_79 = arith.addi %add3A_77, %add3A_78 : i32
      "tpu.region"() ({
        %run_scoped3A_80 = tpu.sem_alloc : memref<!tpu.dma_semaphore, #tpu.memory_space<semaphore_mem>>
        %dma_start3A_81 = arith.constant 0 : i32
        %dma_start3A_82 = arith.constant 0 : i32
        %dma_start3A_83 = tpu.memref_slice %arg9[%dma_start3A_81, %dma_start3A_82] : memref<128x64xf32, #tpu.memory_space<vmem>> -> memref<8x64xf32, #tpu.memory_space<vmem>>
        %dma_start3A_84 = arith.constant 0 : i32
        %dma_start3A_85 = tpu.memref_slice %arg6[%add3A_79, %dma_start3A_84] : memref<20000x64xf32, #tpu.memory_space<hbm>> -> memref<8x64xf32, #tpu.memory_space<hbm>>
        %dma_start3A_86 = arith.constant 0 : i32
        %dma_start3A_87 = tpu.memref_slice %arg6[%add3A_79, %dma_start3A_86] : memref<20000x64xf32, #tpu.memory_space<hbm>> -> memref<8x64xf32, #tpu.memory_space<hbm>>
        %dma_start3A_88 = arith.constant 0 : i32
        %dma_start3A_89 = arith.constant 0 : i32
        %dma_start3A_90 = tpu.memref_slice %arg9[%dma_start3A_88, %dma_start3A_89] : memref<128x64xf32, #tpu.memory_space<vmem>> -> memref<8x64xf32, #tpu.memory_space<vmem>>
        tpu.enqueue_dma source(%dma_start3A_90 : memref<8x64xf32, #tpu.memory_space<vmem>>) target(%dma_start3A_87 : memref<8x64xf32, #tpu.memory_space<hbm>>) target_semaphore(%run_scoped3A_80 : memref<!tpu.dma_semaphore, #tpu.memory_space<semaphore_mem>>)
        %dma_wait3A_91 = arith.constant 0 : i32
        %dma_wait3A_92 = arith.constant 0 : i32
        %dma_wait3A_93 = tpu.memref_slice %arg9[%dma_wait3A_91, %dma_wait3A_92] : memref<128x64xf32, #tpu.memory_space<vmem>> -> memref<8x64xf32, #tpu.memory_space<vmem>>
        %dma_wait3A_94 = arith.constant 0 : i32
        %dma_wait3A_95 = tpu.memref_slice %arg6[%add3A_79, %dma_wait3A_94] : memref<20000x64xf32, #tpu.memory_space<hbm>> -> memref<8x64xf32, #tpu.memory_space<hbm>>
        %dma_wait3A_96 = arith.constant 0 : i32
        %dma_wait3A_97 = tpu.memref_slice %arg6[%add3A_79, %dma_wait3A_96] : memref<20000x64xf32, #tpu.memory_space<hbm>> -> memref<8x64xf32, #tpu.memory_space<hbm>>
        %dma_wait3A_98 = arith.constant 0 : i32
        %dma_wait3A_99 = arith.constant 0 : i32
        %dma_wait3A_100 = tpu.memref_slice %arg9[%dma_wait3A_98, %dma_wait3A_99] : memref<128x64xf32, #tpu.memory_space<vmem>> -> memref<8x64xf32, #tpu.memory_space<vmem>>
        tpu.wait_dma2 semaphore(%run_scoped3A_80 : memref<!tpu.dma_semaphore, #tpu.memory_space<semaphore_mem>>) src(%dma_wait3A_100 : memref<8x64xf32, #tpu.memory_space<vmem>>) dst(%dma_wait3A_97 : memref<8x64xf32, #tpu.memory_space<hbm>>)
        tpu.yield
      }) : () -> ()
    } else {
    }
    return
  }
}

module attributes {stable_mosaic.version = 14 : i64} {
  func.func @_tc_a_body(%arg0: i32, %arg1: i32, %arg2: memref<2000x128xf32, #tpu.memory_space<vmem>>, %arg3: memref<2000x64xf32, #tpu.memory_space<vmem>>, %arg4: memref<2000x64xf32, #tpu.memory_space<vmem>>, %arg5: memref<128x10xf32, #tpu.memory_space<vmem>>, %arg6: memref<1x10xf32, #tpu.memory_space<vmem>>, %arg7: memref<1x10xf32, #tpu.memory_space<vmem>>, %arg8: memref<1x10xf32, #tpu.memory_space<vmem>>, %arg9: memref<128x128xf32, #tpu.memory_space<vmem>>, %arg10: memref<1x128xf32, #tpu.memory_space<vmem>>, %arg11: memref<1x128xf32, #tpu.memory_space<vmem>>, %arg12: memref<1x128xf32, #tpu.memory_space<vmem>>, %arg13: memref<128x10xf32, #tpu.memory_space<vmem>>, %arg14: memref<1x10xf32, #tpu.memory_space<vmem>>, %arg15: memref<1x10xf32, #tpu.memory_space<vmem>>, %arg16: memref<1x10xf32, #tpu.memory_space<vmem>>, %arg17: memref<2000x128xf32, #tpu.memory_space<vmem>>, %arg18: memref<2000x10xf32, #tpu.memory_space<vmem>>, %arg19: memref<2000x10xf32, #tpu.memory_space<vmem>>, %arg20: memref<10000x128xf32, #tpu.memory_space<vmem>>, %arg21: memref<10000x10xf32, #tpu.memory_space<vmem>>, %arg22: memref<10000x10xf32, #tpu.memory_space<vmem>>, %arg23: memref<8x128xf32, #tpu.memory_space<vmem>>, %arg24: memref<8x128xf32, #tpu.memory_space<vmem>>, %arg25: memref<8x10xf32, #tpu.memory_space<vmem>>, %arg26: memref<8x10xf32, #tpu.memory_space<vmem>>, %arg27: memref<8x10xf32, #tpu.memory_space<vmem>>, %arg28: memref<8x10xf32, #tpu.memory_space<vmem>>) attributes {dimension_semantics = [#tpu.dimension_semantics<arbitrary>, #tpu.dimension_semantics<arbitrary>], iteration_bounds = array<i64: 3, 5>, scalar_prefetch = 0 : i64, scratch_operands = 9 : i64, tpu.core_type = #tpu.core_type<tc>, window_params = [{transform_indices = @transform_0, window_bounds = array<i64: 2000, 128>}, {transform_indices = @transform_1, window_bounds = array<i64: 2000, 64>}, {transform_indices = @transform_2, window_bounds = array<i64: 2000, 64>}, {pipeline_mode = #tpu.pipeline_mode<synchronous>, transform_indices = @transform_3, window_bounds = array<i64: 128, 10>}, {pipeline_mode = #tpu.pipeline_mode<synchronous>, transform_indices = @transform_4, window_bounds = array<i64: 1, 10>}, {pipeline_mode = #tpu.pipeline_mode<synchronous>, transform_indices = @transform_5, window_bounds = array<i64: 1, 10>}, {pipeline_mode = #tpu.pipeline_mode<synchronous>, transform_indices = @transform_6, window_bounds = array<i64: 1, 10>}, {pipeline_mode = #tpu.pipeline_mode<synchronous>, transform_indices = @transform_7, window_bounds = array<i64: 128, 128>}, {pipeline_mode = #tpu.pipeline_mode<synchronous>, transform_indices = @transform_8, window_bounds = array<i64: 1, 128>}, {pipeline_mode = #tpu.pipeline_mode<synchronous>, transform_indices = @transform_9, window_bounds = array<i64: 1, 128>}, {pipeline_mode = #tpu.pipeline_mode<synchronous>, transform_indices = @transform_10, window_bounds = array<i64: 1, 128>}, {pipeline_mode = #tpu.pipeline_mode<synchronous>, transform_indices = @transform_11, window_bounds = array<i64: 128, 10>}, {pipeline_mode = #tpu.pipeline_mode<synchronous>, transform_indices = @transform_12, window_bounds = array<i64: 1, 10>}, {pipeline_mode = #tpu.pipeline_mode<synchronous>, transform_indices = @transform_13, window_bounds = array<i64: 1, 10>}, {pipeline_mode = #tpu.pipeline_mode<synchronous>, transform_indices = @transform_14, window_bounds = array<i64: 1, 10>}, {transform_indices = @transform_15, window_bounds = array<i64: 2000, 128>}, {transform_indices = @transform_16, window_bounds = array<i64: 2000, 10>}, {transform_indices = @transform_17, window_bounds = array<i64: 2000, 10>}]} {
    %mul3A = arith.constant 2000 : i32
    %mul3A_0 = arith.muli %arg1, %mul3A : i32
    %eq3A = arith.constant 0 : i32
    %eq3A_1 = arith.cmpi eq, %arg0, %eq3A : i32
    %convert_element_type3A = arith.extui %eq3A_1 : i1 to i32
    %cond3A = arith.constant 0 : i32
    %cond3A_2 = arith.cmpi ne, %convert_element_type3A, %cond3A : i32
    scf.if %cond3A_2 {
      %get3A = arith.constant 0 : index
      %get3A_13 = arith.constant 0 : index
      %get3A_14 = vector.load %arg2[%get3A, %get3A_13] : memref<2000x128xf32, #tpu.memory_space<vmem>>, vector<2000x128xf32>
      %get3A_15 = arith.constant 0 : index
      %get3A_16 = arith.constant 0 : index
      %get3A_17 = vector.load %arg5[%get3A_15, %get3A_16] : memref<128x10xf32, #tpu.memory_space<vmem>>, vector<128x10xf32>
      %get3A_18 = arith.constant 0 : index
      %get3A_19 = arith.constant 0 : index
      %get3A_20 = vector.load %arg6[%get3A_18, %get3A_19] : memref<1x10xf32, #tpu.memory_space<vmem>>, vector<1x10xf32>
      %dot_general3A = arith.constant dense<0.000000e+00> : vector<2000x10xf32>
      %dot_general3A_21 = tpu.matmul %get3A_14, %get3A_17, %dot_general3A {dimension_numbers = #tpu.dot_dimension_numbers<[1], [0], [0], [1], [0, 0, 1, 1], [], []>, transpose_lhs_hint = false} : vector<2000x128xf32>, vector<128x10xf32>, vector<2000x10xf32> -> vector<2000x10xf32>
      %add3A = vector.broadcast %get3A_20 : vector<1x10xf32> to vector<2000x10xf32>
      %add3A_22 = arith.addf %dot_general3A_21, %add3A : vector<2000x10xf32>
      %swap3A = arith.index_cast %mul3A_0 : i32 to index
      %swap3A_23 = arith.constant 0 : index
      %swap3A_24 = vector.load %arg21[%swap3A, %swap3A_23] : memref<10000x10xf32, #tpu.memory_space<vmem>>, vector<2000x10xf32>
      tpu.vector_store %arg21[%swap3A, %swap3A_23], %add3A_22 {strides = array<i32>} : memref<10000x10xf32, #tpu.memory_space<vmem>>, vector<2000x10xf32>,
      %reduce_sum3A = arith.constant dense<0.000000e+00> : vector<10xf32>
      %reduce_sum3A_25 = vector.multi_reduction <add>, %add3A_22, %reduce_sum3A [0] : vector<2000x10xf32> to vector<10xf32>
      %broadcast_in_dim3A = vector.shape_cast %reduce_sum3A_25 : vector<10xf32> to vector<1x10xf32>
      %mul3A_26 = arith.mulf %add3A_22, %add3A_22 : vector<2000x10xf32>
      %reduce_sum3A_27 = arith.constant dense<0.000000e+00> : vector<10xf32>
      %reduce_sum3A_28 = vector.multi_reduction <add>, %mul3A_26, %reduce_sum3A_27 [0] : vector<2000x10xf32> to vector<10xf32>
      %broadcast_in_dim3A_29 = vector.shape_cast %reduce_sum3A_28 : vector<10xf32> to vector<1x10xf32>
      %eq3A_30 = arith.constant 0 : i32
      %eq3A_31 = arith.cmpi eq, %arg1, %eq3A_30 : i32
      %get3A_32 = arith.constant 0 : index
      %get3A_33 = arith.constant 0 : index
      %get3A_34 = vector.load %arg25[%get3A_32, %get3A_33] : memref<8x10xf32, #tpu.memory_space<vmem>>, vector<1x10xf32>
      %add3A_35 = arith.addf %get3A_34, %broadcast_in_dim3A : vector<1x10xf32>
      %select_n3A = arith.select %eq3A_31, %broadcast_in_dim3A, %add3A_35 : vector<1x10xf32>
      %swap3A_36 = arith.constant 0 : index
      %swap3A_37 = arith.constant 0 : index
      %swap3A_38 = vector.load %arg25[%swap3A_36, %swap3A_37] : memref<8x10xf32, #tpu.memory_space<vmem>>, vector<1x10xf32>
      tpu.vector_store %arg25[%swap3A_36, %swap3A_37], %select_n3A {strides = array<i32>} : memref<8x10xf32, #tpu.memory_space<vmem>>, vector<1x10xf32>,
      %eq3A_39 = arith.constant 0 : i32
      %eq3A_40 = arith.cmpi eq, %arg1, %eq3A_39 : i32
      %get3A_41 = arith.constant 0 : index
      %get3A_42 = arith.constant 0 : index
      %get3A_43 = vector.load %arg26[%get3A_41, %get3A_42] : memref<8x10xf32, #tpu.memory_space<vmem>>, vector<1x10xf32>
      %add3A_44 = arith.addf %get3A_43, %broadcast_in_dim3A_29 : vector<1x10xf32>
      %select_n3A_45 = arith.select %eq3A_40, %broadcast_in_dim3A_29, %add3A_44 : vector<1x10xf32>
      %swap3A_46 = arith.constant 0 : index
      %swap3A_47 = arith.constant 0 : index
      %swap3A_48 = vector.load %arg26[%swap3A_46, %swap3A_47] : memref<8x10xf32, #tpu.memory_space<vmem>>, vector<1x10xf32>
      tpu.vector_store %arg26[%swap3A_46, %swap3A_47], %select_n3A_45 {strides = array<i32>} : memref<8x10xf32, #tpu.memory_space<vmem>>, vector<1x10xf32>,
      %get3A_49 = arith.constant 0 : index
      %get3A_50 = arith.constant 0 : index
      %get3A_51 = vector.load %arg3[%get3A_49, %get3A_50] : memref<2000x64xf32, #tpu.memory_space<vmem>>, vector<2000x64xf32>
      %get3A_52 = arith.constant 0 : index
      %get3A_53 = arith.constant 0 : index
      %get3A_54 = vector.load %arg4[%get3A_52, %get3A_53] : memref<2000x64xf32, #tpu.memory_space<vmem>>, vector<2000x64xf32>
      %concatenate3A = tpu.concatenate %get3A_51, %get3A_54 in 1 : vector<2000x64xf32>, vector<2000x64xf32> -> vector<2000x128xf32>
      %add3A_55 = arith.addf %get3A_14, %concatenate3A : vector<2000x128xf32>
      %get3A_56 = arith.constant 0 : index
      %get3A_57 = arith.constant 0 : index
      %get3A_58 = vector.load %arg9[%get3A_56, %get3A_57] : memref<128x128xf32, #tpu.memory_space<vmem>>, vector<128x128xf32>
      %get3A_59 = arith.constant 0 : index
      %get3A_60 = arith.constant 0 : index
      %get3A_61 = vector.load %arg10[%get3A_59, %get3A_60] : memref<1x128xf32, #tpu.memory_space<vmem>>, vector<1x128xf32>
      %dot_general3A_62 = arith.constant dense<0.000000e+00> : vector<2000x128xf32>
      %dot_general3A_63 = tpu.matmul %add3A_55, %get3A_58, %dot_general3A_62 {dimension_numbers = #tpu.dot_dimension_numbers<[1], [0], [0], [1], [0, 0, 1, 1], [], []>, transpose_lhs_hint = false} : vector<2000x128xf32>, vector<128x128xf32>, vector<2000x128xf32> -> vector<2000x128xf32>
      %add3A_64 = vector.broadcast %get3A_61 : vector<1x128xf32> to vector<2000x128xf32>
      %add3A_65 = arith.addf %dot_general3A_63, %add3A_64 : vector<2000x128xf32>
      %swap3A_66 = arith.index_cast %mul3A_0 : i32 to index
      %swap3A_67 = arith.constant 0 : index
      %swap3A_68 = vector.load %arg20[%swap3A_66, %swap3A_67] : memref<10000x128xf32, #tpu.memory_space<vmem>>, vector<2000x128xf32>
      tpu.vector_store %arg20[%swap3A_66, %swap3A_67], %add3A_65 {strides = array<i32>} : memref<10000x128xf32, #tpu.memory_space<vmem>>, vector<2000x128xf32>,
      %reduce_sum3A_69 = arith.constant dense<0.000000e+00> : vector<128xf32>
      %reduce_sum3A_70 = vector.multi_reduction <add>, %add3A_65, %reduce_sum3A_69 [0] : vector<2000x128xf32> to vector<128xf32>
      %broadcast_in_dim3A_71 = vector.shape_cast %reduce_sum3A_70 : vector<128xf32> to vector<1x128xf32>
      %mul3A_72 = arith.mulf %add3A_65, %add3A_65 : vector<2000x128xf32>
      %reduce_sum3A_73 = arith.constant dense<0.000000e+00> : vector<128xf32>
      %reduce_sum3A_74 = vector.multi_reduction <add>, %mul3A_72, %reduce_sum3A_73 [0] : vector<2000x128xf32> to vector<128xf32>
      %broadcast_in_dim3A_75 = vector.shape_cast %reduce_sum3A_74 : vector<128xf32> to vector<1x128xf32>
      %eq3A_76 = arith.constant 0 : i32
      %eq3A_77 = arith.cmpi eq, %arg1, %eq3A_76 : i32
      %get3A_78 = arith.constant 0 : index
      %get3A_79 = arith.constant 0 : index
      %get3A_80 = vector.load %arg23[%get3A_78, %get3A_79] : memref<8x128xf32, #tpu.memory_space<vmem>>, vector<1x128xf32>
      %add3A_81 = arith.addf %get3A_80, %broadcast_in_dim3A_71 : vector<1x128xf32>
      %select_n3A_82 = arith.select %eq3A_77, %broadcast_in_dim3A_71, %add3A_81 : vector<1x128xf32>
      %swap3A_83 = arith.constant 0 : index
      %swap3A_84 = arith.constant 0 : index
      %swap3A_85 = vector.load %arg23[%swap3A_83, %swap3A_84] : memref<8x128xf32, #tpu.memory_space<vmem>>, vector<1x128xf32>
      tpu.vector_store %arg23[%swap3A_83, %swap3A_84], %select_n3A_82 {strides = array<i32>} : memref<8x128xf32, #tpu.memory_space<vmem>>, vector<1x128xf32>,
      %eq3A_86 = arith.constant 0 : i32
      %eq3A_87 = arith.cmpi eq, %arg1, %eq3A_86 : i32
      %get3A_88 = arith.constant 0 : index
      %get3A_89 = arith.constant 0 : index
      %get3A_90 = vector.load %arg24[%get3A_88, %get3A_89] : memref<8x128xf32, #tpu.memory_space<vmem>>, vector<1x128xf32>
      %add3A_91 = arith.addf %get3A_90, %broadcast_in_dim3A_75 : vector<1x128xf32>
      %select_n3A_92 = arith.select %eq3A_87, %broadcast_in_dim3A_75, %add3A_91 : vector<1x128xf32>
      %swap3A_93 = arith.constant 0 : index
      %swap3A_94 = arith.constant 0 : index
      %swap3A_95 = vector.load %arg24[%swap3A_93, %swap3A_94] : memref<8x128xf32, #tpu.memory_space<vmem>>, vector<1x128xf32>
      tpu.vector_store %arg24[%swap3A_93, %swap3A_94], %select_n3A_92 {strides = array<i32>} : memref<8x128xf32, #tpu.memory_space<vmem>>, vector<1x128xf32>,
    } else {
    }
    %eq3A_3 = arith.constant 1 : i32
    %eq3A_4 = arith.cmpi eq, %arg0, %eq3A_3 : i32
    %convert_element_type3A_5 = arith.extui %eq3A_4 : i1 to i32
    %cond3A_6 = arith.constant 0 : i32
    %cond3A_7 = arith.cmpi ne, %convert_element_type3A_5, %cond3A_6 : i32
    scf.if %cond3A_7 {
      %get3A = arith.index_cast %mul3A_0 : i32 to index
      %get3A_13 = arith.constant 0 : index
      %get3A_14 = vector.load %arg20[%get3A, %get3A_13] : memref<10000x128xf32, #tpu.memory_space<vmem>>, vector<2000x128xf32>
      %get3A_15 = arith.constant 0 : index
      %get3A_16 = arith.constant 0 : index
      %get3A_17 = vector.load %arg11[%get3A_15, %get3A_16] : memref<1x128xf32, #tpu.memory_space<vmem>>, vector<1x128xf32>
      %get3A_18 = arith.constant 0 : index
      %get3A_19 = arith.constant 0 : index
      %get3A_20 = vector.load %arg12[%get3A_18, %get3A_19] : memref<1x128xf32, #tpu.memory_space<vmem>>, vector<1x128xf32>
      %get3A_21 = arith.constant 0 : index
      %get3A_22 = arith.constant 0 : index
      %get3A_23 = vector.load %arg23[%get3A_21, %get3A_22] : memref<8x128xf32, #tpu.memory_space<vmem>>, vector<1x128xf32>
      %mul3A_24 = arith.constant 9.99999974E-5 : f32
      %mul3A_25 = vector.broadcast %mul3A_24 : f32 to vector<1x128xf32>
      %mul3A_26 = arith.mulf %get3A_23, %mul3A_25 : vector<1x128xf32>
      %get3A_27 = arith.constant 0 : index
      %get3A_28 = arith.constant 0 : index
      %get3A_29 = vector.load %arg24[%get3A_27, %get3A_28] : memref<8x128xf32, #tpu.memory_space<vmem>>, vector<1x128xf32>
      %mul3A_30 = arith.constant 9.99999974E-5 : f32
      %mul3A_31 = vector.broadcast %mul3A_30 : f32 to vector<1x128xf32>
      %mul3A_32 = arith.mulf %get3A_29, %mul3A_31 : vector<1x128xf32>
      %mul3A_33 = arith.mulf %mul3A_26, %mul3A_26 : vector<1x128xf32>
      %sub3A = arith.subf %mul3A_32, %mul3A_33 : vector<1x128xf32>
      %sub3A_34 = vector.broadcast %mul3A_26 : vector<1x128xf32> to vector<2000x128xf32>
      %sub3A_35 = arith.subf %get3A_14, %sub3A_34 : vector<2000x128xf32>
      %add3A = arith.constant 9.99999974E-6 : f32
      %add3A_36 = vector.broadcast %add3A : f32 to vector<1x128xf32>
      %add3A_37 = arith.addf %sub3A, %add3A_36 : vector<1x128xf32>
      %rsqrt3A = math.rsqrt %add3A_37 : vector<1x128xf32>
      %mul3A_38 = vector.broadcast %rsqrt3A : vector<1x128xf32> to vector<2000x128xf32>
      %mul3A_39 = arith.mulf %sub3A_35, %mul3A_38 : vector<2000x128xf32>
      %mul3A_40 = vector.broadcast %get3A_17 : vector<1x128xf32> to vector<2000x128xf32>
      %mul3A_41 = arith.mulf %mul3A_39, %mul3A_40 : vector<2000x128xf32>
      %add3A_42 = vector.broadcast %get3A_20 : vector<1x128xf32> to vector<2000x128xf32>
      %add3A_43 = arith.addf %mul3A_41, %add3A_42 : vector<2000x128xf32>
      %gt3A = arith.constant 0.000000e+00 : f32
      %gt3A_44 = vector.broadcast %gt3A : f32 to vector<2000x128xf32>
      %gt3A_45 = arith.cmpf ogt, %add3A_43, %gt3A_44 : vector<2000x128xf32>
      %min3A = arith.constant 0.000000e+00 : f32
      %min3A_46 = vector.broadcast %min3A : f32 to vector<2000x128xf32>
      %min3A_47 = arith.minimumf %add3A_43, %min3A_46 : vector<2000x128xf32>
      %exp3A = math.exp %min3A_47 : vector<2000x128xf32>
      %sub3A_48 = arith.constant 1.000000e+00 : f32
      %sub3A_49 = vector.broadcast %sub3A_48 : f32 to vector<2000x128xf32>
      %sub3A_50 = arith.subf %exp3A, %sub3A_49 : vector<2000x128xf32>
      %select_n3A = arith.select %gt3A_45, %add3A_43, %sub3A_50 : vector<2000x128xi1>, vector<2000x128xf32>
      %swap3A = arith.index_cast %mul3A_0 : i32 to index
      %swap3A_51 = arith.constant 0 : index
      %swap3A_52 = vector.load %arg20[%swap3A, %swap3A_51] : memref<10000x128xf32, #tpu.memory_space<vmem>>, vector<2000x128xf32>
      tpu.vector_store %arg20[%swap3A, %swap3A_51], %select_n3A {strides = array<i32>} : memref<10000x128xf32, #tpu.memory_space<vmem>>, vector<2000x128xf32>,
      %get3A_53 = arith.constant 0 : index
      %get3A_54 = arith.constant 0 : index
      %get3A_55 = vector.load %arg13[%get3A_53, %get3A_54] : memref<128x10xf32, #tpu.memory_space<vmem>>, vector<128x10xf32>
      %get3A_56 = arith.constant 0 : index
      %get3A_57 = arith.constant 0 : index
      %get3A_58 = vector.load %arg14[%get3A_56, %get3A_57] : memref<1x10xf32, #tpu.memory_space<vmem>>, vector<1x10xf32>
      %dot_general3A = arith.constant dense<0.000000e+00> : vector<2000x10xf32>
      %dot_general3A_59 = tpu.matmul %select_n3A, %get3A_55, %dot_general3A {dimension_numbers = #tpu.dot_dimension_numbers<[1], [0], [0], [1], [0, 0, 1, 1], [], []>, transpose_lhs_hint = false} : vector<2000x128xf32>, vector<128x10xf32>, vector<2000x10xf32> -> vector<2000x10xf32>
      %add3A_60 = vector.broadcast %get3A_58 : vector<1x10xf32> to vector<2000x10xf32>
      %add3A_61 = arith.addf %dot_general3A_59, %add3A_60 : vector<2000x10xf32>
      %swap3A_62 = arith.index_cast %mul3A_0 : i32 to index
      %swap3A_63 = arith.constant 0 : index
      %swap3A_64 = vector.load %arg22[%swap3A_62, %swap3A_63] : memref<10000x10xf32, #tpu.memory_space<vmem>>, vector<2000x10xf32>
      tpu.vector_store %arg22[%swap3A_62, %swap3A_63], %add3A_61 {strides = array<i32>} : memref<10000x10xf32, #tpu.memory_space<vmem>>, vector<2000x10xf32>,
      %reduce_sum3A = arith.constant dense<0.000000e+00> : vector<10xf32>
      %reduce_sum3A_65 = vector.multi_reduction <add>, %add3A_61, %reduce_sum3A [0] : vector<2000x10xf32> to vector<10xf32>
      %broadcast_in_dim3A = vector.shape_cast %reduce_sum3A_65 : vector<10xf32> to vector<1x10xf32>
      %mul3A_66 = arith.mulf %add3A_61, %add3A_61 : vector<2000x10xf32>
      %reduce_sum3A_67 = arith.constant dense<0.000000e+00> : vector<10xf32>
      %reduce_sum3A_68 = vector.multi_reduction <add>, %mul3A_66, %reduce_sum3A_67 [0] : vector<2000x10xf32> to vector<10xf32>
      %broadcast_in_dim3A_69 = vector.shape_cast %reduce_sum3A_68 : vector<10xf32> to vector<1x10xf32>
      %eq3A_70 = arith.constant 0 : i32
      %eq3A_71 = arith.cmpi eq, %arg1, %eq3A_70 : i32
      %get3A_72 = arith.constant 0 : index
      %get3A_73 = arith.constant 0 : index
      %get3A_74 = vector.load %arg27[%get3A_72, %get3A_73] : memref<8x10xf32, #tpu.memory_space<vmem>>, vector<1x10xf32>
      %add3A_75 = arith.addf %get3A_74, %broadcast_in_dim3A : vector<1x10xf32>
      %select_n3A_76 = arith.select %eq3A_71, %broadcast_in_dim3A, %add3A_75 : vector<1x10xf32>
      %swap3A_77 = arith.constant 0 : index
      %swap3A_78 = arith.constant 0 : index
      %swap3A_79 = vector.load %arg27[%swap3A_77, %swap3A_78] : memref<8x10xf32, #tpu.memory_space<vmem>>, vector<1x10xf32>
      tpu.vector_store %arg27[%swap3A_77, %swap3A_78], %select_n3A_76 {strides = array<i32>} : memref<8x10xf32, #tpu.memory_space<vmem>>, vector<1x10xf32>,
      %eq3A_80 = arith.constant 0 : i32
      %eq3A_81 = arith.cmpi eq, %arg1, %eq3A_80 : i32
      %get3A_82 = arith.constant 0 : index
      %get3A_83 = arith.constant 0 : index
      %get3A_84 = vector.load %arg28[%get3A_82, %get3A_83] : memref<8x10xf32, #tpu.memory_space<vmem>>, vector<1x10xf32>
      %add3A_85 = arith.addf %get3A_84, %broadcast_in_dim3A_69 : vector<1x10xf32>
      %select_n3A_86 = arith.select %eq3A_81, %broadcast_in_dim3A_69, %add3A_85 : vector<1x10xf32>
      %swap3A_87 = arith.constant 0 : index
      %swap3A_88 = arith.constant 0 : index
      %swap3A_89 = vector.load %arg28[%swap3A_87, %swap3A_88] : memref<8x10xf32, #tpu.memory_space<vmem>>, vector<1x10xf32>
      tpu.vector_store %arg28[%swap3A_87, %swap3A_88], %select_n3A_86 {strides = array<i32>} : memref<8x10xf32, #tpu.memory_space<vmem>>, vector<1x10xf32>,
    } else {
    }
    %eq3A_8 = arith.constant 2 : i32
    %eq3A_9 = arith.cmpi eq, %arg0, %eq3A_8 : i32
    %convert_element_type3A_10 = arith.extui %eq3A_9 : i1 to i32
    %cond3A_11 = arith.constant 0 : i32
    %cond3A_12 = arith.cmpi ne, %convert_element_type3A_10, %cond3A_11 : i32
    scf.if %cond3A_12 {
      %get3A = arith.index_cast %mul3A_0 : i32 to index
      %get3A_13 = arith.constant 0 : index
      %get3A_14 = vector.load %arg20[%get3A, %get3A_13] : memref<10000x128xf32, #tpu.memory_space<vmem>>, vector<2000x128xf32>
      %swap3A = arith.constant 0 : index
      %swap3A_15 = arith.constant 0 : index
      %swap3A_16 = vector.load %arg17[%swap3A, %swap3A_15] : memref<2000x128xf32, #tpu.memory_space<vmem>>, vector<2000x128xf32>
      tpu.vector_store %arg17[%swap3A, %swap3A_15], %get3A_14 {strides = array<i32>} : memref<2000x128xf32, #tpu.memory_space<vmem>>, vector<2000x128xf32>,
      %get3A_17 = arith.index_cast %mul3A_0 : i32 to index
      %get3A_18 = arith.constant 0 : index
      %get3A_19 = vector.load %arg21[%get3A_17, %get3A_18] : memref<10000x10xf32, #tpu.memory_space<vmem>>, vector<2000x10xf32>
      %get3A_20 = arith.constant 0 : index
      %get3A_21 = arith.constant 0 : index
      %get3A_22 = vector.load %arg7[%get3A_20, %get3A_21] : memref<1x10xf32, #tpu.memory_space<vmem>>, vector<1x10xf32>
      %get3A_23 = arith.constant 0 : index
      %get3A_24 = arith.constant 0 : index
      %get3A_25 = vector.load %arg8[%get3A_23, %get3A_24] : memref<1x10xf32, #tpu.memory_space<vmem>>, vector<1x10xf32>
      %get3A_26 = arith.constant 0 : index
      %get3A_27 = arith.constant 0 : index
      %get3A_28 = vector.load %arg25[%get3A_26, %get3A_27] : memref<8x10xf32, #tpu.memory_space<vmem>>, vector<1x10xf32>
      %mul3A_29 = arith.constant 9.99999974E-5 : f32
      %mul3A_30 = vector.broadcast %mul3A_29 : f32 to vector<1x10xf32>
      %mul3A_31 = arith.mulf %get3A_28, %mul3A_30 : vector<1x10xf32>
      %get3A_32 = arith.constant 0 : index
      %get3A_33 = arith.constant 0 : index
      %get3A_34 = vector.load %arg26[%get3A_32, %get3A_33] : memref<8x10xf32, #tpu.memory_space<vmem>>, vector<1x10xf32>
      %mul3A_35 = arith.constant 9.99999974E-5 : f32
      %mul3A_36 = vector.broadcast %mul3A_35 : f32 to vector<1x10xf32>
      %mul3A_37 = arith.mulf %get3A_34, %mul3A_36 : vector<1x10xf32>
      %mul3A_38 = arith.mulf %mul3A_31, %mul3A_31 : vector<1x10xf32>
      %sub3A = arith.subf %mul3A_37, %mul3A_38 : vector<1x10xf32>
      %sub3A_39 = vector.broadcast %mul3A_31 : vector<1x10xf32> to vector<2000x10xf32>
      %sub3A_40 = arith.subf %get3A_19, %sub3A_39 : vector<2000x10xf32>
      %add3A = arith.constant 9.99999974E-6 : f32
      %add3A_41 = vector.broadcast %add3A : f32 to vector<1x10xf32>
      %add3A_42 = arith.addf %sub3A, %add3A_41 : vector<1x10xf32>
      %rsqrt3A = math.rsqrt %add3A_42 : vector<1x10xf32>
      %mul3A_43 = vector.broadcast %rsqrt3A : vector<1x10xf32> to vector<2000x10xf32>
      %mul3A_44 = arith.mulf %sub3A_40, %mul3A_43 : vector<2000x10xf32>
      %mul3A_45 = vector.broadcast %get3A_22 : vector<1x10xf32> to vector<2000x10xf32>
      %mul3A_46 = arith.mulf %mul3A_44, %mul3A_45 : vector<2000x10xf32>
      %add3A_47 = vector.broadcast %get3A_25 : vector<1x10xf32> to vector<2000x10xf32>
      %add3A_48 = arith.addf %mul3A_46, %add3A_47 : vector<2000x10xf32>
      %gt3A = arith.constant 0.000000e+00 : f32
      %gt3A_49 = vector.broadcast %gt3A : f32 to vector<2000x10xf32>
      %gt3A_50 = arith.cmpf ogt, %add3A_48, %gt3A_49 : vector<2000x10xf32>
      %min3A = arith.constant 0.000000e+00 : f32
      %min3A_51 = vector.broadcast %min3A : f32 to vector<2000x10xf32>
      %min3A_52 = arith.minimumf %add3A_48, %min3A_51 : vector<2000x10xf32>
      %exp3A = math.exp %min3A_52 : vector<2000x10xf32>
      %sub3A_53 = arith.constant 1.000000e+00 : f32
      %sub3A_54 = vector.broadcast %sub3A_53 : f32 to vector<2000x10xf32>
      %sub3A_55 = arith.subf %exp3A, %sub3A_54 : vector<2000x10xf32>
      %select_n3A = arith.select %gt3A_50, %add3A_48, %sub3A_55 : vector<2000x10xi1>, vector<2000x10xf32>
      %swap3A_56 = arith.constant 0 : index
      %swap3A_57 = arith.constant 0 : index
      %swap3A_58 = vector.load %arg18[%swap3A_56, %swap3A_57] : memref<2000x10xf32, #tpu.memory_space<vmem>>, vector<2000x10xf32>
      tpu.vector_store %arg18[%swap3A_56, %swap3A_57], %select_n3A {strides = array<i32>} : memref<2000x10xf32, #tpu.memory_space<vmem>>, vector<2000x10xf32>,
      %get3A_59 = arith.index_cast %mul3A_0 : i32 to index
      %get3A_60 = arith.constant 0 : index
      %get3A_61 = vector.load %arg22[%get3A_59, %get3A_60] : memref<10000x10xf32, #tpu.memory_space<vmem>>, vector<2000x10xf32>
      %get3A_62 = arith.constant 0 : index
      %get3A_63 = arith.constant 0 : index
      %get3A_64 = vector.load %arg15[%get3A_62, %get3A_63] : memref<1x10xf32, #tpu.memory_space<vmem>>, vector<1x10xf32>
      %get3A_65 = arith.constant 0 : index
      %get3A_66 = arith.constant 0 : index
      %get3A_67 = vector.load %arg16[%get3A_65, %get3A_66] : memref<1x10xf32, #tpu.memory_space<vmem>>, vector<1x10xf32>
      %get3A_68 = arith.constant 0 : index
      %get3A_69 = arith.constant 0 : index
      %get3A_70 = vector.load %arg27[%get3A_68, %get3A_69] : memref<8x10xf32, #tpu.memory_space<vmem>>, vector<1x10xf32>
      %mul3A_71 = arith.constant 9.99999974E-5 : f32
      %mul3A_72 = vector.broadcast %mul3A_71 : f32 to vector<1x10xf32>
      %mul3A_73 = arith.mulf %get3A_70, %mul3A_72 : vector<1x10xf32>
      %get3A_74 = arith.constant 0 : index
      %get3A_75 = arith.constant 0 : index
      %get3A_76 = vector.load %arg28[%get3A_74, %get3A_75] : memref<8x10xf32, #tpu.memory_space<vmem>>, vector<1x10xf32>
      %mul3A_77 = arith.constant 9.99999974E-5 : f32
      %mul3A_78 = vector.broadcast %mul3A_77 : f32 to vector<1x10xf32>
      %mul3A_79 = arith.mulf %get3A_76, %mul3A_78 : vector<1x10xf32>
      %mul3A_80 = arith.mulf %mul3A_73, %mul3A_73 : vector<1x10xf32>
      %sub3A_81 = arith.subf %mul3A_79, %mul3A_80 : vector<1x10xf32>
      %sub3A_82 = vector.broadcast %mul3A_73 : vector<1x10xf32> to vector<2000x10xf32>
      %sub3A_83 = arith.subf %get3A_61, %sub3A_82 : vector<2000x10xf32>
      %add3A_84 = arith.constant 9.99999974E-6 : f32
      %add3A_85 = vector.broadcast %add3A_84 : f32 to vector<1x10xf32>
      %add3A_86 = arith.addf %sub3A_81, %add3A_85 : vector<1x10xf32>
      %rsqrt3A_87 = math.rsqrt %add3A_86 : vector<1x10xf32>
      %mul3A_88 = vector.broadcast %rsqrt3A_87 : vector<1x10xf32> to vector<2000x10xf32>
      %mul3A_89 = arith.mulf %sub3A_83, %mul3A_88 : vector<2000x10xf32>
      %mul3A_90 = vector.broadcast %get3A_64 : vector<1x10xf32> to vector<2000x10xf32>
      %mul3A_91 = arith.mulf %mul3A_89, %mul3A_90 : vector<2000x10xf32>
      %add3A_92 = vector.broadcast %get3A_67 : vector<1x10xf32> to vector<2000x10xf32>
      %add3A_93 = arith.addf %mul3A_91, %add3A_92 : vector<2000x10xf32>
      %gt3A_94 = arith.constant 0.000000e+00 : f32
      %gt3A_95 = vector.broadcast %gt3A_94 : f32 to vector<2000x10xf32>
      %gt3A_96 = arith.cmpf ogt, %add3A_93, %gt3A_95 : vector<2000x10xf32>
      %min3A_97 = arith.constant 0.000000e+00 : f32
      %min3A_98 = vector.broadcast %min3A_97 : f32 to vector<2000x10xf32>
      %min3A_99 = arith.minimumf %add3A_93, %min3A_98 : vector<2000x10xf32>
      %exp3A_100 = math.exp %min3A_99 : vector<2000x10xf32>
      %sub3A_101 = arith.constant 1.000000e+00 : f32
      %sub3A_102 = vector.broadcast %sub3A_101 : f32 to vector<2000x10xf32>
      %sub3A_103 = arith.subf %exp3A_100, %sub3A_102 : vector<2000x10xf32>
      %select_n3A_104 = arith.select %gt3A_96, %add3A_93, %sub3A_103 : vector<2000x10xi1>, vector<2000x10xf32>
      %swap3A_105 = arith.constant 0 : index
      %swap3A_106 = arith.constant 0 : index
      %swap3A_107 = vector.load %arg19[%swap3A_105, %swap3A_106] : memref<2000x10xf32, #tpu.memory_space<vmem>>, vector<2000x10xf32>
      tpu.vector_store %arg19[%swap3A_105, %swap3A_106], %select_n3A_104 {strides = array<i32>} : memref<2000x10xf32, #tpu.memory_space<vmem>>, vector<2000x10xf32>,
    } else {
    }
    return
  }
  func.func @transform_0(%arg0: i32, %arg1: i32) -> (i32, i32) {
    %eq3A = arith.constant 0 : i32
    %eq3A_0 = arith.cmpi eq, %arg0, %eq3A : i32
    %jit3A = arith.constant 0 : i32
    %select_n3A = arith.select %eq3A_0, %arg1, %jit3A : i32
    %c0_i32 = arith.constant 0 : i32
    %c0_i32_1 = arith.constant 0 : i32
    return %select_n3A, %c0_i32 : i32, i32
  }
  func.func @transform_1(%arg0: i32, %arg1: i32) -> (i32, i32) {
    %eq3A = arith.constant 0 : i32
    %eq3A_0 = arith.cmpi eq, %arg0, %eq3A : i32
    %jit3A = arith.constant 0 : i32
    %select_n3A = arith.select %eq3A_0, %arg1, %jit3A : i32
    %c0_i32 = arith.constant 0 : i32
    %c0_i32_1 = arith.constant 0 : i32
    return %select_n3A, %c0_i32 : i32, i32
  }
  func.func @transform_2(%arg0: i32, %arg1: i32) -> (i32, i32) {
    %eq3A = arith.constant 0 : i32
    %eq3A_0 = arith.cmpi eq, %arg0, %eq3A : i32
    %jit3A = arith.constant 0 : i32
    %select_n3A = arith.select %eq3A_0, %arg1, %jit3A : i32
    %add3A = arith.constant 5 : i32
    %add3A_1 = arith.addi %select_n3A, %add3A : i32
    %c0_i32 = arith.constant 0 : i32
    %c0_i32_2 = arith.constant 0 : i32
    return %add3A_1, %c0_i32 : i32, i32
  }
  func.func @transform_3(%arg0: i32, %arg1: i32) -> (i32, i32) {
    %c0_i32 = arith.constant 0 : i32
    %c0_i32_0 = arith.constant 0 : i32
    %c0_i32_1 = arith.constant 0 : i32
    return %c0_i32, %c0_i32_0 : i32, i32
  }
  func.func @transform_4(%arg0: i32, %arg1: i32) -> (i32, i32) {
    %c0_i32 = arith.constant 0 : i32
    %c0_i32_0 = arith.constant 0 : i32
    %c0_i32_1 = arith.constant 0 : i32
    return %c0_i32, %c0_i32_0 : i32, i32
  }
  func.func @transform_5(%arg0: i32, %arg1: i32) -> (i32, i32) {
    %c0_i32 = arith.constant 0 : i32
    %c0_i32_0 = arith.constant 0 : i32
    %c0_i32_1 = arith.constant 0 : i32
    return %c0_i32, %c0_i32_0 : i32, i32
  }
  func.func @transform_6(%arg0: i32, %arg1: i32) -> (i32, i32) {
    %c0_i32 = arith.constant 0 : i32
    %c0_i32_0 = arith.constant 0 : i32
    %c0_i32_1 = arith.constant 0 : i32
    return %c0_i32, %c0_i32_0 : i32, i32
  }
  func.func @transform_7(%arg0: i32, %arg1: i32) -> (i32, i32) {
    %c0_i32 = arith.constant 0 : i32
    %c0_i32_0 = arith.constant 0 : i32
    %c0_i32_1 = arith.constant 0 : i32
    return %c0_i32, %c0_i32_0 : i32, i32
  }
  func.func @transform_8(%arg0: i32, %arg1: i32) -> (i32, i32) {
    %c0_i32 = arith.constant 0 : i32
    %c0_i32_0 = arith.constant 0 : i32
    %c0_i32_1 = arith.constant 0 : i32
    return %c0_i32, %c0_i32_0 : i32, i32
  }
  func.func @transform_9(%arg0: i32, %arg1: i32) -> (i32, i32) {
    %c0_i32 = arith.constant 0 : i32
    %c0_i32_0 = arith.constant 0 : i32
    %c0_i32_1 = arith.constant 0 : i32
    return %c0_i32, %c0_i32_0 : i32, i32
  }
  func.func @transform_10(%arg0: i32, %arg1: i32) -> (i32, i32) {
    %c0_i32 = arith.constant 0 : i32
    %c0_i32_0 = arith.constant 0 : i32
    %c0_i32_1 = arith.constant 0 : i32
    return %c0_i32, %c0_i32_0 : i32, i32
  }
  func.func @transform_11(%arg0: i32, %arg1: i32) -> (i32, i32) {
    %c0_i32 = arith.constant 0 : i32
    %c0_i32_0 = arith.constant 0 : i32
    %c0_i32_1 = arith.constant 0 : i32
    return %c0_i32, %c0_i32_0 : i32, i32
  }
  func.func @transform_12(%arg0: i32, %arg1: i32) -> (i32, i32) {
    %c0_i32 = arith.constant 0 : i32
    %c0_i32_0 = arith.constant 0 : i32
    %c0_i32_1 = arith.constant 0 : i32
    return %c0_i32, %c0_i32_0 : i32, i32
  }
  func.func @transform_13(%arg0: i32, %arg1: i32) -> (i32, i32) {
    %c0_i32 = arith.constant 0 : i32
    %c0_i32_0 = arith.constant 0 : i32
    %c0_i32_1 = arith.constant 0 : i32
    return %c0_i32, %c0_i32_0 : i32, i32
  }
  func.func @transform_14(%arg0: i32, %arg1: i32) -> (i32, i32) {
    %c0_i32 = arith.constant 0 : i32
    %c0_i32_0 = arith.constant 0 : i32
    %c0_i32_1 = arith.constant 0 : i32
    return %c0_i32, %c0_i32_0 : i32, i32
  }
  func.func @transform_15(%arg0: i32, %arg1: i32) -> (i32, i32) {
    %eq3A = arith.constant 2 : i32
    %eq3A_0 = arith.cmpi eq, %arg0, %eq3A : i32
    %jit3A = arith.constant 0 : i32
    %select_n3A = arith.select %eq3A_0, %arg1, %jit3A : i32
    %c0_i32 = arith.constant 0 : i32
    %c0_i32_1 = arith.constant 0 : i32
    return %select_n3A, %c0_i32 : i32, i32
  }
  func.func @transform_16(%arg0: i32, %arg1: i32) -> (i32, i32) {
    %eq3A = arith.constant 2 : i32
    %eq3A_0 = arith.cmpi eq, %arg0, %eq3A : i32
    %jit3A = arith.constant 0 : i32
    %select_n3A = arith.select %eq3A_0, %arg1, %jit3A : i32
    %c0_i32 = arith.constant 0 : i32
    %c0_i32_1 = arith.constant 0 : i32
    return %select_n3A, %c0_i32 : i32, i32
  }
  func.func @transform_17(%arg0: i32, %arg1: i32) -> (i32, i32) {
    %eq3A = arith.constant 2 : i32
    %eq3A_0 = arith.cmpi eq, %arg0, %eq3A : i32
    %jit3A = arith.constant 0 : i32
    %select_n3A = arith.select %eq3A_0, %arg1, %jit3A : i32
    %c0_i32 = arith.constant 0 : i32
    %c0_i32_1 = arith.constant 0 : i32
    return %select_n3A, %c0_i32 : i32, i32
  }
}

module attributes {stable_mosaic.version = 14 : i64} {
  func.func @_tc_b_body(%arg0: i32, %arg1: i32, %arg2: memref<2000x128xf32, #tpu.memory_space<vmem>>, %arg3: memref<2000x64xf32, #tpu.memory_space<vmem>>, %arg4: memref<2000x64xf32, #tpu.memory_space<vmem>>, %arg5: memref<128x128xf32, #tpu.memory_space<vmem>>, %arg6: memref<1x128xf32, #tpu.memory_space<vmem>>, %arg7: memref<1x128xf32, #tpu.memory_space<vmem>>, %arg8: memref<1x128xf32, #tpu.memory_space<vmem>>, %arg9: memref<128x10xf32, #tpu.memory_space<vmem>>, %arg10: memref<1x10xf32, #tpu.memory_space<vmem>>, %arg11: memref<1x10xf32, #tpu.memory_space<vmem>>, %arg12: memref<1x10xf32, #tpu.memory_space<vmem>>, %arg13: memref<2000x10xf32, #tpu.memory_space<vmem>>, %arg14: memref<2000x10xf32, #tpu.memory_space<vmem>>, %arg15: memref<1x3xf32, #tpu.memory_space<vmem>>, %arg16: memref<2000x1xi32, #tpu.memory_space<vmem>>, %arg17: memref<2000x128xf32, #tpu.memory_space<vmem>>, %arg18: memref<2000x10xf32, #tpu.memory_space<vmem>>, %arg19: memref<32x10xf32, #tpu.memory_space<vmem>>, %arg20: memref<10000x128xf32, #tpu.memory_space<vmem>>, %arg21: memref<10000x10xf32, #tpu.memory_space<vmem>>, %arg22: memref<8x128xf32, #tpu.memory_space<vmem>>, %arg23: memref<8x128xf32, #tpu.memory_space<vmem>>, %arg24: memref<8x10xf32, #tpu.memory_space<vmem>>, %arg25: memref<8x10xf32, #tpu.memory_space<vmem>>, %arg26: memref<32x30xf32, #tpu.memory_space<vmem>>) attributes {dimension_semantics = [#tpu.dimension_semantics<arbitrary>, #tpu.dimension_semantics<arbitrary>], iteration_bounds = array<i64: 3, 5>, scalar_prefetch = 0 : i64, scratch_operands = 7 : i64, tpu.core_type = #tpu.core_type<tc>, window_params = [{transform_indices = @transform_0, window_bounds = array<i64: 2000, 128>}, {transform_indices = @transform_1, window_bounds = array<i64: 2000, 64>}, {transform_indices = @transform_2, window_bounds = array<i64: 2000, 64>}, {pipeline_mode = #tpu.pipeline_mode<synchronous>, transform_indices = @transform_3, window_bounds = array<i64: 128, 128>}, {pipeline_mode = #tpu.pipeline_mode<synchronous>, transform_indices = @transform_4, window_bounds = array<i64: 1, 128>}, {pipeline_mode = #tpu.pipeline_mode<synchronous>, transform_indices = @transform_5, window_bounds = array<i64: 1, 128>}, {pipeline_mode = #tpu.pipeline_mode<synchronous>, transform_indices = @transform_6, window_bounds = array<i64: 1, 128>}, {pipeline_mode = #tpu.pipeline_mode<synchronous>, transform_indices = @transform_7, window_bounds = array<i64: 128, 10>}, {pipeline_mode = #tpu.pipeline_mode<synchronous>, transform_indices = @transform_8, window_bounds = array<i64: 1, 10>}, {pipeline_mode = #tpu.pipeline_mode<synchronous>, transform_indices = @transform_9, window_bounds = array<i64: 1, 10>}, {pipeline_mode = #tpu.pipeline_mode<synchronous>, transform_indices = @transform_10, window_bounds = array<i64: 1, 10>}, {transform_indices = @transform_11, window_bounds = array<i64: 2000, 10>}, {transform_indices = @transform_12, window_bounds = array<i64: 2000, 10>}, {pipeline_mode = #tpu.pipeline_mode<synchronous>, transform_indices = @transform_13, window_bounds = array<i64: 1, 3>}, {transform_indices = @transform_14, window_bounds = array<i64: 2000, 1>}, {transform_indices = @transform_15, window_bounds = array<i64: 2000, 128>}, {transform_indices = @transform_16, window_bounds = array<i64: 2000, 10>}, {pipeline_mode = #tpu.pipeline_mode<synchronous>, transform_indices = @transform_17, window_bounds = array<i64: 32, 10>}]} {
    %mul3A = arith.constant 2000 : i32
    %mul3A_0 = arith.muli %arg1, %mul3A : i32
    %eq3A = arith.constant 0 : i32
    %eq3A_1 = arith.cmpi eq, %arg0, %eq3A : i32
    %convert_element_type3A = arith.extui %eq3A_1 : i1 to i32
    %cond3A = arith.constant 0 : i32
    %cond3A_2 = arith.cmpi ne, %convert_element_type3A, %cond3A : i32
    scf.if %cond3A_2 {
      %get3A = arith.constant 0 : index
      %get3A_13 = arith.constant 0 : index
      %get3A_14 = vector.load %arg2[%get3A, %get3A_13] : memref<2000x128xf32, #tpu.memory_space<vmem>>, vector<2000x128xf32>
      %get3A_15 = arith.constant 0 : index
      %get3A_16 = arith.constant 0 : index
      %get3A_17 = vector.load %arg3[%get3A_15, %get3A_16] : memref<2000x64xf32, #tpu.memory_space<vmem>>, vector<2000x64xf32>
      %get3A_18 = arith.constant 0 : index
      %get3A_19 = arith.constant 0 : index
      %get3A_20 = vector.load %arg4[%get3A_18, %get3A_19] : memref<2000x64xf32, #tpu.memory_space<vmem>>, vector<2000x64xf32>
      %concatenate3A = tpu.concatenate %get3A_17, %get3A_20 in 1 : vector<2000x64xf32>, vector<2000x64xf32> -> vector<2000x128xf32>
      %add3A = arith.addf %get3A_14, %concatenate3A : vector<2000x128xf32>
      %get3A_21 = arith.constant 0 : index
      %get3A_22 = arith.constant 0 : index
      %get3A_23 = vector.load %arg5[%get3A_21, %get3A_22] : memref<128x128xf32, #tpu.memory_space<vmem>>, vector<128x128xf32>
      %get3A_24 = arith.constant 0 : index
      %get3A_25 = arith.constant 0 : index
      %get3A_26 = vector.load %arg6[%get3A_24, %get3A_25] : memref<1x128xf32, #tpu.memory_space<vmem>>, vector<1x128xf32>
      %dot_general3A = arith.constant dense<0.000000e+00> : vector<2000x128xf32>
      %dot_general3A_27 = tpu.matmul %add3A, %get3A_23, %dot_general3A {dimension_numbers = #tpu.dot_dimension_numbers<[1], [0], [0], [1], [0, 0, 1, 1], [], []>, transpose_lhs_hint = false} : vector<2000x128xf32>, vector<128x128xf32>, vector<2000x128xf32> -> vector<2000x128xf32>
      %add3A_28 = vector.broadcast %get3A_26 : vector<1x128xf32> to vector<2000x128xf32>
      %add3A_29 = arith.addf %dot_general3A_27, %add3A_28 : vector<2000x128xf32>
      %swap3A = arith.index_cast %mul3A_0 : i32 to index
      %swap3A_30 = arith.constant 0 : index
      %swap3A_31 = vector.load %arg20[%swap3A, %swap3A_30] : memref<10000x128xf32, #tpu.memory_space<vmem>>, vector<2000x128xf32>
      tpu.vector_store %arg20[%swap3A, %swap3A_30], %add3A_29 {strides = array<i32>} : memref<10000x128xf32, #tpu.memory_space<vmem>>, vector<2000x128xf32>,
      %reduce_sum3A = arith.constant dense<0.000000e+00> : vector<128xf32>
      %reduce_sum3A_32 = vector.multi_reduction <add>, %add3A_29, %reduce_sum3A [0] : vector<2000x128xf32> to vector<128xf32>
      %broadcast_in_dim3A = vector.shape_cast %reduce_sum3A_32 : vector<128xf32> to vector<1x128xf32>
      %mul3A_33 = arith.mulf %add3A_29, %add3A_29 : vector<2000x128xf32>
      %reduce_sum3A_34 = arith.constant dense<0.000000e+00> : vector<128xf32>
      %reduce_sum3A_35 = vector.multi_reduction <add>, %mul3A_33, %reduce_sum3A_34 [0] : vector<2000x128xf32> to vector<128xf32>
      %broadcast_in_dim3A_36 = vector.shape_cast %reduce_sum3A_35 : vector<128xf32> to vector<1x128xf32>
      %eq3A_37 = arith.constant 0 : i32
      %eq3A_38 = arith.cmpi eq, %arg1, %eq3A_37 : i32
      %get3A_39 = arith.constant 0 : index
      %get3A_40 = arith.constant 0 : index
      %get3A_41 = vector.load %arg22[%get3A_39, %get3A_40] : memref<8x128xf32, #tpu.memory_space<vmem>>, vector<1x128xf32>
      %add3A_42 = arith.addf %get3A_41, %broadcast_in_dim3A : vector<1x128xf32>
      %select_n3A = arith.select %eq3A_38, %broadcast_in_dim3A, %add3A_42 : vector<1x128xf32>
      %swap3A_43 = arith.constant 0 : index
      %swap3A_44 = arith.constant 0 : index
      %swap3A_45 = vector.load %arg22[%swap3A_43, %swap3A_44] : memref<8x128xf32, #tpu.memory_space<vmem>>, vector<1x128xf32>
      tpu.vector_store %arg22[%swap3A_43, %swap3A_44], %select_n3A {strides = array<i32>} : memref<8x128xf32, #tpu.memory_space<vmem>>, vector<1x128xf32>,
      %eq3A_46 = arith.constant 0 : i32
      %eq3A_47 = arith.cmpi eq, %arg1, %eq3A_46 : i32
      %get3A_48 = arith.constant 0 : index
      %get3A_49 = arith.constant 0 : index
      %get3A_50 = vector.load %arg23[%get3A_48, %get3A_49] : memref<8x128xf32, #tpu.memory_space<vmem>>, vector<1x128xf32>
      %add3A_51 = arith.addf %get3A_50, %broadcast_in_dim3A_36 : vector<1x128xf32>
      %select_n3A_52 = arith.select %eq3A_47, %broadcast_in_dim3A_36, %add3A_51 : vector<1x128xf32>
      %swap3A_53 = arith.constant 0 : index
      %swap3A_54 = arith.constant 0 : index
      %swap3A_55 = vector.load %arg23[%swap3A_53, %swap3A_54] : memref<8x128xf32, #tpu.memory_space<vmem>>, vector<1x128xf32>
      tpu.vector_store %arg23[%swap3A_53, %swap3A_54], %select_n3A_52 {strides = array<i32>} : memref<8x128xf32, #tpu.memory_space<vmem>>, vector<1x128xf32>,
    } else {
    }
    %eq3A_3 = arith.constant 1 : i32
    %eq3A_4 = arith.cmpi eq, %arg0, %eq3A_3 : i32
    %convert_element_type3A_5 = arith.extui %eq3A_4 : i1 to i32
    %cond3A_6 = arith.constant 0 : i32
    %cond3A_7 = arith.cmpi ne, %convert_element_type3A_5, %cond3A_6 : i32
    scf.if %cond3A_7 {
      %get3A = arith.index_cast %mul3A_0 : i32 to index
      %get3A_13 = arith.constant 0 : index
      %get3A_14 = vector.load %arg20[%get3A, %get3A_13] : memref<10000x128xf32, #tpu.memory_space<vmem>>, vector<2000x128xf32>
      %get3A_15 = arith.constant 0 : index
      %get3A_16 = arith.constant 0 : index
      %get3A_17 = vector.load %arg7[%get3A_15, %get3A_16] : memref<1x128xf32, #tpu.memory_space<vmem>>, vector<1x128xf32>
      %get3A_18 = arith.constant 0 : index
      %get3A_19 = arith.constant 0 : index
      %get3A_20 = vector.load %arg8[%get3A_18, %get3A_19] : memref<1x128xf32, #tpu.memory_space<vmem>>, vector<1x128xf32>
      %get3A_21 = arith.constant 0 : index
      %get3A_22 = arith.constant 0 : index
      %get3A_23 = vector.load %arg22[%get3A_21, %get3A_22] : memref<8x128xf32, #tpu.memory_space<vmem>>, vector<1x128xf32>
      %mul3A_24 = arith.constant 9.99999974E-5 : f32
      %mul3A_25 = vector.broadcast %mul3A_24 : f32 to vector<1x128xf32>
      %mul3A_26 = arith.mulf %get3A_23, %mul3A_25 : vector<1x128xf32>
      %get3A_27 = arith.constant 0 : index
      %get3A_28 = arith.constant 0 : index
      %get3A_29 = vector.load %arg23[%get3A_27, %get3A_28] : memref<8x128xf32, #tpu.memory_space<vmem>>, vector<1x128xf32>
      %mul3A_30 = arith.constant 9.99999974E-5 : f32
      %mul3A_31 = vector.broadcast %mul3A_30 : f32 to vector<1x128xf32>
      %mul3A_32 = arith.mulf %get3A_29, %mul3A_31 : vector<1x128xf32>
      %mul3A_33 = arith.mulf %mul3A_26, %mul3A_26 : vector<1x128xf32>
      %sub3A = arith.subf %mul3A_32, %mul3A_33 : vector<1x128xf32>
      %sub3A_34 = vector.broadcast %mul3A_26 : vector<1x128xf32> to vector<2000x128xf32>
      %sub3A_35 = arith.subf %get3A_14, %sub3A_34 : vector<2000x128xf32>
      %add3A = arith.constant 9.99999974E-6 : f32
      %add3A_36 = vector.broadcast %add3A : f32 to vector<1x128xf32>
      %add3A_37 = arith.addf %sub3A, %add3A_36 : vector<1x128xf32>
      %rsqrt3A = math.rsqrt %add3A_37 : vector<1x128xf32>
      %mul3A_38 = vector.broadcast %rsqrt3A : vector<1x128xf32> to vector<2000x128xf32>
      %mul3A_39 = arith.mulf %sub3A_35, %mul3A_38 : vector<2000x128xf32>
      %mul3A_40 = vector.broadcast %get3A_17 : vector<1x128xf32> to vector<2000x128xf32>
      %mul3A_41 = arith.mulf %mul3A_39, %mul3A_40 : vector<2000x128xf32>
      %add3A_42 = vector.broadcast %get3A_20 : vector<1x128xf32> to vector<2000x128xf32>
      %add3A_43 = arith.addf %mul3A_41, %add3A_42 : vector<2000x128xf32>
      %gt3A = arith.constant 0.000000e+00 : f32
      %gt3A_44 = vector.broadcast %gt3A : f32 to vector<2000x128xf32>
      %gt3A_45 = arith.cmpf ogt, %add3A_43, %gt3A_44 : vector<2000x128xf32>
      %min3A = arith.constant 0.000000e+00 : f32
      %min3A_46 = vector.broadcast %min3A : f32 to vector<2000x128xf32>
      %min3A_47 = arith.minimumf %add3A_43, %min3A_46 : vector<2000x128xf32>
      %exp3A = math.exp %min3A_47 : vector<2000x128xf32>
      %sub3A_48 = arith.constant 1.000000e+00 : f32
      %sub3A_49 = vector.broadcast %sub3A_48 : f32 to vector<2000x128xf32>
      %sub3A_50 = arith.subf %exp3A, %sub3A_49 : vector<2000x128xf32>
      %select_n3A = arith.select %gt3A_45, %add3A_43, %sub3A_50 : vector<2000x128xi1>, vector<2000x128xf32>
      %swap3A = arith.index_cast %mul3A_0 : i32 to index
      %swap3A_51 = arith.constant 0 : index
      %swap3A_52 = vector.load %arg20[%swap3A, %swap3A_51] : memref<10000x128xf32, #tpu.memory_space<vmem>>, vector<2000x128xf32>
      tpu.vector_store %arg20[%swap3A, %swap3A_51], %select_n3A {strides = array<i32>} : memref<10000x128xf32, #tpu.memory_space<vmem>>, vector<2000x128xf32>,
      %get3A_53 = arith.constant 0 : index
      %get3A_54 = arith.constant 0 : index
      %get3A_55 = vector.load %arg9[%get3A_53, %get3A_54] : memref<128x10xf32, #tpu.memory_space<vmem>>, vector<128x10xf32>
      %get3A_56 = arith.constant 0 : index
      %get3A_57 = arith.constant 0 : index
      %get3A_58 = vector.load %arg10[%get3A_56, %get3A_57] : memref<1x10xf32, #tpu.memory_space<vmem>>, vector<1x10xf32>
      %dot_general3A = arith.constant dense<0.000000e+00> : vector<2000x10xf32>
      %dot_general3A_59 = tpu.matmul %select_n3A, %get3A_55, %dot_general3A {dimension_numbers = #tpu.dot_dimension_numbers<[1], [0], [0], [1], [0, 0, 1, 1], [], []>, transpose_lhs_hint = false} : vector<2000x128xf32>, vector<128x10xf32>, vector<2000x10xf32> -> vector<2000x10xf32>
      %add3A_60 = vector.broadcast %get3A_58 : vector<1x10xf32> to vector<2000x10xf32>
      %add3A_61 = arith.addf %dot_general3A_59, %add3A_60 : vector<2000x10xf32>
      %swap3A_62 = arith.index_cast %mul3A_0 : i32 to index
      %swap3A_63 = arith.constant 0 : index
      %swap3A_64 = vector.load %arg21[%swap3A_62, %swap3A_63] : memref<10000x10xf32, #tpu.memory_space<vmem>>, vector<2000x10xf32>
      tpu.vector_store %arg21[%swap3A_62, %swap3A_63], %add3A_61 {strides = array<i32>} : memref<10000x10xf32, #tpu.memory_space<vmem>>, vector<2000x10xf32>,
      %reduce_sum3A = arith.constant dense<0.000000e+00> : vector<10xf32>
      %reduce_sum3A_65 = vector.multi_reduction <add>, %add3A_61, %reduce_sum3A [0] : vector<2000x10xf32> to vector<10xf32>
      %broadcast_in_dim3A = vector.shape_cast %reduce_sum3A_65 : vector<10xf32> to vector<1x10xf32>
      %mul3A_66 = arith.mulf %add3A_61, %add3A_61 : vector<2000x10xf32>
      %reduce_sum3A_67 = arith.constant dense<0.000000e+00> : vector<10xf32>
      %reduce_sum3A_68 = vector.multi_reduction <add>, %mul3A_66, %reduce_sum3A_67 [0] : vector<2000x10xf32> to vector<10xf32>
      %broadcast_in_dim3A_69 = vector.shape_cast %reduce_sum3A_68 : vector<10xf32> to vector<1x10xf32>
      %eq3A_70 = arith.constant 0 : i32
      %eq3A_71 = arith.cmpi eq, %arg1, %eq3A_70 : i32
      %get3A_72 = arith.constant 0 : index
      %get3A_73 = arith.constant 0 : index
      %get3A_74 = vector.load %arg24[%get3A_72, %get3A_73] : memref<8x10xf32, #tpu.memory_space<vmem>>, vector<1x10xf32>
      %add3A_75 = arith.addf %get3A_74, %broadcast_in_dim3A : vector<1x10xf32>
      %select_n3A_76 = arith.select %eq3A_71, %broadcast_in_dim3A, %add3A_75 : vector<1x10xf32>
      %swap3A_77 = arith.constant 0 : index
      %swap3A_78 = arith.constant 0 : index
      %swap3A_79 = vector.load %arg24[%swap3A_77, %swap3A_78] : memref<8x10xf32, #tpu.memory_space<vmem>>, vector<1x10xf32>
      tpu.vector_store %arg24[%swap3A_77, %swap3A_78], %select_n3A_76 {strides = array<i32>} : memref<8x10xf32, #tpu.memory_space<vmem>>, vector<1x10xf32>,
      %eq3A_80 = arith.constant 0 : i32
      %eq3A_81 = arith.cmpi eq, %arg1, %eq3A_80 : i32
      %get3A_82 = arith.constant 0 : index
      %get3A_83 = arith.constant 0 : index
      %get3A_84 = vector.load %arg25[%get3A_82, %get3A_83] : memref<8x10xf32, #tpu.memory_space<vmem>>, vector<1x10xf32>
      %add3A_85 = arith.addf %get3A_84, %broadcast_in_dim3A_69 : vector<1x10xf32>
      %select_n3A_86 = arith.select %eq3A_81, %broadcast_in_dim3A_69, %add3A_85 : vector<1x10xf32>
      %swap3A_87 = arith.constant 0 : index
      %swap3A_88 = arith.constant 0 : index
      %swap3A_89 = vector.load %arg25[%swap3A_87, %swap3A_88] : memref<8x10xf32, #tpu.memory_space<vmem>>, vector<1x10xf32>
      tpu.vector_store %arg25[%swap3A_87, %swap3A_88], %select_n3A_86 {strides = array<i32>} : memref<8x10xf32, #tpu.memory_space<vmem>>, vector<1x10xf32>,
    } else {
    }
    %eq3A_8 = arith.constant 2 : i32
    %eq3A_9 = arith.cmpi eq, %arg0, %eq3A_8 : i32
    %convert_element_type3A_10 = arith.extui %eq3A_9 : i1 to i32
    %cond3A_11 = arith.constant 0 : i32
    %cond3A_12 = arith.cmpi ne, %convert_element_type3A_10, %cond3A_11 : i32
    scf.if %cond3A_12 {
      %get3A = arith.index_cast %mul3A_0 : i32 to index
      %get3A_13 = arith.constant 0 : index
      %get3A_14 = vector.load %arg20[%get3A, %get3A_13] : memref<10000x128xf32, #tpu.memory_space<vmem>>, vector<2000x128xf32>
      %swap3A = arith.constant 0 : index
      %swap3A_15 = arith.constant 0 : index
      %swap3A_16 = vector.load %arg17[%swap3A, %swap3A_15] : memref<2000x128xf32, #tpu.memory_space<vmem>>, vector<2000x128xf32>
      tpu.vector_store %arg17[%swap3A, %swap3A_15], %get3A_14 {strides = array<i32>} : memref<2000x128xf32, #tpu.memory_space<vmem>>, vector<2000x128xf32>,
      %get3A_17 = arith.constant 0 : index
      %get3A_18 = arith.constant 0 : index
      %get3A_19 = vector.load %arg15[%get3A_17, %get3A_18] : memref<1x3xf32, #tpu.memory_space<vmem>>, vector<1x3xf32>
      %get3A_20 = arith.constant 0 : index
      %get3A_21 = arith.constant 0 : index
      %get3A_22 = vector.load %arg13[%get3A_20, %get3A_21] : memref<2000x10xf32, #tpu.memory_space<vmem>>, vector<2000x10xf32>
      %slice3A = vector.extract_strided_slice %get3A_19 {offsets = [0, 0], sizes = [1, 1], strides = [1, 1]} : vector<1x3xf32> to vector<1x1xf32>
      %squeeze3A = vector.extract %slice3A[0, 0] : f32 from vector<1x1xf32>
      %mul3A_23 = vector.broadcast %squeeze3A : f32 to vector<2000x10xf32>
      %mul3A_24 = arith.mulf %get3A_22, %mul3A_23 : vector<2000x10xf32>
      %get3A_25 = arith.constant 0 : index
      %get3A_26 = arith.constant 0 : index
      %get3A_27 = vector.load %arg14[%get3A_25, %get3A_26] : memref<2000x10xf32, #tpu.memory_space<vmem>>, vector<2000x10xf32>
      %slice3A_28 = vector.extract_strided_slice %get3A_19 {offsets = [0, 1], sizes = [1, 1], strides = [1, 1]} : vector<1x3xf32> to vector<1x1xf32>
      %squeeze3A_29 = vector.extract %slice3A_28[0, 0] : f32 from vector<1x1xf32>
      %mul3A_30 = vector.broadcast %squeeze3A_29 : f32 to vector<2000x10xf32>
      %mul3A_31 = arith.mulf %get3A_27, %mul3A_30 : vector<2000x10xf32>
      %get3A_32 = arith.index_cast %mul3A_0 : i32 to index
      %get3A_33 = arith.constant 0 : index
      %get3A_34 = vector.load %arg21[%get3A_32, %get3A_33] : memref<10000x10xf32, #tpu.memory_space<vmem>>, vector<2000x10xf32>
      %get3A_35 = arith.constant 0 : index
      %get3A_36 = arith.constant 0 : index
      %get3A_37 = vector.load %arg11[%get3A_35, %get3A_36] : memref<1x10xf32, #tpu.memory_space<vmem>>, vector<1x10xf32>
      %get3A_38 = arith.constant 0 : index
      %get3A_39 = arith.constant 0 : index
      %get3A_40 = vector.load %arg12[%get3A_38, %get3A_39] : memref<1x10xf32, #tpu.memory_space<vmem>>, vector<1x10xf32>
      %get3A_41 = arith.constant 0 : index
      %get3A_42 = arith.constant 0 : index
      %get3A_43 = vector.load %arg24[%get3A_41, %get3A_42] : memref<8x10xf32, #tpu.memory_space<vmem>>, vector<1x10xf32>
      %mul3A_44 = arith.constant 9.99999974E-5 : f32
      %mul3A_45 = vector.broadcast %mul3A_44 : f32 to vector<1x10xf32>
      %mul3A_46 = arith.mulf %get3A_43, %mul3A_45 : vector<1x10xf32>
      %get3A_47 = arith.constant 0 : index
      %get3A_48 = arith.constant 0 : index
      %get3A_49 = vector.load %arg25[%get3A_47, %get3A_48] : memref<8x10xf32, #tpu.memory_space<vmem>>, vector<1x10xf32>
      %mul3A_50 = arith.constant 9.99999974E-5 : f32
      %mul3A_51 = vector.broadcast %mul3A_50 : f32 to vector<1x10xf32>
      %mul3A_52 = arith.mulf %get3A_49, %mul3A_51 : vector<1x10xf32>
      %mul3A_53 = arith.mulf %mul3A_46, %mul3A_46 : vector<1x10xf32>
      %sub3A = arith.subf %mul3A_52, %mul3A_53 : vector<1x10xf32>
      %sub3A_54 = vector.broadcast %mul3A_46 : vector<1x10xf32> to vector<2000x10xf32>
      %sub3A_55 = arith.subf %get3A_34, %sub3A_54 : vector<2000x10xf32>
      %add3A = arith.constant 9.99999974E-6 : f32
      %add3A_56 = vector.broadcast %add3A : f32 to vector<1x10xf32>
      %add3A_57 = arith.addf %sub3A, %add3A_56 : vector<1x10xf32>
      %rsqrt3A = math.rsqrt %add3A_57 : vector<1x10xf32>
      %mul3A_58 = vector.broadcast %rsqrt3A : vector<1x10xf32> to vector<2000x10xf32>
      %mul3A_59 = arith.mulf %sub3A_55, %mul3A_58 : vector<2000x10xf32>
      %mul3A_60 = vector.broadcast %get3A_37 : vector<1x10xf32> to vector<2000x10xf32>
      %mul3A_61 = arith.mulf %mul3A_59, %mul3A_60 : vector<2000x10xf32>
      %add3A_62 = vector.broadcast %get3A_40 : vector<1x10xf32> to vector<2000x10xf32>
      %add3A_63 = arith.addf %mul3A_61, %add3A_62 : vector<2000x10xf32>
      %gt3A = arith.constant 0.000000e+00 : f32
      %gt3A_64 = vector.broadcast %gt3A : f32 to vector<2000x10xf32>
      %gt3A_65 = arith.cmpf ogt, %add3A_63, %gt3A_64 : vector<2000x10xf32>
      %min3A = arith.constant 0.000000e+00 : f32
      %min3A_66 = vector.broadcast %min3A : f32 to vector<2000x10xf32>
      %min3A_67 = arith.minimumf %add3A_63, %min3A_66 : vector<2000x10xf32>
      %exp3A = math.exp %min3A_67 : vector<2000x10xf32>
      %sub3A_68 = arith.constant 1.000000e+00 : f32
      %sub3A_69 = vector.broadcast %sub3A_68 : f32 to vector<2000x10xf32>
      %sub3A_70 = arith.subf %exp3A, %sub3A_69 : vector<2000x10xf32>
      %select_n3A = arith.select %gt3A_65, %add3A_63, %sub3A_70 : vector<2000x10xi1>, vector<2000x10xf32>
      %slice3A_71 = vector.extract_strided_slice %get3A_19 {offsets = [0, 2], sizes = [1, 1], strides = [1, 1]} : vector<1x3xf32> to vector<1x1xf32>
      %squeeze3A_72 = vector.extract %slice3A_71[0, 0] : f32 from vector<1x1xf32>
      %mul3A_73 = vector.broadcast %squeeze3A_72 : f32 to vector<2000x10xf32>
      %mul3A_74 = arith.mulf %select_n3A, %mul3A_73 : vector<2000x10xf32>
      %add3A_75 = arith.addf %mul3A_24, %mul3A_31 : vector<2000x10xf32>
      %add3A_76 = arith.addf %add3A_75, %mul3A_74 : vector<2000x10xf32>
      %swap3A_77 = arith.constant 0 : index
      %swap3A_78 = arith.constant 0 : index
      %swap3A_79 = vector.load %arg18[%swap3A_77, %swap3A_78] : memref<2000x10xf32, #tpu.memory_space<vmem>>, vector<2000x10xf32>
      tpu.vector_store %arg18[%swap3A_77, %swap3A_78], %add3A_76 {strides = array<i32>} : memref<2000x10xf32, #tpu.memory_space<vmem>>, vector<2000x10xf32>,
      %concatenate3A = tpu.concatenate %mul3A_24, %mul3A_31, %mul3A_74 in 1 : vector<2000x10xf32>, vector<2000x10xf32>, vector<2000x10xf32> -> vector<2000x30xf32>
      %get3A_80 = arith.constant 0 : index
      %get3A_81 = arith.constant 0 : index
      %get3A_82 = vector.load %arg16[%get3A_80, %get3A_81] : memref<2000x1xi32, #tpu.memory_space<vmem>>, vector<2000x1xi32>
      %eq3A_83 = arith.constant 0 : i32
      %eq3A_84 = vector.broadcast %eq3A_83 : i32 to vector<2000x1xi32>
      %eq3A_85 = arith.cmpi eq, %get3A_82, %eq3A_84 : vector<2000x1xi32>
      %jit3A = arith.constant 0xFF800000 : f32
      %broadcast_in_dim3A = vector.shape_cast %eq3A_85 : vector<2000x1xi1> to vector<2000x1xi1>
      %broadcast_in_dim3A_86 = vector.broadcast %broadcast_in_dim3A : vector<2000x1xi1> to vector<2000x30xi1>
      %broadcast_in_dim3A_87 = vector.broadcast %jit3A : f32 to vector<2000x30xf32>
      %select_n3A_88 = arith.select %broadcast_in_dim3A_86, %concatenate3A, %broadcast_in_dim3A_87 : vector<2000x30xi1>, vector<2000x30xf32>
      %reduce_max3A = arith.constant dense<0xFF800000> : vector<30xf32>
      %reduce_max3A_89 = vector.multi_reduction <maximumf>, %select_n3A_88, %reduce_max3A [0] : vector<2000x30xf32> to vector<30xf32>
      %eq3A_90 = arith.constant 1 : i32
      %eq3A_91 = vector.broadcast %eq3A_90 : i32 to vector<2000x1xi32>
      %eq3A_92 = arith.cmpi eq, %get3A_82, %eq3A_91 : vector<2000x1xi32>
      %jit3A_93 = arith.constant 0xFF800000 : f32
      %broadcast_in_dim3A_94 = vector.shape_cast %eq3A_92 : vector<2000x1xi1> to vector<2000x1xi1>
      %broadcast_in_dim3A_95 = vector.broadcast %broadcast_in_dim3A_94 : vector<2000x1xi1> to vector<2000x30xi1>
      %broadcast_in_dim3A_96 = vector.broadcast %jit3A_93 : f32 to vector<2000x30xf32>
      %select_n3A_97 = arith.select %broadcast_in_dim3A_95, %concatenate3A, %broadcast_in_dim3A_96 : vector<2000x30xi1>, vector<2000x30xf32>
      %reduce_max3A_98 = arith.constant dense<0xFF800000> : vector<30xf32>
      %reduce_max3A_99 = vector.multi_reduction <maximumf>, %select_n3A_97, %reduce_max3A_98 [0] : vector<2000x30xf32> to vector<30xf32>
      %eq3A_100 = arith.constant 2 : i32
      %eq3A_101 = vector.broadcast %eq3A_100 : i32 to vector<2000x1xi32>
      %eq3A_102 = arith.cmpi eq, %get3A_82, %eq3A_101 : vector<2000x1xi32>
      %jit3A_103 = arith.constant 0xFF800000 : f32
      %broadcast_in_dim3A_104 = vector.shape_cast %eq3A_102 : vector<2000x1xi1> to vector<2000x1xi1>
      %broadcast_in_dim3A_105 = vector.broadcast %broadcast_in_dim3A_104 : vector<2000x1xi1> to vector<2000x30xi1>
      %broadcast_in_dim3A_106 = vector.broadcast %jit3A_103 : f32 to vector<2000x30xf32>
      %select_n3A_107 = arith.select %broadcast_in_dim3A_105, %concatenate3A, %broadcast_in_dim3A_106 : vector<2000x30xi1>, vector<2000x30xf32>
      %reduce_max3A_108 = arith.constant dense<0xFF800000> : vector<30xf32>
      %reduce_max3A_109 = vector.multi_reduction <maximumf>, %select_n3A_107, %reduce_max3A_108 [0] : vector<2000x30xf32> to vector<30xf32>
      %eq3A_110 = arith.constant 3 : i32
      %eq3A_111 = vector.broadcast %eq3A_110 : i32 to vector<2000x1xi32>
      %eq3A_112 = arith.cmpi eq, %get3A_82, %eq3A_111 : vector<2000x1xi32>
      %jit3A_113 = arith.constant 0xFF800000 : f32
      %broadcast_in_dim3A_114 = vector.shape_cast %eq3A_112 : vector<2000x1xi1> to vector<2000x1xi1>
      %broadcast_in_dim3A_115 = vector.broadcast %broadcast_in_dim3A_114 : vector<2000x1xi1> to vector<2000x30xi1>
      %broadcast_in_dim3A_116 = vector.broadcast %jit3A_113 : f32 to vector<2000x30xf32>
      %select_n3A_117 = arith.select %broadcast_in_dim3A_115, %concatenate3A, %broadcast_in_dim3A_116 : vector<2000x30xi1>, vector<2000x30xf32>
      %reduce_max3A_118 = arith.constant dense<0xFF800000> : vector<30xf32>
      %reduce_max3A_119 = vector.multi_reduction <maximumf>, %select_n3A_117, %reduce_max3A_118 [0] : vector<2000x30xf32> to vector<30xf32>
      %eq3A_120 = arith.constant 4 : i32
      %eq3A_121 = vector.broadcast %eq3A_120 : i32 to vector<2000x1xi32>
      %eq3A_122 = arith.cmpi eq, %get3A_82, %eq3A_121 : vector<2000x1xi32>
      %jit3A_123 = arith.constant 0xFF800000 : f32
      %broadcast_in_dim3A_124 = vector.shape_cast %eq3A_122 : vector<2000x1xi1> to vector<2000x1xi1>
      %broadcast_in_dim3A_125 = vector.broadcast %broadcast_in_dim3A_124 : vector<2000x1xi1> to vector<2000x30xi1>
      %broadcast_in_dim3A_126 = vector.broadcast %jit3A_123 : f32 to vector<2000x30xf32>
      %select_n3A_127 = arith.select %broadcast_in_dim3A_125, %concatenate3A, %broadcast_in_dim3A_126 : vector<2000x30xi1>, vector<2000x30xf32>
      %reduce_max3A_128 = arith.constant dense<0xFF800000> : vector<30xf32>
      %reduce_max3A_129 = vector.multi_reduction <maximumf>, %select_n3A_127, %reduce_max3A_128 [0] : vector<2000x30xf32> to vector<30xf32>
      %eq3A_130 = arith.constant 5 : i32
      %eq3A_131 = vector.broadcast %eq3A_130 : i32 to vector<2000x1xi32>
      %eq3A_132 = arith.cmpi eq, %get3A_82, %eq3A_131 : vector<2000x1xi32>
      %jit3A_133 = arith.constant 0xFF800000 : f32
      %broadcast_in_dim3A_134 = vector.shape_cast %eq3A_132 : vector<2000x1xi1> to vector<2000x1xi1>
      %broadcast_in_dim3A_135 = vector.broadcast %broadcast_in_dim3A_134 : vector<2000x1xi1> to vector<2000x30xi1>
      %broadcast_in_dim3A_136 = vector.broadcast %jit3A_133 : f32 to vector<2000x30xf32>
      %select_n3A_137 = arith.select %broadcast_in_dim3A_135, %concatenate3A, %broadcast_in_dim3A_136 : vector<2000x30xi1>, vector<2000x30xf32>
      %reduce_max3A_138 = arith.constant dense<0xFF800000> : vector<30xf32>
      %reduce_max3A_139 = vector.multi_reduction <maximumf>, %select_n3A_137, %reduce_max3A_138 [0] : vector<2000x30xf32> to vector<30xf32>
      %eq3A_140 = arith.constant 6 : i32
      %eq3A_141 = vector.broadcast %eq3A_140 : i32 to vector<2000x1xi32>
      %eq3A_142 = arith.cmpi eq, %get3A_82, %eq3A_141 : vector<2000x1xi32>
      %jit3A_143 = arith.constant 0xFF800000 : f32
      %broadcast_in_dim3A_144 = vector.shape_cast %eq3A_142 : vector<2000x1xi1> to vector<2000x1xi1>
      %broadcast_in_dim3A_145 = vector.broadcast %broadcast_in_dim3A_144 : vector<2000x1xi1> to vector<2000x30xi1>
      %broadcast_in_dim3A_146 = vector.broadcast %jit3A_143 : f32 to vector<2000x30xf32>
      %select_n3A_147 = arith.select %broadcast_in_dim3A_145, %concatenate3A, %broadcast_in_dim3A_146 : vector<2000x30xi1>, vector<2000x30xf32>
      %reduce_max3A_148 = arith.constant dense<0xFF800000> : vector<30xf32>
      %reduce_max3A_149 = vector.multi_reduction <maximumf>, %select_n3A_147, %reduce_max3A_148 [0] : vector<2000x30xf32> to vector<30xf32>
      %eq3A_150 = arith.constant 7 : i32
      %eq3A_151 = vector.broadcast %eq3A_150 : i32 to vector<2000x1xi32>
      %eq3A_152 = arith.cmpi eq, %get3A_82, %eq3A_151 : vector<2000x1xi32>
      %jit3A_153 = arith.constant 0xFF800000 : f32
      %broadcast_in_dim3A_154 = vector.shape_cast %eq3A_152 : vector<2000x1xi1> to vector<2000x1xi1>
      %broadcast_in_dim3A_155 = vector.broadcast %broadcast_in_dim3A_154 : vector<2000x1xi1> to vector<2000x30xi1>
      %broadcast_in_dim3A_156 = vector.broadcast %jit3A_153 : f32 to vector<2000x30xf32>
      %select_n3A_157 = arith.select %broadcast_in_dim3A_155, %concatenate3A, %broadcast_in_dim3A_156 : vector<2000x30xi1>, vector<2000x30xf32>
      %reduce_max3A_158 = arith.constant dense<0xFF800000> : vector<30xf32>
      %reduce_max3A_159 = vector.multi_reduction <maximumf>, %select_n3A_157, %reduce_max3A_158 [0] : vector<2000x30xf32> to vector<30xf32>
      %eq3A_160 = arith.constant 8 : i32
      %eq3A_161 = vector.broadcast %eq3A_160 : i32 to vector<2000x1xi32>
      %eq3A_162 = arith.cmpi eq, %get3A_82, %eq3A_161 : vector<2000x1xi32>
      %jit3A_163 = arith.constant 0xFF800000 : f32
      %broadcast_in_dim3A_164 = vector.shape_cast %eq3A_162 : vector<2000x1xi1> to vector<2000x1xi1>
      %broadcast_in_dim3A_165 = vector.broadcast %broadcast_in_dim3A_164 : vector<2000x1xi1> to vector<2000x30xi1>
      %broadcast_in_dim3A_166 = vector.broadcast %jit3A_163 : f32 to vector<2000x30xf32>
      %select_n3A_167 = arith.select %broadcast_in_dim3A_165, %concatenate3A, %broadcast_in_dim3A_166 : vector<2000x30xi1>, vector<2000x30xf32>
      %reduce_max3A_168 = arith.constant dense<0xFF800000> : vector<30xf32>
      %reduce_max3A_169 = vector.multi_reduction <maximumf>, %select_n3A_167, %reduce_max3A_168 [0] : vector<2000x30xf32> to vector<30xf32>
      %eq3A_170 = arith.constant 9 : i32
      %eq3A_171 = vector.broadcast %eq3A_170 : i32 to vector<2000x1xi32>
      %eq3A_172 = arith.cmpi eq, %get3A_82, %eq3A_171 : vector<2000x1xi32>
      %jit3A_173 = arith.constant 0xFF800000 : f32
      %broadcast_in_dim3A_174 = vector.shape_cast %eq3A_172 : vector<2000x1xi1> to vector<2000x1xi1>
      %broadcast_in_dim3A_175 = vector.broadcast %broadcast_in_dim3A_174 : vector<2000x1xi1> to vector<2000x30xi1>
      %broadcast_in_dim3A_176 = vector.broadcast %jit3A_173 : f32 to vector<2000x30xf32>
      %select_n3A_177 = arith.select %broadcast_in_dim3A_175, %concatenate3A, %broadcast_in_dim3A_176 : vector<2000x30xi1>, vector<2000x30xf32>
      %reduce_max3A_178 = arith.constant dense<0xFF800000> : vector<30xf32>
      %reduce_max3A_179 = vector.multi_reduction <maximumf>, %select_n3A_177, %reduce_max3A_178 [0] : vector<2000x30xf32> to vector<30xf32>
      %eq3A_180 = arith.constant 10 : i32
      %eq3A_181 = vector.broadcast %eq3A_180 : i32 to vector<2000x1xi32>
      %eq3A_182 = arith.cmpi eq, %get3A_82, %eq3A_181 : vector<2000x1xi32>
      %jit3A_183 = arith.constant 0xFF800000 : f32
      %broadcast_in_dim3A_184 = vector.shape_cast %eq3A_182 : vector<2000x1xi1> to vector<2000x1xi1>
      %broadcast_in_dim3A_185 = vector.broadcast %broadcast_in_dim3A_184 : vector<2000x1xi1> to vector<2000x30xi1>
      %broadcast_in_dim3A_186 = vector.broadcast %jit3A_183 : f32 to vector<2000x30xf32>
      %select_n3A_187 = arith.select %broadcast_in_dim3A_185, %concatenate3A, %broadcast_in_dim3A_186 : vector<2000x30xi1>, vector<2000x30xf32>
      %reduce_max3A_188 = arith.constant dense<0xFF800000> : vector<30xf32>
      %reduce_max3A_189 = vector.multi_reduction <maximumf>, %select_n3A_187, %reduce_max3A_188 [0] : vector<2000x30xf32> to vector<30xf32>
      %eq3A_190 = arith.constant 11 : i32
      %eq3A_191 = vector.broadcast %eq3A_190 : i32 to vector<2000x1xi32>
      %eq3A_192 = arith.cmpi eq, %get3A_82, %eq3A_191 : vector<2000x1xi32>
      %jit3A_193 = arith.constant 0xFF800000 : f32
      %broadcast_in_dim3A_194 = vector.shape_cast %eq3A_192 : vector<2000x1xi1> to vector<2000x1xi1>
      %broadcast_in_dim3A_195 = vector.broadcast %broadcast_in_dim3A_194 : vector<2000x1xi1> to vector<2000x30xi1>
      %broadcast_in_dim3A_196 = vector.broadcast %jit3A_193 : f32 to vector<2000x30xf32>
      %select_n3A_197 = arith.select %broadcast_in_dim3A_195, %concatenate3A, %broadcast_in_dim3A_196 : vector<2000x30xi1>, vector<2000x30xf32>
      %reduce_max3A_198 = arith.constant dense<0xFF800000> : vector<30xf32>
      %reduce_max3A_199 = vector.multi_reduction <maximumf>, %select_n3A_197, %reduce_max3A_198 [0] : vector<2000x30xf32> to vector<30xf32>
      %eq3A_200 = arith.constant 12 : i32
      %eq3A_201 = vector.broadcast %eq3A_200 : i32 to vector<2000x1xi32>
      %eq3A_202 = arith.cmpi eq, %get3A_82, %eq3A_201 : vector<2000x1xi32>
      %jit3A_203 = arith.constant 0xFF800000 : f32
      %broadcast_in_dim3A_204 = vector.shape_cast %eq3A_202 : vector<2000x1xi1> to vector<2000x1xi1>
      %broadcast_in_dim3A_205 = vector.broadcast %broadcast_in_dim3A_204 : vector<2000x1xi1> to vector<2000x30xi1>
      %broadcast_in_dim3A_206 = vector.broadcast %jit3A_203 : f32 to vector<2000x30xf32>
      %select_n3A_207 = arith.select %broadcast_in_dim3A_205, %concatenate3A, %broadcast_in_dim3A_206 : vector<2000x30xi1>, vector<2000x30xf32>
      %reduce_max3A_208 = arith.constant dense<0xFF800000> : vector<30xf32>
      %reduce_max3A_209 = vector.multi_reduction <maximumf>, %select_n3A_207, %reduce_max3A_208 [0] : vector<2000x30xf32> to vector<30xf32>
      %eq3A_210 = arith.constant 13 : i32
      %eq3A_211 = vector.broadcast %eq3A_210 : i32 to vector<2000x1xi32>
      %eq3A_212 = arith.cmpi eq, %get3A_82, %eq3A_211 : vector<2000x1xi32>
      %jit3A_213 = arith.constant 0xFF800000 : f32
      %broadcast_in_dim3A_214 = vector.shape_cast %eq3A_212 : vector<2000x1xi1> to vector<2000x1xi1>
      %broadcast_in_dim3A_215 = vector.broadcast %broadcast_in_dim3A_214 : vector<2000x1xi1> to vector<2000x30xi1>
      %broadcast_in_dim3A_216 = vector.broadcast %jit3A_213 : f32 to vector<2000x30xf32>
      %select_n3A_217 = arith.select %broadcast_in_dim3A_215, %concatenate3A, %broadcast_in_dim3A_216 : vector<2000x30xi1>, vector<2000x30xf32>
      %reduce_max3A_218 = arith.constant dense<0xFF800000> : vector<30xf32>
      %reduce_max3A_219 = vector.multi_reduction <maximumf>, %select_n3A_217, %reduce_max3A_218 [0] : vector<2000x30xf32> to vector<30xf32>
      %eq3A_220 = arith.constant 14 : i32
      %eq3A_221 = vector.broadcast %eq3A_220 : i32 to vector<2000x1xi32>
      %eq3A_222 = arith.cmpi eq, %get3A_82, %eq3A_221 : vector<2000x1xi32>
      %jit3A_223 = arith.constant 0xFF800000 : f32
      %broadcast_in_dim3A_224 = vector.shape_cast %eq3A_222 : vector<2000x1xi1> to vector<2000x1xi1>
      %broadcast_in_dim3A_225 = vector.broadcast %broadcast_in_dim3A_224 : vector<2000x1xi1> to vector<2000x30xi1>
      %broadcast_in_dim3A_226 = vector.broadcast %jit3A_223 : f32 to vector<2000x30xf32>
      %select_n3A_227 = arith.select %broadcast_in_dim3A_225, %concatenate3A, %broadcast_in_dim3A_226 : vector<2000x30xi1>, vector<2000x30xf32>
      %reduce_max3A_228 = arith.constant dense<0xFF800000> : vector<30xf32>
      %reduce_max3A_229 = vector.multi_reduction <maximumf>, %select_n3A_227, %reduce_max3A_228 [0] : vector<2000x30xf32> to vector<30xf32>
      %eq3A_230 = arith.constant 15 : i32
      %eq3A_231 = vector.broadcast %eq3A_230 : i32 to vector<2000x1xi32>
      %eq3A_232 = arith.cmpi eq, %get3A_82, %eq3A_231 : vector<2000x1xi32>
      %jit3A_233 = arith.constant 0xFF800000 : f32
      %broadcast_in_dim3A_234 = vector.shape_cast %eq3A_232 : vector<2000x1xi1> to vector<2000x1xi1>
      %broadcast_in_dim3A_235 = vector.broadcast %broadcast_in_dim3A_234 : vector<2000x1xi1> to vector<2000x30xi1>
      %broadcast_in_dim3A_236 = vector.broadcast %jit3A_233 : f32 to vector<2000x30xf32>
      %select_n3A_237 = arith.select %broadcast_in_dim3A_235, %concatenate3A, %broadcast_in_dim3A_236 : vector<2000x30xi1>, vector<2000x30xf32>
      %reduce_max3A_238 = arith.constant dense<0xFF800000> : vector<30xf32>
      %reduce_max3A_239 = vector.multi_reduction <maximumf>, %select_n3A_237, %reduce_max3A_238 [0] : vector<2000x30xf32> to vector<30xf32>
      %eq3A_240 = arith.constant 16 : i32
      %eq3A_241 = vector.broadcast %eq3A_240 : i32 to vector<2000x1xi32>
      %eq3A_242 = arith.cmpi eq, %get3A_82, %eq3A_241 : vector<2000x1xi32>
      %jit3A_243 = arith.constant 0xFF800000 : f32
      %broadcast_in_dim3A_244 = vector.shape_cast %eq3A_242 : vector<2000x1xi1> to vector<2000x1xi1>
      %broadcast_in_dim3A_245 = vector.broadcast %broadcast_in_dim3A_244 : vector<2000x1xi1> to vector<2000x30xi1>
      %broadcast_in_dim3A_246 = vector.broadcast %jit3A_243 : f32 to vector<2000x30xf32>
      %select_n3A_247 = arith.select %broadcast_in_dim3A_245, %concatenate3A, %broadcast_in_dim3A_246 : vector<2000x30xi1>, vector<2000x30xf32>
      %reduce_max3A_248 = arith.constant dense<0xFF800000> : vector<30xf32>
      %reduce_max3A_249 = vector.multi_reduction <maximumf>, %select_n3A_247, %reduce_max3A_248 [0] : vector<2000x30xf32> to vector<30xf32>
      %eq3A_250 = arith.constant 17 : i32
      %eq3A_251 = vector.broadcast %eq3A_250 : i32 to vector<2000x1xi32>
      %eq3A_252 = arith.cmpi eq, %get3A_82, %eq3A_251 : vector<2000x1xi32>
      %jit3A_253 = arith.constant 0xFF800000 : f32
      %broadcast_in_dim3A_254 = vector.shape_cast %eq3A_252 : vector<2000x1xi1> to vector<2000x1xi1>
      %broadcast_in_dim3A_255 = vector.broadcast %broadcast_in_dim3A_254 : vector<2000x1xi1> to vector<2000x30xi1>
      %broadcast_in_dim3A_256 = vector.broadcast %jit3A_253 : f32 to vector<2000x30xf32>
      %select_n3A_257 = arith.select %broadcast_in_dim3A_255, %concatenate3A, %broadcast_in_dim3A_256 : vector<2000x30xi1>, vector<2000x30xf32>
      %reduce_max3A_258 = arith.constant dense<0xFF800000> : vector<30xf32>
      %reduce_max3A_259 = vector.multi_reduction <maximumf>, %select_n3A_257, %reduce_max3A_258 [0] : vector<2000x30xf32> to vector<30xf32>
      %eq3A_260 = arith.constant 18 : i32
      %eq3A_261 = vector.broadcast %eq3A_260 : i32 to vector<2000x1xi32>
      %eq3A_262 = arith.cmpi eq, %get3A_82, %eq3A_261 : vector<2000x1xi32>
      %jit3A_263 = arith.constant 0xFF800000 : f32
      %broadcast_in_dim3A_264 = vector.shape_cast %eq3A_262 : vector<2000x1xi1> to vector<2000x1xi1>
      %broadcast_in_dim3A_265 = vector.broadcast %broadcast_in_dim3A_264 : vector<2000x1xi1> to vector<2000x30xi1>
      %broadcast_in_dim3A_266 = vector.broadcast %jit3A_263 : f32 to vector<2000x30xf32>
      %select_n3A_267 = arith.select %broadcast_in_dim3A_265, %concatenate3A, %broadcast_in_dim3A_266 : vector<2000x30xi1>, vector<2000x30xf32>
      %reduce_max3A_268 = arith.constant dense<0xFF800000> : vector<30xf32>
      %reduce_max3A_269 = vector.multi_reduction <maximumf>, %select_n3A_267, %reduce_max3A_268 [0] : vector<2000x30xf32> to vector<30xf32>
      %eq3A_270 = arith.constant 19 : i32
      %eq3A_271 = vector.broadcast %eq3A_270 : i32 to vector<2000x1xi32>
      %eq3A_272 = arith.cmpi eq, %get3A_82, %eq3A_271 : vector<2000x1xi32>
      %jit3A_273 = arith.constant 0xFF800000 : f32
      %broadcast_in_dim3A_274 = vector.shape_cast %eq3A_272 : vector<2000x1xi1> to vector<2000x1xi1>
      %broadcast_in_dim3A_275 = vector.broadcast %broadcast_in_dim3A_274 : vector<2000x1xi1> to vector<2000x30xi1>
      %broadcast_in_dim3A_276 = vector.broadcast %jit3A_273 : f32 to vector<2000x30xf32>
      %select_n3A_277 = arith.select %broadcast_in_dim3A_275, %concatenate3A, %broadcast_in_dim3A_276 : vector<2000x30xi1>, vector<2000x30xf32>
      %reduce_max3A_278 = arith.constant dense<0xFF800000> : vector<30xf32>
      %reduce_max3A_279 = vector.multi_reduction <maximumf>, %select_n3A_277, %reduce_max3A_278 [0] : vector<2000x30xf32> to vector<30xf32>
      %eq3A_280 = arith.constant 20 : i32
      %eq3A_281 = vector.broadcast %eq3A_280 : i32 to vector<2000x1xi32>
      %eq3A_282 = arith.cmpi eq, %get3A_82, %eq3A_281 : vector<2000x1xi32>
      %jit3A_283 = arith.constant 0xFF800000 : f32
      %broadcast_in_dim3A_284 = vector.shape_cast %eq3A_282 : vector<2000x1xi1> to vector<2000x1xi1>
      %broadcast_in_dim3A_285 = vector.broadcast %broadcast_in_dim3A_284 : vector<2000x1xi1> to vector<2000x30xi1>
      %broadcast_in_dim3A_286 = vector.broadcast %jit3A_283 : f32 to vector<2000x30xf32>
      %select_n3A_287 = arith.select %broadcast_in_dim3A_285, %concatenate3A, %broadcast_in_dim3A_286 : vector<2000x30xi1>, vector<2000x30xf32>
      %reduce_max3A_288 = arith.constant dense<0xFF800000> : vector<30xf32>
      %reduce_max3A_289 = vector.multi_reduction <maximumf>, %select_n3A_287, %reduce_max3A_288 [0] : vector<2000x30xf32> to vector<30xf32>
      %eq3A_290 = arith.constant 21 : i32
      %eq3A_291 = vector.broadcast %eq3A_290 : i32 to vector<2000x1xi32>
      %eq3A_292 = arith.cmpi eq, %get3A_82, %eq3A_291 : vector<2000x1xi32>
      %jit3A_293 = arith.constant 0xFF800000 : f32
      %broadcast_in_dim3A_294 = vector.shape_cast %eq3A_292 : vector<2000x1xi1> to vector<2000x1xi1>
      %broadcast_in_dim3A_295 = vector.broadcast %broadcast_in_dim3A_294 : vector<2000x1xi1> to vector<2000x30xi1>
      %broadcast_in_dim3A_296 = vector.broadcast %jit3A_293 : f32 to vector<2000x30xf32>
      %select_n3A_297 = arith.select %broadcast_in_dim3A_295, %concatenate3A, %broadcast_in_dim3A_296 : vector<2000x30xi1>, vector<2000x30xf32>
      %reduce_max3A_298 = arith.constant dense<0xFF800000> : vector<30xf32>
      %reduce_max3A_299 = vector.multi_reduction <maximumf>, %select_n3A_297, %reduce_max3A_298 [0] : vector<2000x30xf32> to vector<30xf32>
      %eq3A_300 = arith.constant 22 : i32
      %eq3A_301 = vector.broadcast %eq3A_300 : i32 to vector<2000x1xi32>
      %eq3A_302 = arith.cmpi eq, %get3A_82, %eq3A_301 : vector<2000x1xi32>
      %jit3A_303 = arith.constant 0xFF800000 : f32
      %broadcast_in_dim3A_304 = vector.shape_cast %eq3A_302 : vector<2000x1xi1> to vector<2000x1xi1>
      %broadcast_in_dim3A_305 = vector.broadcast %broadcast_in_dim3A_304 : vector<2000x1xi1> to vector<2000x30xi1>
      %broadcast_in_dim3A_306 = vector.broadcast %jit3A_303 : f32 to vector<2000x30xf32>
      %select_n3A_307 = arith.select %broadcast_in_dim3A_305, %concatenate3A, %broadcast_in_dim3A_306 : vector<2000x30xi1>, vector<2000x30xf32>
      %reduce_max3A_308 = arith.constant dense<0xFF800000> : vector<30xf32>
      %reduce_max3A_309 = vector.multi_reduction <maximumf>, %select_n3A_307, %reduce_max3A_308 [0] : vector<2000x30xf32> to vector<30xf32>
      %eq3A_310 = arith.constant 23 : i32
      %eq3A_311 = vector.broadcast %eq3A_310 : i32 to vector<2000x1xi32>
      %eq3A_312 = arith.cmpi eq, %get3A_82, %eq3A_311 : vector<2000x1xi32>
      %jit3A_313 = arith.constant 0xFF800000 : f32
      %broadcast_in_dim3A_314 = vector.shape_cast %eq3A_312 : vector<2000x1xi1> to vector<2000x1xi1>
      %broadcast_in_dim3A_315 = vector.broadcast %broadcast_in_dim3A_314 : vector<2000x1xi1> to vector<2000x30xi1>
      %broadcast_in_dim3A_316 = vector.broadcast %jit3A_313 : f32 to vector<2000x30xf32>
      %select_n3A_317 = arith.select %broadcast_in_dim3A_315, %concatenate3A, %broadcast_in_dim3A_316 : vector<2000x30xi1>, vector<2000x30xf32>
      %reduce_max3A_318 = arith.constant dense<0xFF800000> : vector<30xf32>
      %reduce_max3A_319 = vector.multi_reduction <maximumf>, %select_n3A_317, %reduce_max3A_318 [0] : vector<2000x30xf32> to vector<30xf32>
      %eq3A_320 = arith.constant 24 : i32
      %eq3A_321 = vector.broadcast %eq3A_320 : i32 to vector<2000x1xi32>
      %eq3A_322 = arith.cmpi eq, %get3A_82, %eq3A_321 : vector<2000x1xi32>
      %jit3A_323 = arith.constant 0xFF800000 : f32
      %broadcast_in_dim3A_324 = vector.shape_cast %eq3A_322 : vector<2000x1xi1> to vector<2000x1xi1>
      %broadcast_in_dim3A_325 = vector.broadcast %broadcast_in_dim3A_324 : vector<2000x1xi1> to vector<2000x30xi1>
      %broadcast_in_dim3A_326 = vector.broadcast %jit3A_323 : f32 to vector<2000x30xf32>
      %select_n3A_327 = arith.select %broadcast_in_dim3A_325, %concatenate3A, %broadcast_in_dim3A_326 : vector<2000x30xi1>, vector<2000x30xf32>
      %reduce_max3A_328 = arith.constant dense<0xFF800000> : vector<30xf32>
      %reduce_max3A_329 = vector.multi_reduction <maximumf>, %select_n3A_327, %reduce_max3A_328 [0] : vector<2000x30xf32> to vector<30xf32>
      %eq3A_330 = arith.constant 25 : i32
      %eq3A_331 = vector.broadcast %eq3A_330 : i32 to vector<2000x1xi32>
      %eq3A_332 = arith.cmpi eq, %get3A_82, %eq3A_331 : vector<2000x1xi32>
      %jit3A_333 = arith.constant 0xFF800000 : f32
      %broadcast_in_dim3A_334 = vector.shape_cast %eq3A_332 : vector<2000x1xi1> to vector<2000x1xi1>
      %broadcast_in_dim3A_335 = vector.broadcast %broadcast_in_dim3A_334 : vector<2000x1xi1> to vector<2000x30xi1>
      %broadcast_in_dim3A_336 = vector.broadcast %jit3A_333 : f32 to vector<2000x30xf32>
      %select_n3A_337 = arith.select %broadcast_in_dim3A_335, %concatenate3A, %broadcast_in_dim3A_336 : vector<2000x30xi1>, vector<2000x30xf32>
      %reduce_max3A_338 = arith.constant dense<0xFF800000> : vector<30xf32>
      %reduce_max3A_339 = vector.multi_reduction <maximumf>, %select_n3A_337, %reduce_max3A_338 [0] : vector<2000x30xf32> to vector<30xf32>
      %eq3A_340 = arith.constant 26 : i32
      %eq3A_341 = vector.broadcast %eq3A_340 : i32 to vector<2000x1xi32>
      %eq3A_342 = arith.cmpi eq, %get3A_82, %eq3A_341 : vector<2000x1xi32>
      %jit3A_343 = arith.constant 0xFF800000 : f32
      %broadcast_in_dim3A_344 = vector.shape_cast %eq3A_342 : vector<2000x1xi1> to vector<2000x1xi1>
      %broadcast_in_dim3A_345 = vector.broadcast %broadcast_in_dim3A_344 : vector<2000x1xi1> to vector<2000x30xi1>
      %broadcast_in_dim3A_346 = vector.broadcast %jit3A_343 : f32 to vector<2000x30xf32>
      %select_n3A_347 = arith.select %broadcast_in_dim3A_345, %concatenate3A, %broadcast_in_dim3A_346 : vector<2000x30xi1>, vector<2000x30xf32>
      %reduce_max3A_348 = arith.constant dense<0xFF800000> : vector<30xf32>
      %reduce_max3A_349 = vector.multi_reduction <maximumf>, %select_n3A_347, %reduce_max3A_348 [0] : vector<2000x30xf32> to vector<30xf32>
      %eq3A_350 = arith.constant 27 : i32
      %eq3A_351 = vector.broadcast %eq3A_350 : i32 to vector<2000x1xi32>
      %eq3A_352 = arith.cmpi eq, %get3A_82, %eq3A_351 : vector<2000x1xi32>
      %jit3A_353 = arith.constant 0xFF800000 : f32
      %broadcast_in_dim3A_354 = vector.shape_cast %eq3A_352 : vector<2000x1xi1> to vector<2000x1xi1>
      %broadcast_in_dim3A_355 = vector.broadcast %broadcast_in_dim3A_354 : vector<2000x1xi1> to vector<2000x30xi1>
      %broadcast_in_dim3A_356 = vector.broadcast %jit3A_353 : f32 to vector<2000x30xf32>
      %select_n3A_357 = arith.select %broadcast_in_dim3A_355, %concatenate3A, %broadcast_in_dim3A_356 : vector<2000x30xi1>, vector<2000x30xf32>
      %reduce_max3A_358 = arith.constant dense<0xFF800000> : vector<30xf32>
      %reduce_max3A_359 = vector.multi_reduction <maximumf>, %select_n3A_357, %reduce_max3A_358 [0] : vector<2000x30xf32> to vector<30xf32>
      %eq3A_360 = arith.constant 28 : i32
      %eq3A_361 = vector.broadcast %eq3A_360 : i32 to vector<2000x1xi32>
      %eq3A_362 = arith.cmpi eq, %get3A_82, %eq3A_361 : vector<2000x1xi32>
      %jit3A_363 = arith.constant 0xFF800000 : f32
      %broadcast_in_dim3A_364 = vector.shape_cast %eq3A_362 : vector<2000x1xi1> to vector<2000x1xi1>
      %broadcast_in_dim3A_365 = vector.broadcast %broadcast_in_dim3A_364 : vector<2000x1xi1> to vector<2000x30xi1>
      %broadcast_in_dim3A_366 = vector.broadcast %jit3A_363 : f32 to vector<2000x30xf32>
      %select_n3A_367 = arith.select %broadcast_in_dim3A_365, %concatenate3A, %broadcast_in_dim3A_366 : vector<2000x30xi1>, vector<2000x30xf32>
      %reduce_max3A_368 = arith.constant dense<0xFF800000> : vector<30xf32>
      %reduce_max3A_369 = vector.multi_reduction <maximumf>, %select_n3A_367, %reduce_max3A_368 [0] : vector<2000x30xf32> to vector<30xf32>
      %eq3A_370 = arith.constant 29 : i32
      %eq3A_371 = vector.broadcast %eq3A_370 : i32 to vector<2000x1xi32>
      %eq3A_372 = arith.cmpi eq, %get3A_82, %eq3A_371 : vector<2000x1xi32>
      %jit3A_373 = arith.constant 0xFF800000 : f32
      %broadcast_in_dim3A_374 = vector.shape_cast %eq3A_372 : vector<2000x1xi1> to vector<2000x1xi1>
      %broadcast_in_dim3A_375 = vector.broadcast %broadcast_in_dim3A_374 : vector<2000x1xi1> to vector<2000x30xi1>
      %broadcast_in_dim3A_376 = vector.broadcast %jit3A_373 : f32 to vector<2000x30xf32>
      %select_n3A_377 = arith.select %broadcast_in_dim3A_375, %concatenate3A, %broadcast_in_dim3A_376 : vector<2000x30xi1>, vector<2000x30xf32>
      %reduce_max3A_378 = arith.constant dense<0xFF800000> : vector<30xf32>
      %reduce_max3A_379 = vector.multi_reduction <maximumf>, %select_n3A_377, %reduce_max3A_378 [0] : vector<2000x30xf32> to vector<30xf32>
      %eq3A_380 = arith.constant 30 : i32
      %eq3A_381 = vector.broadcast %eq3A_380 : i32 to vector<2000x1xi32>
      %eq3A_382 = arith.cmpi eq, %get3A_82, %eq3A_381 : vector<2000x1xi32>
      %jit3A_383 = arith.constant 0xFF800000 : f32
      %broadcast_in_dim3A_384 = vector.shape_cast %eq3A_382 : vector<2000x1xi1> to vector<2000x1xi1>
      %broadcast_in_dim3A_385 = vector.broadcast %broadcast_in_dim3A_384 : vector<2000x1xi1> to vector<2000x30xi1>
      %broadcast_in_dim3A_386 = vector.broadcast %jit3A_383 : f32 to vector<2000x30xf32>
      %select_n3A_387 = arith.select %broadcast_in_dim3A_385, %concatenate3A, %broadcast_in_dim3A_386 : vector<2000x30xi1>, vector<2000x30xf32>
      %reduce_max3A_388 = arith.constant dense<0xFF800000> : vector<30xf32>
      %reduce_max3A_389 = vector.multi_reduction <maximumf>, %select_n3A_387, %reduce_max3A_388 [0] : vector<2000x30xf32> to vector<30xf32>
      %eq3A_390 = arith.constant 31 : i32
      %eq3A_391 = vector.broadcast %eq3A_390 : i32 to vector<2000x1xi32>
      %eq3A_392 = arith.cmpi eq, %get3A_82, %eq3A_391 : vector<2000x1xi32>
      %jit3A_393 = arith.constant 0xFF800000 : f32
      %broadcast_in_dim3A_394 = vector.shape_cast %eq3A_392 : vector<2000x1xi1> to vector<2000x1xi1>
      %broadcast_in_dim3A_395 = vector.broadcast %broadcast_in_dim3A_394 : vector<2000x1xi1> to vector<2000x30xi1>
      %broadcast_in_dim3A_396 = vector.broadcast %jit3A_393 : f32 to vector<2000x30xf32>
      %select_n3A_397 = arith.select %broadcast_in_dim3A_395, %concatenate3A, %broadcast_in_dim3A_396 : vector<2000x30xi1>, vector<2000x30xf32>
      %reduce_max3A_398 = arith.constant dense<0xFF800000> : vector<30xf32>
      %reduce_max3A_399 = vector.multi_reduction <maximumf>, %select_n3A_397, %reduce_max3A_398 [0] : vector<2000x30xf32> to vector<30xf32>
      %stack3A = vector.shape_cast %reduce_max3A_89 : vector<30xf32> to vector<1x30xf32>
      %stack3A_400 = vector.shape_cast %reduce_max3A_99 : vector<30xf32> to vector<1x30xf32>
      %stack3A_401 = vector.shape_cast %reduce_max3A_109 : vector<30xf32> to vector<1x30xf32>
      %stack3A_402 = vector.shape_cast %reduce_max3A_119 : vector<30xf32> to vector<1x30xf32>
      %stack3A_403 = vector.shape_cast %reduce_max3A_129 : vector<30xf32> to vector<1x30xf32>
      %stack3A_404 = vector.shape_cast %reduce_max3A_139 : vector<30xf32> to vector<1x30xf32>
      %stack3A_405 = vector.shape_cast %reduce_max3A_149 : vector<30xf32> to vector<1x30xf32>
      %stack3A_406 = vector.shape_cast %reduce_max3A_159 : vector<30xf32> to vector<1x30xf32>
      %stack3A_407 = vector.shape_cast %reduce_max3A_169 : vector<30xf32> to vector<1x30xf32>
      %stack3A_408 = vector.shape_cast %reduce_max3A_179 : vector<30xf32> to vector<1x30xf32>
      %stack3A_409 = vector.shape_cast %reduce_max3A_189 : vector<30xf32> to vector<1x30xf32>
      %stack3A_410 = vector.shape_cast %reduce_max3A_199 : vector<30xf32> to vector<1x30xf32>
      %stack3A_411 = vector.shape_cast %reduce_max3A_209 : vector<30xf32> to vector<1x30xf32>
      %stack3A_412 = vector.shape_cast %reduce_max3A_219 : vector<30xf32> to vector<1x30xf32>
      %stack3A_413 = vector.shape_cast %reduce_max3A_229 : vector<30xf32> to vector<1x30xf32>
      %stack3A_414 = vector.shape_cast %reduce_max3A_239 : vector<30xf32> to vector<1x30xf32>
      %stack3A_415 = vector.shape_cast %reduce_max3A_249 : vector<30xf32> to vector<1x30xf32>
      %stack3A_416 = vector.shape_cast %reduce_max3A_259 : vector<30xf32> to vector<1x30xf32>
      %stack3A_417 = vector.shape_cast %reduce_max3A_269 : vector<30xf32> to vector<1x30xf32>
      %stack3A_418 = vector.shape_cast %reduce_max3A_279 : vector<30xf32> to vector<1x30xf32>
      %stack3A_419 = vector.shape_cast %reduce_max3A_289 : vector<30xf32> to vector<1x30xf32>
      %stack3A_420 = vector.shape_cast %reduce_max3A_299 : vector<30xf32> to vector<1x30xf32>
      %stack3A_421 = vector.shape_cast %reduce_max3A_309 : vector<30xf32> to vector<1x30xf32>
      %stack3A_422 = vector.shape_cast %reduce_max3A_319 : vector<30xf32> to vector<1x30xf32>
      %stack3A_423 = vector.shape_cast %reduce_max3A_329 : vector<30xf32> to vector<1x30xf32>
      %stack3A_424 = vector.shape_cast %reduce_max3A_339 : vector<30xf32> to vector<1x30xf32>
      %stack3A_425 = vector.shape_cast %reduce_max3A_349 : vector<30xf32> to vector<1x30xf32>
      %stack3A_426 = vector.shape_cast %reduce_max3A_359 : vector<30xf32> to vector<1x30xf32>
      %stack3A_427 = vector.shape_cast %reduce_max3A_369 : vector<30xf32> to vector<1x30xf32>
      %stack3A_428 = vector.shape_cast %reduce_max3A_379 : vector<30xf32> to vector<1x30xf32>
      %stack3A_429 = vector.shape_cast %reduce_max3A_389 : vector<30xf32> to vector<1x30xf32>
      %stack3A_430 = vector.shape_cast %reduce_max3A_399 : vector<30xf32> to vector<1x30xf32>
      %stack3A_431 = tpu.concatenate %stack3A, %stack3A_400, %stack3A_401, %stack3A_402, %stack3A_403, %stack3A_404, %stack3A_405, %stack3A_406, %stack3A_407, %stack3A_408, %stack3A_409, %stack3A_410, %stack3A_411, %stack3A_412, %stack3A_413, %stack3A_414, %stack3A_415, %stack3A_416, %stack3A_417, %stack3A_418, %stack3A_419, %stack3A_420, %stack3A_421, %stack3A_422, %stack3A_423, %stack3A_424, %stack3A_425, %stack3A_426, %stack3A_427, %stack3A_428, %stack3A_429, %stack3A_430 in 0 : vector<1x30xf32>, vector<1x30xf32>, vector<1x30xf32>, vector<1x30xf32>, vector<1x30xf32>, vector<1x30xf32>, vector<1x30xf32>, vector<1x30xf32>, vector<1x30xf32>, vector<1x30xf32>, vector<1x30xf32>, vector<1x30xf32>, vector<1x30xf32>, vector<1x30xf32>, vector<1x30xf32>, vector<1x30xf32>, vector<1x30xf32>, vector<1x30xf32>, vector<1x30xf32>, vector<1x30xf32>, vector<1x30xf32>, vector<1x30xf32>, vector<1x30xf32>, vector<1x30xf32>, vector<1x30xf32>, vector<1x30xf32>, vector<1x30xf32>, vector<1x30xf32>, vector<1x30xf32>, vector<1x30xf32>, vector<1x30xf32>, vector<1x30xf32> -> vector<32x30xf32>
      %eq3A_432 = arith.constant 0 : i32
      %eq3A_433 = arith.cmpi eq, %arg1, %eq3A_432 : i32
      %broadcast_in_dim3A_434 = arith.constant 0xFF800000 : f32
      %broadcast_in_dim3A_435 = vector.broadcast %broadcast_in_dim3A_434 : f32 to vector<32x30xf32>
      %get3A_436 = arith.constant 0 : index
      %get3A_437 = arith.constant 0 : index
      %get3A_438 = vector.load %arg26[%get3A_436, %get3A_437] : memref<32x30xf32, #tpu.memory_space<vmem>>, vector<32x30xf32>
      %select_n3A_439 = arith.select %eq3A_433, %broadcast_in_dim3A_435, %get3A_438 : vector<32x30xf32>
      %max3A = arith.maximumf %select_n3A_439, %stack3A_431 : vector<32x30xf32>
      %swap3A_440 = arith.constant 0 : index
      %swap3A_441 = arith.constant 0 : index
      %swap3A_442 = vector.load %arg26[%swap3A_440, %swap3A_441] : memref<32x30xf32, #tpu.memory_space<vmem>>, vector<32x30xf32>
      tpu.vector_store %arg26[%swap3A_440, %swap3A_441], %max3A {strides = array<i32>} : memref<32x30xf32, #tpu.memory_space<vmem>>, vector<32x30xf32>,
      %eq3A_443 = arith.constant 4 : i32
      %eq3A_444 = arith.cmpi eq, %arg1, %eq3A_443 : i32
      %convert_element_type3A_445 = arith.extui %eq3A_444 : i1 to i32
      %cond3A_446 = arith.constant 0 : i32
      %cond3A_447 = arith.cmpi ne, %convert_element_type3A_445, %cond3A_446 : i32
      scf.if %cond3A_447 {
        %get3A_448 = arith.constant 0 : index
        %get3A_449 = arith.constant 0 : index
        %get3A_450 = vector.load %arg26[%get3A_448, %get3A_449] : memref<32x30xf32, #tpu.memory_space<vmem>>, vector<32x30xf32>
        %slice3A_451 = vector.extract_strided_slice %get3A_450 {offsets = [0, 0], sizes = [32, 10], strides = [1, 1]} : vector<32x30xf32> to vector<32x10xf32>
        %slice3A_452 = vector.extract_strided_slice %get3A_450 {offsets = [0, 10], sizes = [32, 10], strides = [1, 1]} : vector<32x30xf32> to vector<32x10xf32>
        %add3A_453 = arith.addf %slice3A_451, %slice3A_452 : vector<32x10xf32>
        %slice3A_454 = vector.extract_strided_slice %get3A_450 {offsets = [0, 20], sizes = [32, 10], strides = [1, 1]} : vector<32x30xf32> to vector<32x10xf32>
        %add3A_455 = arith.addf %add3A_453, %slice3A_454 : vector<32x10xf32>
        %swap3A_456 = arith.constant 0 : index
        %swap3A_457 = arith.constant 0 : index
        %swap3A_458 = vector.load %arg19[%swap3A_456, %swap3A_457] : memref<32x10xf32, #tpu.memory_space<vmem>>, vector<32x10xf32>
        tpu.vector_store %arg19[%swap3A_456, %swap3A_457], %add3A_455 {strides = array<i32>} : memref<32x10xf32, #tpu.memory_space<vmem>>, vector<32x10xf32>,
      } else {
      }
    } else {
    }
    return
  }
  func.func @transform_0(%arg0: i32, %arg1: i32) -> (i32, i32) {
    %eq3A = arith.constant 0 : i32
    %eq3A_0 = arith.cmpi eq, %arg0, %eq3A : i32
    %jit3A = arith.constant 0 : i32
    %select_n3A = arith.select %eq3A_0, %arg1, %jit3A : i32
    %c0_i32 = arith.constant 0 : i32
    %c0_i32_1 = arith.constant 0 : i32
    return %select_n3A, %c0_i32 : i32, i32
  }
  func.func @transform_1(%arg0: i32, %arg1: i32) -> (i32, i32) {
    %eq3A = arith.constant 0 : i32
    %eq3A_0 = arith.cmpi eq, %arg0, %eq3A : i32
    %jit3A = arith.constant 0 : i32
    %select_n3A = arith.select %eq3A_0, %arg1, %jit3A : i32
    %c0_i32 = arith.constant 0 : i32
    %c0_i32_1 = arith.constant 0 : i32
    return %select_n3A, %c0_i32 : i32, i32
  }
  func.func @transform_2(%arg0: i32, %arg1: i32) -> (i32, i32) {
    %eq3A = arith.constant 0 : i32
    %eq3A_0 = arith.cmpi eq, %arg0, %eq3A : i32
    %jit3A = arith.constant 0 : i32
    %select_n3A = arith.select %eq3A_0, %arg1, %jit3A : i32
    %add3A = arith.constant 5 : i32
    %add3A_1 = arith.addi %select_n3A, %add3A : i32
    %c0_i32 = arith.constant 0 : i32
    %c0_i32_2 = arith.constant 0 : i32
    return %add3A_1, %c0_i32 : i32, i32
  }
  func.func @transform_3(%arg0: i32, %arg1: i32) -> (i32, i32) {
    %c0_i32 = arith.constant 0 : i32
    %c0_i32_0 = arith.constant 0 : i32
    %c0_i32_1 = arith.constant 0 : i32
    return %c0_i32, %c0_i32_0 : i32, i32
  }
  func.func @transform_4(%arg0: i32, %arg1: i32) -> (i32, i32) {
    %c0_i32 = arith.constant 0 : i32
    %c0_i32_0 = arith.constant 0 : i32
    %c0_i32_1 = arith.constant 0 : i32
    return %c0_i32, %c0_i32_0 : i32, i32
  }
  func.func @transform_5(%arg0: i32, %arg1: i32) -> (i32, i32) {
    %c0_i32 = arith.constant 0 : i32
    %c0_i32_0 = arith.constant 0 : i32
    %c0_i32_1 = arith.constant 0 : i32
    return %c0_i32, %c0_i32_0 : i32, i32
  }
  func.func @transform_6(%arg0: i32, %arg1: i32) -> (i32, i32) {
    %c0_i32 = arith.constant 0 : i32
    %c0_i32_0 = arith.constant 0 : i32
    %c0_i32_1 = arith.constant 0 : i32
    return %c0_i32, %c0_i32_0 : i32, i32
  }
  func.func @transform_7(%arg0: i32, %arg1: i32) -> (i32, i32) {
    %c0_i32 = arith.constant 0 : i32
    %c0_i32_0 = arith.constant 0 : i32
    %c0_i32_1 = arith.constant 0 : i32
    return %c0_i32, %c0_i32_0 : i32, i32
  }
  func.func @transform_8(%arg0: i32, %arg1: i32) -> (i32, i32) {
    %c0_i32 = arith.constant 0 : i32
    %c0_i32_0 = arith.constant 0 : i32
    %c0_i32_1 = arith.constant 0 : i32
    return %c0_i32, %c0_i32_0 : i32, i32
  }
  func.func @transform_9(%arg0: i32, %arg1: i32) -> (i32, i32) {
    %c0_i32 = arith.constant 0 : i32
    %c0_i32_0 = arith.constant 0 : i32
    %c0_i32_1 = arith.constant 0 : i32
    return %c0_i32, %c0_i32_0 : i32, i32
  }
  func.func @transform_10(%arg0: i32, %arg1: i32) -> (i32, i32) {
    %c0_i32 = arith.constant 0 : i32
    %c0_i32_0 = arith.constant 0 : i32
    %c0_i32_1 = arith.constant 0 : i32
    return %c0_i32, %c0_i32_0 : i32, i32
  }
  func.func @transform_11(%arg0: i32, %arg1: i32) -> (i32, i32) {
    %eq3A = arith.constant 2 : i32
    %eq3A_0 = arith.cmpi eq, %arg0, %eq3A : i32
    %jit3A = arith.constant 0 : i32
    %select_n3A = arith.select %eq3A_0, %arg1, %jit3A : i32
    %c0_i32 = arith.constant 0 : i32
    %c0_i32_1 = arith.constant 0 : i32
    return %select_n3A, %c0_i32 : i32, i32
  }
  func.func @transform_12(%arg0: i32, %arg1: i32) -> (i32, i32) {
    %eq3A = arith.constant 2 : i32
    %eq3A_0 = arith.cmpi eq, %arg0, %eq3A : i32
    %jit3A = arith.constant 0 : i32
    %select_n3A = arith.select %eq3A_0, %arg1, %jit3A : i32
    %c0_i32 = arith.constant 0 : i32
    %c0_i32_1 = arith.constant 0 : i32
    return %select_n3A, %c0_i32 : i32, i32
  }
  func.func @transform_13(%arg0: i32, %arg1: i32) -> (i32, i32) {
    %c0_i32 = arith.constant 0 : i32
    %c0_i32_0 = arith.constant 0 : i32
    %c0_i32_1 = arith.constant 0 : i32
    return %c0_i32, %c0_i32_0 : i32, i32
  }
  func.func @transform_14(%arg0: i32, %arg1: i32) -> (i32, i32) {
    %eq3A = arith.constant 2 : i32
    %eq3A_0 = arith.cmpi eq, %arg0, %eq3A : i32
    %jit3A = arith.constant 0 : i32
    %select_n3A = arith.select %eq3A_0, %arg1, %jit3A : i32
    %c0_i32 = arith.constant 0 : i32
    %c0_i32_1 = arith.constant 0 : i32
    return %select_n3A, %c0_i32 : i32, i32
  }
  func.func @transform_15(%arg0: i32, %arg1: i32) -> (i32, i32) {
    %eq3A = arith.constant 2 : i32
    %eq3A_0 = arith.cmpi eq, %arg0, %eq3A : i32
    %jit3A = arith.constant 0 : i32
    %select_n3A = arith.select %eq3A_0, %arg1, %jit3A : i32
    %c0_i32 = arith.constant 0 : i32
    %c0_i32_1 = arith.constant 0 : i32
    return %select_n3A, %c0_i32 : i32, i32
  }
  func.func @transform_16(%arg0: i32, %arg1: i32) -> (i32, i32) {
    %eq3A = arith.constant 2 : i32
    %eq3A_0 = arith.cmpi eq, %arg0, %eq3A : i32
    %jit3A = arith.constant 0 : i32
    %select_n3A = arith.select %eq3A_0, %arg1, %jit3A : i32
    %c0_i32 = arith.constant 0 : i32
    %c0_i32_1 = arith.constant 0 : i32
    return %select_n3A, %c0_i32 : i32, i32
  }
  func.func @transform_17(%arg0: i32, %arg1: i32) -> (i32, i32) {
    %c0_i32 = arith.constant 0 : i32
    %c0_i32_0 = arith.constant 0 : i32
    %c0_i32_1 = arith.constant 0 : i32
    return %c0_i32, %c0_i32_0 : i32, i32
  }
}

</mosaic_0001>

<sc_bundles>
// kernel: kernel.6.cloned.1.call-start
scs
__scs_entry_jumppad:
0x0: {  	(pc) =	sbr.rel $0x88, $3  }
0x1: {  	(tag) =	ssettag $0x0;
	lr =	simm.s32 $0x1  }
0x2: {  	[smem:$0x3F89] =	sst lr;
	_ =	strace $0xD0000000  }
0x3: {  	_ = 	snop  }
0x4: {  	_ = 	snop  }
0x5: {  	_ = 	snop  }
0x6: {  	_ = 	snop  }
0x7: {  	_ = 	snop  }
__scs_overlays_trampoline_lowered:
0x8: {  	[smem:$0x3F98] =	sst s0  }
0x9: {  	[smem:$0x3F99] =	sst s1  }
0xa: {  	[smem:$0x3F9A] =	sst s2  }
0xb: {  	[smem:$0x3F9B] =	sst s3  }
0xc: {  	[smem:$0x3F9C] =	sst s4  }
0xd: {  	[smem:$0x3F9D] =	sst s5  }
0xe: {  	[smem:$0x3F9E] =	sst s6  }
0xf: {  	[smem:$0x3F9F] =	sst s7  }
0x10: {  	[smem:$0x3FA0] =	sst s8  }
0x11: {  	[smem:$0x3FA1] =	sst s9;
	s0 =	simm.s32 @!p0 $0x0  }
0x12: {  	s1 =	sld [smem:$0x3F87];
	s0 =	simm.s32 @p0 $0x1  }
0x13: {  	[smem:$0x3FA2] =	sst s0;
	s0 =	simm.s32 @!p1 $0x0  }
0x14: {  	s2 =	sld [smem:$0x3F86];
	s0 =	simm.s32 @p1 $0x1  }
0x15: {  	[smem:$0x3FA3] =	sst s0;
	s0 =	simm.s32 @!p2 $0x0  }
0x16: {  	s3 =	sld [smem:$0x3FDB];
	s0 =	simm.s32 @p2 $0x1  }
0x17: {  	s4 =	simm.s32 $0x1BF5;
	[smem:$0x3FA5] =	sst s0  }
0x18: {  	s0 =	sld [smem:$0x3F88];
	_ =	swait.ge [sflag:s4], $0x0  }
0x19: {  	s7 =	sld [smem:$0x3F89]  }
0x1a: {  	s8 =	sadd.s32 $0xFFFFE003, lr  }
0x1b: {  	s9 =	sadd.s32 $0xFFFFFEF7, lr;
	s5 =	simm.s32 $0xFFFFFFFF;
	p2 =	slt.u32 s8, $0xFFFFF086  }
0x1c: {  	p1 =	slt.u32 s9, $0xF7A;
	s5 =	simm.s32 @!p2 $0x0  }
0x1d: {  	s5 =	simm.s32 @p1 $0x1;
	p0 =	seq.s32 s7, s2  }
0x1e: {  	s7 =	smul.u32 @!p0 $0xF7A, s2;
	p2 =	seq.s32 @!p0 s5, $0x0  }
0x1f: {  	s9 =	smul.u32 $0xF7A, s1;
	s8 =	simm.s32 @!p0 $0x1BF5;
	p2 =	por !p2, p0  }
0x20: {  	[sflag:s8] =	ssyncset.s32 @!p0 $0xFFFFF086;
	s6 =	sadd.s32 @!p0 s3, s7;
	s7 =	simm.s32 @!p0 $0x108  }
0x21: {  	s3 =	sadd.s32 s3, s9;
	s6 =	sadd.s32 @!p0 $0x88, s6;
	s7 =	simm.s32 @p2 $0x1082  }
0x22: {  	[simem:s7], [sflag:s8] =	dma.local @!p0 [hbm:s6], $0xF7A  }
0x23: {  	s9 =	sor.u32 $0xD0000000, s2;
	s6 =	simm.s32 $0x108;
	_ =	swait.ge @!p0 [sflag:s8], $0x0  }
0x24: {  	s3 =	sadd.s32 $0x88, s3;
	s6 =	simm.s32 @!p1 $0x1082;
	[sflag:s4] =	ssyncset.s32 $0xFFFFF086  }
0x25: {  	[simem:s6], [sflag:s4] =	dma.local [hbm:s3], $0xF7A  }
0x26: {  	[smem:$0x3F89] =	sst s1;
	(tag) =	ssettag s2;
	_ =	strace s9  }
0x27: {  	s1 =	sld [smem:$0x3F99]  }
0x28: {  	s2 =	sld [smem:$0x3F9A]  }
0x29: {  	s4 =	sld [smem:$0x3F9C]  }
0x2a: {  	p0 =	seq.s32 s5, $0x0;
	s5 =	sld [smem:$0x3F9D]  }
0x2b: {  	s6 =	sld [smem:$0x3F9E]  }
0x2c: {  	s7 =	sld [smem:$0x3F9F]  }
0x2d: {  	s3 =	simm.s32 $0x108;
	s8 =	sld [smem:$0x3FA0]  }
0x2e: {  	s3 =	simm.s32 @!p0 $0x1082;
	s9 =	sld [smem:$0x3FA1]  }
0x2f: {  	lr =	sadd.s32 s0, s3;
	s0 =	sld [smem:$0x3F98]  }
0x30: {  	s3 =	sld [smem:$0x3F9B]  }
0x31: {  	[smem:$0x3FA4] =	sst s10  }
0x32: {  	s10 =	sld [smem:$0x3FA2];
	_ =	sdelay $0x3  }
0x33: {  	p0 =	seq.s32 s10, $0x1;
	s10 =	sld [smem:$0x3FA4];
	_ =	sdelay $0x3  }
0x34: {  	[smem:$0x3FA4] =	sst s10  }
0x35: {  	s10 =	sld [smem:$0x3FA3];
	_ =	sdelay $0x3  }
0x36: {  	p1 =	seq.s32 s10, $0x1;
	s10 =	sld [smem:$0x3FA4];
	_ =	sdelay $0x3  }
0x37: {  	[smem:$0x3FA4] =	sst s10  }
0x38: {  	s10 =	sld [smem:$0x3FA5]  }
0x39: {  	_ = 	snop;
	(pc) =	sbr.ind lr, $3  }
0x3a: {  	_ = 	snop  }
0x3b: {  	_ = 	snop  }
0x3c: {  	p2 =	seq.s32 s10, $0x1;
	s10 =	sld [smem:$0x3FA4]  }
0x3d: {  	_ =	shalt  }
0x3e: {  	_ =	shalt  }
0x3f: {  	_ =	shalt  }
0x40: {  	_ =	shalt  }
0x41: {  	_ =	shalt  }
0x42: {  	_ =	shalt  }
0x43: {  	_ =	shalt  }
0x44: {  	_ =	shalt  }
0x45: {  	_ =	shalt  }
0x46: {  	_ =	shalt  }
0x47: {  	_ =	shalt  }
0x48: {  	_ =	shalt  }
0x49: {  	_ =	shalt  }
0x4a: {  	_ =	shalt  }
0x4b: {  	_ =	shalt  }
0x4c: {  	_ =	shalt  }
0x4d: {  	_ =	shalt  }
0x4e: {  	_ =	shalt  }
0x4f: {  	_ =	shalt  }
0x50: {  	_ =	shalt  }
0x51: {  	_ =	shalt  }
0x52: {  	_ =	shalt  }
0x53: {  	_ =	shalt  }
0x54: {  	_ =	shalt  }
0x55: {  	_ =	shalt  }
0x56: {  	_ =	shalt  }
0x57: {  	_ =	shalt  }
0x58: {  	_ =	shalt  }
0x59: {  	_ =	shalt  }
0x5a: {  	_ =	shalt  }
0x5b: {  	_ =	shalt  }
0x5c: {  	_ =	shalt  }
0x5d: {  	_ =	shalt  }
0x5e: {  	_ =	shalt  }
0x5f: {  	_ =	shalt  }
0x60: {  	_ =	shalt  }
0x61: {  	_ =	shalt  }
0x62: {  	_ =	shalt  }
0x63: {  	_ =	shalt  }
0x64: {  	_ =	shalt  }
0x65: {  	_ =	shalt  }
0x66: {  	_ =	shalt  }
0x67: {  	_ =	shalt  }
0x68: {  	_ =	shalt  }
0x69: {  	_ =	shalt  }
0x6a: {  	_ =	shalt  }
0x6b: {  	_ =	shalt  }
0x6c: {  	_ =	shalt  }
0x6d: {  	_ =	shalt  }
0x6e: {  	_ =	shalt  }
0x6f: {  	_ =	shalt  }
0x70: {  	_ =	shalt  }
0x71: {  	_ =	shalt  }
0x72: {  	_ =	shalt  }
0x73: {  	_ =	shalt  }
0x74: {  	_ =	shalt  }
0x75: {  	_ =	shalt  }
0x76: {  	_ =	shalt  }
0x77: {  	_ =	shalt  }
0x78: {  	_ =	shalt  }
0x79: {  	_ =	shalt  }
0x7a: {  	_ =	shalt  }
0x7b: {  	_ =	shalt  }
0x7c: {  	_ =	shalt  }
0x7d: {  	_ =	shalt  }
0x7e: {  	_ =	shalt  }
0x7f: {  	_ =	shalt  }
0x80: {  	_ =	shalt  }
0x81: {  	_ =	shalt  }
0x82: {  	_ =	shalt  }
0x83: {  	_ =	shalt  }
0x84: {  	_ =	shalt  }
0x85: {  	_ =	shalt  }
0x86: {  	_ =	shalt  }
0x87: {  	_ =	shalt  }
.Lfunc_end0:
.L_simem_size_0:
called_computation_lowered:
.L_overlay_start_0:
0x88: {  	s2 =	sld [smem:$0x3FD9]  }
0x89: {  	s3 =	sld [smem:$0x3FFE];
	_ =	sdelay $0x1  }
0x8a: {  	s1 =	srdreg.scid  }
0x8b: {  	s0 =	sand.u32 $0x1, s1  }
0x8c: {  	s14 =	sshll.u32 s0, $0xA;
	s2 =	sadd.s32 s3, s2  }
0x8d: {  	s2 =	sadd.s32 s2, s14  }
0x8e: {  	[smem:$0x3FB0] =	sst s2  }
0x8f: {  	_ = 	snop  }
0x90: {  	s2 =	sld [smem:$0x3FD0];
	_ =	sdelay $0x2  }
0x91: {  	s15 =	simm.s32 $0xA;
	s4 =	simm.s32 $0x10  }
0x92: {  	[smem:s4], [sflag:s15] =	dma.local [hbm:s2], $0x1  }
0x93: {  	_ =	swait.eq [sflag:s15], $0x1  }
0x94: {  	[sflag:s15] =	ssyncset.done $0x0  }
0x95: {  	s16 =	sld [smem:$0x11];
	[sflag:s15] =	ssyncadd.s32 $0xFFFFFFFF  }
0x96: {  	s17 =	sld [smem:$0x12];
	(tm) =	ssettm $0x1  }
0x97: {  	s18 =	sld [smem:$0x3FFB];
	_ =	sdelay $0x3  }
0x98: {  	_ =	strace s18  }
0x99: {  	s4 =	sld [smem:$0x3FFC];
	_ =	sdelay $0x3  }
0x9a: {  	_ =	strace s4  }
0x9b: {  	s4 =	sld [smem:$0x3FFD];
	_ =	sdelay $0x3  }
0x9c: {  	_ =	strace s4  }
0x9d: {  	_ =	strace $0x8FFFFFFF  }
0x9e: {  	s19 =	sld [smem:$0x3FDB];
	_ =	sdelay $0x1  }
0x9f: {  	s5 =	simm.s32 $_scs_section_size  }
0xa0: {  	s6 =	simm.s32 $_size__tile_overlayer_lowered;
	s7 =	simm.s32 $_tile_overlayer_lowered  }
0xa1: {  	s22 =	simm.s32 $0x1BFF;
	s21 =	sshll.u32 s7, $0x1;
	s4 =	sadd.s32 s5, s19  }
0xa2: {  	s8 =	simm.s32 $0x0;
	s20 =	sshll.u32 s6, $0x1;
	s6 =	sadd.s32 s21, s4  }
0xa3: {  	[timem:s8], [sflag:s22] =	dma.local [hbm:s6], s20  }
0xa4: {  	_ =	swait.ge [sflag:s22], s20  }
0xa5: {  	s5 =	ssub.s32 $0x0, s20;
	[sflag:s22] =	ssyncset.done $0x0  }
0xa6: {  	[sflag:s22] =	ssyncadd.s32 s5;
	_ =	sdelay $0x1  }
0xa7: {  	s23 =	simm.s32 $0x1B8B  }
0xa8: {  	_ =	swait.ge [sflag:s23], $0x1  }
0xa9: {  	[sflag:s23] =	ssyncset.done $0x0  }
0xaa: {  	s25 =	simm.s32 $0x1B8E;
	s24 =	sld [smem:$0x3FFE];
	[sflag:s23] =	ssyncadd.s32 $0xFFFFFFFF  }
0xab: {  	s26 =	simm.s32 $execute0_lowered;
	[smem:$0x3FD2] =	sst s25  }
0xac: {  	s6 =	sshll.u32 s26, $0x1;
	_ =	strace $0x80000046;
	[dreg:$0x1] =	wrdreg $0xFFFFFFFF  }
0xad: {  	s28 =	simm.s32 $_size_execute0_lowered;
	s4 =	sadd.s32 s4, s6;
	[dreg:$0x0] =	wrdreg $0x0  }
0xae: {  	s6 =	sshll.u32 s28, $0x1;
	[dreg:$0x2] =	wrdreg s4  }
0xaf: {  	[dreg:$0x3] =	wrdreg s6  }
0xb0: {  	[dreg:$0x4] =	wrdreg $0xC0  }
0xb1: {  	_ =	task [dreg:s8], $0x5FFFF  }
0xb2: {  	[dreg:$0x1] =	wrdreg $0xFFFFFFFF  }
0xb3: {  	[dreg:$0x0] =	wrdreg $0x60  }
0xb4: {  	[dreg:$0x2] =	wrdreg s17  }
0xb5: {  	[dreg:$0x3] =	wrdreg s24  }
0xb6: {  	[dreg:$0x4] =	wrdreg s16  }
0xb7: {  	[dreg:$0x5] =	wrdreg $0xDD000  }
0xb8: {  	[dreg:$0x6] =	wrdreg $0x9  }
0xb9: {  	_ =	task.clear_ibuf [dreg:s8], $0x7FFFF;
	_ =	strace $0x90000046  }
0xba: {  	s29 =	simm.s32 $0x9;
	_ =	strace $0x80000048  }
0xbb: {  	_ =	swait.ge [sflag:s29], $0x1  }
0xbc: {  	[sflag:s29] =	ssyncadd.s32 $0xFFFFFFFF  }
0xbd: {  	_ =	strace $0x90000048  }
0xbe: {  	_ =	sfence  }
0xbf: {  	s30 =	sld [smem:$0x0];
	_ =	sdelay $0x2  }
0xc0: {  	s31 =	sshll.u32 s1, $0xD;
	s1 =	sshrl.u32 s1, $0x2  }
0xc1: {  	s3 =	sand.u32 $0x4000, s31;
	s1 =	sadd.s32 s1, s30  }
0xc2: {  	s0 =	sor.u32 s3, s0;
	s1 =	sshll.u32 s1, $0x11  }
0xc3: {  	s0 =	sor.u32 s1, s0  }
0xc4: {  	s0 =	sadd.s32 $0x8F2B, s0  }
0xc5: {  	[sflag:s0] =	ssyncadd.remote.s32 $0x1  }
0xc6: {  	_ =	sfence.sel $0xFFFF  }
0xc7: {  	[dreg:$0x0] =	wrdreg $0xFFFFFFFF;
	(pc) =	sbr.abs _section_cstart, $3  }
0xc8: {  	[dreg:$0x1] =	wrdreg $0xFFFFFFFF  }
0xc9: {  	_ =	task.clear_ibuf [dreg:s8], $0x2FFFF;
	_ =	strace $0x9FFFFFFF  }
0xca: {  	(tm) =	ssettm $0x7FFFFFFF  }
0xcb: {  	_ =	shalt  }
tec
execute0_lowered:
.L_overlay_start_1:
0x0: {  	(tag) =	ssettag $0x1  }
0x1: {  	s0 =	srdreg.scid;
	s1 =	rddreg [dreg:$0x0]  }
0x2: {  	s7 =	rddreg [dreg:$0x1];
	s26 =	stileid.u32  }
0x3: {  	s4 =	rddreg [dreg:$0x3];
	s5 =	simm.s32 $0x0;
	s20 =	simm.s32 $0x3  }
0x4: {  	s21 =	simm.s32 $0x4E80;
	s22 =	simm.s32 $0x9D00;
	s23 =	simm.s32 $0x80  }
0x5: {  	s24 =	simm.s32 $0xBD00;
	s25 =	simm.s32 $0x1;
	s9 =	smul.u32 $0x278, s26  }
0x6: {  	s28 =	simm.s32 $0x9C80;
	s29 =	simm.s32 $0x0;
	s11 =	smul.u32 $0x9D0, s26  }
0x7: {  	s6 =	sand.u32 $0x1, s0;
	[smem:$0x7FF] =	sst s5;
	s30 =	smul.u32 $0x27800, s26  }
0x8: {  	s13 =	sadd.s32 $0x9C200, s4;
	p0 =	seq.s32 s26, $0xF;
	s2 =	sshll.u32 s6, $0x4  }
0x9: {  	s10 =	smul.u32 $0x2710, s6;
	_ =	strace $0x80000047;
	s6 =	ssub.s32 $0x2, s6  }
0xa: {  	s2 =	sor.u32 s26, s2;
	s11 =	sadd.s32 s11, s7;
	s12 =	sshrl.u32 s6, $0x1  }
0xb: {  	s31 =	sshrl.u32 s30, $0x2;
	s8 =	smul.u32 $0x9D0, s2;
	s9 =	sadd.s32 s9, s10  }
0xc: {  	s26 =	simm.s32 $0x2;
	s19 =	ssub.s32 s6, s12;
	s9 =	sshll.u32 s9, $0x3  }
0xd: {  	s19 =	smax.u32 s19, $0x1;
	s8 =	sadd.s32 s8, s7;
	s18 =	sadd.s32 s9, s7  }
0xe: {  	s7 =	sadd.s32 $0x17800, s11;
	s6 =	sadd.s32 $0x3E00, s8;
	s8 =	sadd.s32 s31, s4  }
0xf: {  	s14 =	sadd.s32 $0x21600, s18;
	s15 =	sadd.s32 $0x21A00, s18;
	s16 =	sadd.s32 $0x21E00, s18  }
0x10: {  	s17 =	sadd.s32 $0x22200, s18;
	s18 =	sadd.s32 $0x22600, s18;
	s9 =	sadd.s32 $0x2000, s8  }
0x11: {  	s10 =	sadd.s32 $0x4000, s8;
	s11 =	sadd.s32 $0x6000, s8;
	s12 =	sadd.s32 $0x8000, s8  }
.LBB2_1:
0x12: {  	[tilespmem:s5], [sflag:$0x3] =	stream.linear.gather [hbm4b:s6+s5], $0x4E80, $0x38;
	[tilespmem:$0x17960] =	vst v63  }
0x13: {  	_ =	swait.ge [sflag:s20], $0x4E80  }
0x14: {  	[sflag:s20] =	ssyncset.done $0x0  }
0x15: {  	[sflag:s20] =	ssyncadd.s32 $0xFFFFB180  }
0x16: {  	[tilespmem:s21], [sflag:$0x3] =	stream.linear.gather [hbm4b:s7+s5], $0x4E80, $0x38;
	[tilespmem:$0x17960] =	vst v63  }
0x17: {  	_ =	swait.ge [sflag:s20], $0x4E80  }
0x18: {  	[sflag:s20] =	ssyncset.done $0x0  }
0x19: {  	[sflag:s20] =	ssyncadd.s32 $0xFFFFB180  }
0x1a: {  	s0 =	rddreg [dreg:$0x2]  }
0x1b: {  	[tilespmem:s22], [sflag:$0x3] =	stream.linear.gather [hbm4b:s0+s5], $0x2000, $0x38;
	[tilespmem:$0x17960] =	vst v63  }
0x1c: {  	_ =	swait.ge [sflag:s20], $0x2000  }
0x1d: {  	[sflag:s20] =	ssyncset.done $0x0  }
0x1e: {  	[sflag:s20] =	ssyncadd.s32 $0xFFFFE000  }
0x1f: {  	[spmem:s8] =	stream.linear.scatter [tilespmem:s22], [sflag:$0x3], $0x2000, $0x38;
	[tilespmem:$0x17960] =	vst v63  }
0x20: {  	_ =	swait.ge [sflag:s20], $0x2000  }
0x21: {  	[sflag:s20] =	ssyncset.done $0x0  }
0x22: {  	[sflag:s20] =	ssyncadd.s32 $0xFFFFE000  }
0x23: {  	[spmem:s9] =	stream.linear.scatter [tilespmem:s22], [sflag:$0x3], $0x2000, $0x38;
	[tilespmem:$0x17960] =	vst v63  }
0x24: {  	_ =	swait.ge [sflag:s20], $0x2000  }
0x25: {  	[sflag:s20] =	ssyncset.done $0x0  }
0x26: {  	[sflag:s20] =	ssyncadd.s32 $0xFFFFE000  }
0x27: {  	[spmem:s10] =	stream.linear.scatter [tilespmem:s22], [sflag:$0x3], $0x2000, $0x38;
	[tilespmem:$0x17960] =	vst v63  }
0x28: {  	_ =	swait.ge [sflag:s20], $0x2000  }
0x29: {  	[sflag:s20] =	ssyncset.done $0x0  }
0x2a: {  	[sflag:s20] =	ssyncadd.s32 $0xFFFFE000  }
0x2b: {  	[spmem:s11] =	stream.linear.scatter [tilespmem:s22], [sflag:$0x3], $0x2000, $0x38;
	[tilespmem:$0x17960] =	vst v63  }
0x2c: {  	_ =	swait.ge [sflag:s20], $0x2000  }
0x2d: {  	[sflag:s20] =	ssyncset.done $0x0  }
0x2e: {  	s30 =	simm.s32 @p0 $0x9D00;
	[sflag:s20] =	ssyncadd.s32 $0xFFFFE000  }
0x2f: {  	[spmem:s13] =	stream.linear.scatter @p0 [tilespmem:s30], [sflag:$0x3], $0x400, $0x38;
	[tilespmem:$0x17960] =	vst v63  }
0x30: {  	s30 =	simm.s32 @p0 $0x3  }
0x31: {  	_ =	swait.ge @p0 [sflag:s30], $0x400  }
0x32: {  	[sflag:s30] =	ssyncset.done @p0 $0x0  }
0x33: {  	[sflag:s30] =	ssyncadd.s32 @p0 $0xFFFFFC00;
	s30 =	simm.s32 @!p0 $0x9D00  }
0x34: {  	[spmem:s12] =	stream.linear.scatter @!p0 [tilespmem:s30], [sflag:$0x3], $0x1E00, $0x38;
	[tilespmem:$0x17960] =	vst v63  }
0x35: {  	s30 =	simm.s32 @!p0 $0x3  }
0x36: {  	_ =	swait.ge @!p0 [sflag:s30], $0x1E00  }
0x37: {  	[sflag:s30] =	ssyncset.done @!p0 $0x0  }
0x38: {  	[sflag:s30] =	ssyncadd.s32 @!p0 $0xFFFFE200  }
0x39: {  	[bflag:$0x0] =	sbarrier.arrive $0xFFFF  }
0x3a: {  	[tilespmem:s22], [sflag:$0x1] =	stream.indirect.gather [hbm4b:s1+s23], $0x40, s5, s23, $0xb8;
	[tilespmem:$0x17960] =	vst v63  }
0x3b: {  	s30 =	simm.s32 $0x80  }
0x3c: {  	[tilespmem:s24], [sflag:$0x2] =	stream.indirect.gather [hbm4b:s1+s23], $0x40, s30, s23, $0xb8;
	[tilespmem:$0x17960] =	vst v63  }
0x3d: {  	_ =	swait.ge [sflag:s25], $0x2000  }
0x3e: {  	[sflag:s25] =	ssyncset.done $0x0  }
0x3f: {  	s30 =	simm.s32 $0x4E80;
	[sflag:s25] =	ssyncadd.s32 $0xFFFFE000  }
0x40: {  	[spmem:s4] =	stream.indirect.scatter.add.f32 [tilespmem:s22], [sflag:$0x3], $0x40, s30, s23, $0xb8;
	[tilespmem:$0x17960] =	vst v63  }
0x41: {  	_ =	swait.ge [sflag:s20], $0x2000  }
0x42: {  	[sflag:s20] =	ssyncset.done $0x0  }
0x43: {  	s30 =	simm.s32 $0x100;
	[sflag:s20] =	ssyncadd.s32 $0xFFFFE000  }
0x44: {  	[tilespmem:s22], [sflag:$0x1] =	stream.indirect.gather [hbm4b:s1+s23], $0x40, s30, s23, $0xb8;
	[tilespmem:$0x17960] =	vst v63  }
0x45: {  	_ =	swait.ge [sflag:s26], $0x2000  }
0x46: {  	[sflag:s26] =	ssyncset.done $0x0  }
0x47: {  	s30 =	simm.s32 $0x4F00;
	[sflag:s26] =	ssyncadd.s32 $0xFFFFE000  }
0x48: {  	[spmem:s4] =	stream.indirect.scatter.add.f32 [tilespmem:s24], [sflag:$0x3], $0x40, s30, s23, $0xb8;
	[tilespmem:$0x17960] =	vst v63  }
0x49: {  	_ =	swait.ge [sflag:s20], $0x2000  }
0x4a: {  	s31 =	simm.s32 $0x800;
	s30 =	simm.s32 $0x100;
	[sflag:s20] =	ssyncset.done $0x0  }
.LBB2_2:
0x4b: {  	s2 =	sadd.s32 $0x80, s30  }
0x4c: {  	[sflag:s20] =	ssyncadd.s32 $0xFFFFE000;
	s0 =	smov.u32 s31;
	s3 =	sadd.s32 $0x400, s31  }
0x4d: {  	[tilespmem:s24], [sflag:$0x2] =	stream.indirect.gather [hbm4b:s1+s23], $0x40, s2, s23, $0xb8;
	[tilespmem:$0x17960] =	vst v63  }
0x4e: {  	p1 =	sne.s32 s31, $0x13400;
	_ =	swait.ge [sflag:s25], $0x2000  }
0x4f: {  	[sflag:s25] =	ssyncset.done $0x0  }
0x50: {  	s2 =	sadd.s32 $0x4E80, s30;
	[sflag:s25] =	ssyncadd.s32 $0xFFFFE000  }
0x51: {  	[spmem:s4] =	stream.indirect.scatter.add.f32 [tilespmem:s22], [sflag:$0x3], $0x40, s2, s23, $0xb8;
	[tilespmem:$0x17960] =	vst v63  }
0x52: {  	_ =	swait.ge [sflag:s20], $0x2000  }
0x53: {  	[sflag:s20] =	ssyncset.done $0x0  }
0x54: {  	s2 =	sadd.s32 $0x100, s30;
	[sflag:s20] =	ssyncadd.s32 $0xFFFFE000  }
0x55: {  	[tilespmem:s22], [sflag:$0x1] =	stream.indirect.gather [hbm4b:s1+s23], $0x40, s2, s23, $0xb8;
	[tilespmem:$0x17960] =	vst v63  }
0x56: {  	_ =	swait.ge [sflag:s26], $0x2000  }
.Ltmp0:
0x57: {  	[sflag:s26] =	ssyncset.done $0x0;
	(pc) =	sbr.rel @p1 .LBB2_2-.Ltmp0, $4  }
0x58: {  	s2 =	sadd.s32 $0x4F00, s30;
	[sflag:s26] =	ssyncadd.s32 $0xFFFFE000  }
0x59: {  	[spmem:s4] =	stream.indirect.scatter.add.f32 [tilespmem:s24], [sflag:$0x3], $0x40, s2, s23, $0xb8;
	[tilespmem:$0x17960] =	vst v63  }
0x5a: {  	_ =	swait.ge [sflag:s20], $0x2000  }
0x5b: {  	s31 =	smov.u32 s3;
	s30 =	sshra.s32 s0, $0x2;
	[sflag:s20] =	ssyncset.done $0x0  }
0x5c: {  	s0 =	sadd.s32 $0x80, s30;
	[sflag:s20] =	ssyncadd.s32 $0xFFFFE000  }
0x5d: {  	[tilespmem:s24], [sflag:$0x2] =	stream.indirect.gather [hbm4b:s1+s23], $0x40, s0, s23, $0xb8;
	[tilespmem:$0x17960] =	vst v63  }
0x5e: {  	_ =	swait.ge [sflag:s25], $0x2000  }
0x5f: {  	[sflag:s25] =	ssyncset.done $0x0  }
0x60: {  	s2 =	sadd.s32 $0x4E80, s30;
	[sflag:s25] =	ssyncadd.s32 $0xFFFFE000  }
0x61: {  	[spmem:s4] =	stream.indirect.scatter.add.f32 [tilespmem:s22], [sflag:$0x3], $0x40, s2, s23, $0xb8;
	[tilespmem:$0x17960] =	vst v63  }
0x62: {  	_ =	swait.ge [sflag:s20], $0x2000  }
0x63: {  	[sflag:s20] =	ssyncset.done $0x0  }
0x64: {  	s3 =	sadd.s32 $0x100, s30;
	[sflag:s20] =	ssyncadd.s32 $0xFFFFE000  }
0x65: {  	[tilespmem:s22], [sflag:$0x1] =	stream.indirect.gather [hbm4b:s1+s23], $0x40, s3, s23, $0xb8;
	[tilespmem:$0x17960] =	vst v63  }
0x66: {  	_ =	swait.ge [sflag:s26], $0x2000  }
0x67: {  	[sflag:s26] =	ssyncset.done $0x0  }
0x68: {  	s31 =	sadd.s32 $0x4F00, s30;
	[sflag:s26] =	ssyncadd.s32 $0xFFFFE000  }
0x69: {  	[spmem:s4] =	stream.indirect.scatter.add.f32 [tilespmem:s24], [sflag:$0x3], $0x40, s31, s23, $0xb8;
	[tilespmem:$0x17960] =	vst v63  }
0x6a: {  	_ =	swait.ge [sflag:s20], $0x2000  }
0x6b: {  	[sflag:s20] =	ssyncset.done $0x0  }
0x6c: {  	[sflag:s20] =	ssyncadd.s32 $0xFFFFE000  }
0x6d: {  	_ =	swait.ge [sflag:s25], $0x2000  }
0x6e: {  	[sflag:s25] =	ssyncset.done $0x0  }
0x6f: {  	[sflag:s25] =	ssyncadd.s32 $0xFFFFE000  }
0x70: {  	[spmem:s4] =	stream.indirect.scatter.add.f32 [tilespmem:s22], [sflag:$0x3], $0x40, s28, s23, $0xb8;
	[tilespmem:$0x17960] =	vst v63  }
0x71: {  	_ =	swait.ge [sflag:s20], $0x2000  }
0x72: {  	[sflag:s20] =	ssyncset.done $0x0  }
0x73: {  	[sflag:s20] =	ssyncadd.s32 $0xFFFFE000  }
0x74: {  	[bflag:$0x0] =	sbarrier.arrive $0xFFFF  }
0x75: {  	[tilespmem:s22], [sflag:$0x3] =	stream.linear.gather [spmem:s8], $0x2000, $0x38;
	[tilespmem:$0x17960] =	vst v63  }
0x76: {  	_ =	swait.ge [sflag:s20], $0x2000  }
0x77: {  	[sflag:s20] =	ssyncset.done $0x0  }
0x78: {  	[sflag:s20] =	ssyncadd.s32 $0xFFFFE000  }
0x79: {  	[hbm4b:s14+s5] =	stream.linear.scatter [tilespmem:s22], [sflag:$0x3], $0x2000, $0x38;
	[tilespmem:$0x17960] =	vst v63  }
0x7a: {  	_ =	swait.ge [sflag:s20], $0x2000  }
0x7b: {  	[sflag:s20] =	ssyncset.done $0x0  }
0x7c: {  	[sflag:s20] =	ssyncadd.s32 $0xFFFFE000  }
0x7d: {  	[tilespmem:s24], [sflag:$0x3] =	stream.linear.gather [spmem:s9], $0x2000, $0x38;
	[tilespmem:$0x17960] =	vst v63  }
0x7e: {  	_ =	swait.ge [sflag:s20], $0x2000  }
0x7f: {  	[sflag:s20] =	ssyncset.done $0x0  }
0x80: {  	[sflag:s20] =	ssyncadd.s32 $0xFFFFE000  }
0x81: {  	[hbm4b:s15+s5] =	stream.linear.scatter [tilespmem:s24], [sflag:$0x3], $0x2000, $0x38;
	[tilespmem:$0x17960] =	vst v63  }
0x82: {  	_ =	swait.ge [sflag:s20], $0x2000  }
0x83: {  	[sflag:s20] =	ssyncset.done $0x0  }
0x84: {  	[sflag:s20] =	ssyncadd.s32 $0xFFFFE000  }
0x85: {  	[tilespmem:s22], [sflag:$0x3] =	stream.linear.gather [spmem:s10], $0x2000, $0x38;
	[tilespmem:$0x17960] =	vst v63  }
0x86: {  	_ =	swait.ge [sflag:s20], $0x2000  }
0x87: {  	[sflag:s20] =	ssyncset.done $0x0  }
0x88: {  	[sflag:s20] =	ssyncadd.s32 $0xFFFFE000  }
0x89: {  	[hbm4b:s16+s5] =	stream.linear.scatter [tilespmem:s22], [sflag:$0x3], $0x2000, $0x38;
	[tilespmem:$0x17960] =	vst v63  }
0x8a: {  	_ =	swait.ge [sflag:s20], $0x2000  }
0x8b: {  	[sflag:s20] =	ssyncset.done $0x0  }
0x8c: {  	[sflag:s20] =	ssyncadd.s32 $0xFFFFE000  }
0x8d: {  	[tilespmem:s24], [sflag:$0x3] =	stream.linear.gather [spmem:s11], $0x2000, $0x38;
	[tilespmem:$0x17960] =	vst v63  }
0x8e: {  	_ =	swait.ge [sflag:s20], $0x2000  }
0x8f: {  	[sflag:s20] =	ssyncset.done $0x0  }
0x90: {  	[sflag:s20] =	ssyncadd.s32 $0xFFFFE000  }
0x91: {  	[hbm4b:s17+s5] =	stream.linear.scatter [tilespmem:s24], [sflag:$0x3], $0x2000, $0x38;
	[tilespmem:$0x17960] =	vst v63  }
0x92: {  	_ =	swait.ge [sflag:s20], $0x2000  }
0x93: {  	[sflag:s20] =	ssyncset.done $0x0  }
0x94: {  	s0 =	simm.s32 @p0 $0x9D00;
	s2 =	simm.s32 @p0 $0x3;
	[sflag:s20] =	ssyncadd.s32 $0xFFFFE000  }
0x95: {  	[tilespmem:s0], [sflag:$0x3] =	stream.linear.gather @p0 [spmem:s13], $0x200, $0x38;
	[tilespmem:$0x17960] =	vst v63  }
0x96: {  	_ =	swait.ge @p0 [sflag:s2], $0x200  }
0x97: {  	[sflag:s2] =	ssyncset.done @p0 $0x0  }
0x98: {  	s3 =	simm.s32 @p0 $0x0;
	[sflag:s2] =	ssyncadd.s32 @p0 $0xFFFFFE00  }
0x99: {  	[hbm4b:s18+s3] =	stream.linear.scatter @p0 [tilespmem:s0], [sflag:$0x3], $0x200, $0x38;
	[tilespmem:$0x17960] =	vst v63  }
0x9a: {  	_ =	swait.ge @p0 [sflag:s2], $0x200  }
0x9b: {  	[sflag:s2] =	ssyncset.done @p0 $0x0  }
0x9c: {  	s0 =	simm.s32 @!p0 $0x9D00;
	[sflag:s2] =	ssyncadd.s32 @p0 $0xFFFFFE00;
	s2 =	simm.s32 @!p0 $0x3  }
0x9d: {  	[tilespmem:s0], [sflag:$0x3] =	stream.linear.gather @!p0 [spmem:s12], $0x1E00, $0x38;
	[tilespmem:$0x17960] =	vst v63  }
0x9e: {  	s29 =	sadd.s32 $0x1, s29;
	_ =	swait.ge @!p0 [sflag:s2], $0x1E00  }
0x9f: {  	p1 =	sne.s32 s29, s19;
	[sflag:s2] =	ssyncset.done @!p0 $0x0  }
.Ltmp1:
0xa0: {  	s3 =	simm.s32 @!p0 $0x0;
	[sflag:s2] =	ssyncadd.s32 @!p0 $0xFFFFE200;
	(pc) =	sbr.rel @p1 .LBB2_1-.Ltmp1, $4  }
0xa1: {  	[hbm4b:s18+s3] =	stream.linear.scatter @!p0 [tilespmem:s0], [sflag:$0x3], $0x1E00, $0x38;
	[tilespmem:$0x17960] =	vst v63  }
0xa2: {  	_ =	swait.ge @!p0 [sflag:s2], $0x1E00  }
0xa3: {  	[sflag:s2] =	ssyncset.done @!p0 $0x0  }
0xa4: {  	[sflag:s2] =	ssyncadd.s32 @!p0 $0xFFFFE200  }
0xa5: {  	_ =	sfence.sel $0x180000  }
0xa6: {  	[bflag:$0x0] =	sbarrier.arrive $0xFFFF  }
0xa7: {  	_ =	strace $0x90000047  }
0xa8: {  	s0 =	stileid.u32;
	[bflag:$0x2] =	sbarrier.arrive $0xFFFF  }
0xa9: {  	p0 =	sne.s32 s0, $0x0;
	s0 =	rddreg [dreg:$0x4]  }
0xaa: {  	s0 =	sadd.s32 @!p0 $0x100000, s0  }
0xab: {  	[sflag:s0] =	ssyncadd.tile.s32 @!p0 $0x1;
	_ =	shalt  }
.Lfunc_end2:
_tile_overlayer_lowered:
.L_overlay_start_2:
0xac: {  	(tag) =	ssettag $0x2  }
0xad: {  	s0 =	rddreg [dreg:$0x0];
	s2 =	stileid.u32  }
0xae: {  	s1 =	rddreg [dreg:$0x1];
	p0 =	sne.s32 s2, $0x0  }
0xaf: {  	s3 =	rddreg [dreg:$0x2];
	[bflag:$0x3] =	sbarrier.arrive $0xFFFF;
	s2 =	simm.s32 @!p0 $0x1C03  }
0xb0: {  	[timem:s3], [sflag:s2] =	dma.local @!p0 [hbm:s0], s1  }
0xb1: {  	s0 =	simm.s32 @!p0 $0x3  }
0xb2: {  	_ =	swait.ge @!p0 [sflag:s0], s1  }
0xb3: {  	s1 =	ssub.s32 @!p0 $0x0, s1;
	[sflag:s0] =	ssyncset.done @!p0 $0x0  }
0xb4: {  	[sflag:s0] =	ssyncadd.s32 @!p0 s1  }
0xb5: {  	[bflag:$0x3] =	sbarrier.arrive $0xFFFF  }
0xb6: {  	_ =	shalt  }

// kernel: kernel.9.cloned.1.call-start
scs
__scs_entry_jumppad:
0x0: {  	(pc) =	sbr.rel $0x88, $3  }
0x1: {  	(tag) =	ssettag $0x0;
	lr =	simm.s32 $0x1  }
0x2: {  	[smem:$0x3F89] =	sst lr;
	_ =	strace $0xD0000000  }
0x3: {  	_ = 	snop  }
0x4: {  	_ = 	snop  }
0x5: {  	_ = 	snop  }
0x6: {  	_ = 	snop  }
0x7: {  	_ = 	snop  }
__scs_overlays_trampoline_lowered:
0x8: {  	[smem:$0x3F98] =	sst s0  }
0x9: {  	[smem:$0x3F99] =	sst s1  }
0xa: {  	[smem:$0x3F9A] =	sst s2  }
0xb: {  	[smem:$0x3F9B] =	sst s3  }
0xc: {  	[smem:$0x3F9C] =	sst s4  }
0xd: {  	[smem:$0x3F9D] =	sst s5  }
0xe: {  	[smem:$0x3F9E] =	sst s6  }
0xf: {  	[smem:$0x3F9F] =	sst s7  }
0x10: {  	[smem:$0x3FA0] =	sst s8  }
0x11: {  	[smem:$0x3FA1] =	sst s9;
	s0 =	simm.s32 @!p0 $0x0  }
0x12: {  	s1 =	sld [smem:$0x3F87];
	s0 =	simm.s32 @p0 $0x1  }
0x13: {  	[smem:$0x3FA2] =	sst s0;
	s0 =	simm.s32 @!p1 $0x0  }
0x14: {  	s2 =	sld [smem:$0x3F86];
	s0 =	simm.s32 @p1 $0x1  }
0x15: {  	[smem:$0x3FA3] =	sst s0;
	s0 =	simm.s32 @!p2 $0x0  }
0x16: {  	s3 =	sld [smem:$0x3FDB];
	s0 =	simm.s32 @p2 $0x1  }
0x17: {  	s4 =	simm.s32 $0x1BF5;
	[smem:$0x3FA5] =	sst s0  }
0x18: {  	s0 =	sld [smem:$0x3F88];
	_ =	swait.ge [sflag:s4], $0x0  }
0x19: {  	s7 =	sld [smem:$0x3F89]  }
0x1a: {  	s8 =	sadd.s32 $0xFFFFE003, lr  }
0x1b: {  	s9 =	sadd.s32 $0xFFFFFEF7, lr;
	s5 =	simm.s32 $0xFFFFFFFF;
	p2 =	slt.u32 s8, $0xFFFFF086  }
0x1c: {  	p1 =	slt.u32 s9, $0xF7A;
	s5 =	simm.s32 @!p2 $0x0  }
0x1d: {  	s5 =	simm.s32 @p1 $0x1;
	p0 =	seq.s32 s7, s2  }
0x1e: {  	s7 =	smul.u32 @!p0 $0xF7A, s2;
	p2 =	seq.s32 @!p0 s5, $0x0  }
0x1f: {  	s9 =	smul.u32 $0xF7A, s1;
	s8 =	simm.s32 @!p0 $0x1BF5;
	p2 =	por !p2, p0  }
0x20: {  	[sflag:s8] =	ssyncset.s32 @!p0 $0xFFFFF086;
	s6 =	sadd.s32 @!p0 s3, s7;
	s7 =	simm.s32 @!p0 $0x108  }
0x21: {  	s3 =	sadd.s32 s3, s9;
	s6 =	sadd.s32 @!p0 $0x88, s6;
	s7 =	simm.s32 @p2 $0x1082  }
0x22: {  	[simem:s7], [sflag:s8] =	dma.local @!p0 [hbm:s6], $0xF7A  }
0x23: {  	s9 =	sor.u32 $0xD0000000, s2;
	s6 =	simm.s32 $0x108;
	_ =	swait.ge @!p0 [sflag:s8], $0x0  }
0x24: {  	s3 =	sadd.s32 $0x88, s3;
	s6 =	simm.s32 @!p1 $0x1082;
	[sflag:s4] =	ssyncset.s32 $0xFFFFF086  }
0x25: {  	[simem:s6], [sflag:s4] =	dma.local [hbm:s3], $0xF7A  }
0x26: {  	[smem:$0x3F89] =	sst s1;
	(tag) =	ssettag s2;
	_ =	strace s9  }
0x27: {  	s1 =	sld [smem:$0x3F99]  }
0x28: {  	s2 =	sld [smem:$0x3F9A]  }
0x29: {  	s4 =	sld [smem:$0x3F9C]  }
0x2a: {  	p0 =	seq.s32 s5, $0x0;
	s5 =	sld [smem:$0x3F9D]  }
0x2b: {  	s6 =	sld [smem:$0x3F9E]  }
0x2c: {  	s7 =	sld [smem:$0x3F9F]  }
0x2d: {  	s3 =	simm.s32 $0x108;
	s8 =	sld [smem:$0x3FA0]  }
0x2e: {  	s3 =	simm.s32 @!p0 $0x1082;
	s9 =	sld [smem:$0x3FA1]  }
0x2f: {  	lr =	sadd.s32 s0, s3;
	s0 =	sld [smem:$0x3F98]  }
0x30: {  	s3 =	sld [smem:$0x3F9B]  }
0x31: {  	[smem:$0x3FA4] =	sst s10  }
0x32: {  	s10 =	sld [smem:$0x3FA2];
	_ =	sdelay $0x3  }
0x33: {  	p0 =	seq.s32 s10, $0x1;
	s10 =	sld [smem:$0x3FA4];
	_ =	sdelay $0x3  }
0x34: {  	[smem:$0x3FA4] =	sst s10  }
0x35: {  	s10 =	sld [smem:$0x3FA3];
	_ =	sdelay $0x3  }
0x36: {  	p1 =	seq.s32 s10, $0x1;
	s10 =	sld [smem:$0x3FA4];
	_ =	sdelay $0x3  }
0x37: {  	[smem:$0x3FA4] =	sst s10  }
0x38: {  	s10 =	sld [smem:$0x3FA5]  }
0x39: {  	_ = 	snop;
	(pc) =	sbr.ind lr, $3  }
0x3a: {  	_ = 	snop  }
0x3b: {  	_ = 	snop  }
0x3c: {  	p2 =	seq.s32 s10, $0x1;
	s10 =	sld [smem:$0x3FA4]  }
0x3d: {  	_ =	shalt  }
0x3e: {  	_ =	shalt  }
0x3f: {  	_ =	shalt  }
0x40: {  	_ =	shalt  }
0x41: {  	_ =	shalt  }
0x42: {  	_ =	shalt  }
0x43: {  	_ =	shalt  }
0x44: {  	_ =	shalt  }
0x45: {  	_ =	shalt  }
0x46: {  	_ =	shalt  }
0x47: {  	_ =	shalt  }
0x48: {  	_ =	shalt  }
0x49: {  	_ =	shalt  }
0x4a: {  	_ =	shalt  }
0x4b: {  	_ =	shalt  }
0x4c: {  	_ =	shalt  }
0x4d: {  	_ =	shalt  }
0x4e: {  	_ =	shalt  }
0x4f: {  	_ =	shalt  }
0x50: {  	_ =	shalt  }
0x51: {  	_ =	shalt  }
0x52: {  	_ =	shalt  }
0x53: {  	_ =	shalt  }
0x54: {  	_ =	shalt  }
0x55: {  	_ =	shalt  }
0x56: {  	_ =	shalt  }
0x57: {  	_ =	shalt  }
0x58: {  	_ =	shalt  }
0x59: {  	_ =	shalt  }
0x5a: {  	_ =	shalt  }
0x5b: {  	_ =	shalt  }
0x5c: {  	_ =	shalt  }
0x5d: {  	_ =	shalt  }
0x5e: {  	_ =	shalt  }
0x5f: {  	_ =	shalt  }
0x60: {  	_ =	shalt  }
0x61: {  	_ =	shalt  }
0x62: {  	_ =	shalt  }
0x63: {  	_ =	shalt  }
0x64: {  	_ =	shalt  }
0x65: {  	_ =	shalt  }
0x66: {  	_ =	shalt  }
0x67: {  	_ =	shalt  }
0x68: {  	_ =	shalt  }
0x69: {  	_ =	shalt  }
0x6a: {  	_ =	shalt  }
0x6b: {  	_ =	shalt  }
0x6c: {  	_ =	shalt  }
0x6d: {  	_ =	shalt  }
0x6e: {  	_ =	shalt  }
0x6f: {  	_ =	shalt  }
0x70: {  	_ =	shalt  }
0x71: {  	_ =	shalt  }
0x72: {  	_ =	shalt  }
0x73: {  	_ =	shalt  }
0x74: {  	_ =	shalt  }
0x75: {  	_ =	shalt  }
0x76: {  	_ =	shalt  }
0x77: {  	_ =	shalt  }
0x78: {  	_ =	shalt  }
0x79: {  	_ =	shalt  }
0x7a: {  	_ =	shalt  }
0x7b: {  	_ =	shalt  }
0x7c: {  	_ =	shalt  }
0x7d: {  	_ =	shalt  }
0x7e: {  	_ =	shalt  }
0x7f: {  	_ =	shalt  }
0x80: {  	_ =	shalt  }
0x81: {  	_ =	shalt  }
0x82: {  	_ =	shalt  }
0x83: {  	_ =	shalt  }
0x84: {  	_ =	shalt  }
0x85: {  	_ =	shalt  }
0x86: {  	_ =	shalt  }
0x87: {  	_ =	shalt  }
.Lfunc_end0:
.L_simem_size_0:
called_computation.1_lowered:
.L_overlay_start_0:
0x88: {  	s2 =	sld [smem:$0x3FD9]  }
0x89: {  	s3 =	sld [smem:$0x3FFE];
	_ =	sdelay $0x1  }
0x8a: {  	s1 =	srdreg.scid  }
0x8b: {  	s0 =	sand.u32 $0x1, s1  }
0x8c: {  	s14 =	sshll.u32 s0, $0xA;
	s2 =	sadd.s32 s3, s2  }
0x8d: {  	s2 =	sadd.s32 s2, s14  }
0x8e: {  	[smem:$0x3FB0] =	sst s2  }
0x8f: {  	_ = 	snop  }
0x90: {  	s2 =	sld [smem:$0x3FD0];
	_ =	sdelay $0x2  }
0x91: {  	s15 =	simm.s32 $0xA;
	s4 =	simm.s32 $0x10  }
0x92: {  	[smem:s4], [sflag:s15] =	dma.local [hbm:s2], $0x1  }
0x93: {  	_ =	swait.eq [sflag:s15], $0x1  }
0x94: {  	[sflag:s15] =	ssyncset.done $0x0  }
0x95: {  	s16 =	sld [smem:$0x11];
	[sflag:s15] =	ssyncadd.s32 $0xFFFFFFFF  }
0x96: {  	s17 =	sld [smem:$0x12];
	(tm) =	ssettm $0x1  }
0x97: {  	s18 =	sld [smem:$0x3FFB];
	_ =	sdelay $0x3  }
0x98: {  	_ =	strace s18  }
0x99: {  	s4 =	sld [smem:$0x3FFC];
	_ =	sdelay $0x3  }
0x9a: {  	_ =	strace s4  }
0x9b: {  	s4 =	sld [smem:$0x3FFD];
	_ =	sdelay $0x3  }
0x9c: {  	_ =	strace s4  }
0x9d: {  	_ =	strace $0x8FFFFFFF  }
0x9e: {  	s19 =	sld [smem:$0x3FDB];
	_ =	sdelay $0x1  }
0x9f: {  	s5 =	simm.s32 $_scs_section_size  }
0xa0: {  	s6 =	simm.s32 $_size__tile_overlayer_lowered;
	s7 =	simm.s32 $_tile_overlayer_lowered  }
0xa1: {  	s22 =	simm.s32 $0x1BFF;
	s21 =	sshll.u32 s7, $0x1;
	s4 =	sadd.s32 s5, s19  }
0xa2: {  	s8 =	simm.s32 $0x0;
	s20 =	sshll.u32 s6, $0x1;
	s6 =	sadd.s32 s21, s4  }
0xa3: {  	[timem:s8], [sflag:s22] =	dma.local [hbm:s6], s20  }
0xa4: {  	_ =	swait.ge [sflag:s22], s20  }
0xa5: {  	s5 =	ssub.s32 $0x0, s20;
	[sflag:s22] =	ssyncset.done $0x0  }
0xa6: {  	[sflag:s22] =	ssyncadd.s32 s5;
	_ =	sdelay $0x1  }
0xa7: {  	s23 =	simm.s32 $0x1B8B  }
0xa8: {  	_ =	swait.ge [sflag:s23], $0x1  }
0xa9: {  	[sflag:s23] =	ssyncset.done $0x0  }
0xaa: {  	s25 =	simm.s32 $0x1B8E;
	s24 =	sld [smem:$0x3FFE];
	[sflag:s23] =	ssyncadd.s32 $0xFFFFFFFF  }
0xab: {  	s26 =	simm.s32 $execute0_lowered;
	[smem:$0x3FD2] =	sst s25  }
0xac: {  	s6 =	sshll.u32 s26, $0x1;
	_ =	strace $0x80000049;
	[dreg:$0x1] =	wrdreg $0xFFFFFFFF  }
0xad: {  	s28 =	simm.s32 $_size_execute0_lowered;
	s4 =	sadd.s32 s4, s6;
	[dreg:$0x0] =	wrdreg $0x0  }
0xae: {  	s6 =	sshll.u32 s28, $0x1;
	[dreg:$0x2] =	wrdreg s4  }
0xaf: {  	[dreg:$0x3] =	wrdreg s6  }
0xb0: {  	[dreg:$0x4] =	wrdreg $0xC0  }
0xb1: {  	_ =	task [dreg:s8], $0x5FFFF  }
0xb2: {  	[dreg:$0x1] =	wrdreg $0xFFFFFFFF  }
0xb3: {  	[dreg:$0x0] =	wrdreg $0x60  }
0xb4: {  	[dreg:$0x2] =	wrdreg s17  }
0xb5: {  	[dreg:$0x3] =	wrdreg s24  }
0xb6: {  	[dreg:$0x4] =	wrdreg s16  }
0xb7: {  	[dreg:$0x5] =	wrdreg $0xDD000  }
0xb8: {  	[dreg:$0x6] =	wrdreg $0x9  }
0xb9: {  	_ =	task.clear_ibuf [dreg:s8], $0x7FFFF;
	_ =	strace $0x90000049  }
0xba: {  	s29 =	simm.s32 $0x9;
	_ =	strace $0x8000004B  }
0xbb: {  	_ =	swait.ge [sflag:s29], $0x1  }
0xbc: {  	[sflag:s29] =	ssyncadd.s32 $0xFFFFFFFF  }
0xbd: {  	_ =	strace $0x9000004B  }
0xbe: {  	_ =	sfence  }
0xbf: {  	s30 =	sld [smem:$0x0];
	_ =	sdelay $0x2  }
0xc0: {  	s31 =	sshll.u32 s1, $0xD;
	s1 =	sshrl.u32 s1, $0x2  }
0xc1: {  	s3 =	sand.u32 $0x4000, s31;
	s1 =	sadd.s32 s1, s30  }
0xc2: {  	s0 =	sor.u32 s3, s0;
	s1 =	sshll.u32 s1, $0x11  }
0xc3: {  	s0 =	sor.u32 s1, s0  }
0xc4: {  	s0 =	sadd.s32 $0x8F2B, s0  }
0xc5: {  	[sflag:s0] =	ssyncadd.remote.s32 $0x1  }
0xc6: {  	_ =	sfence.sel $0xFFFF  }
0xc7: {  	[dreg:$0x0] =	wrdreg $0xFFFFFFFF;
	(pc) =	sbr.abs _section_cstart, $3  }
0xc8: {  	[dreg:$0x1] =	wrdreg $0xFFFFFFFF  }
0xc9: {  	_ =	task.clear_ibuf [dreg:s8], $0x2FFFF;
	_ =	strace $0x9FFFFFFF  }
0xca: {  	(tm) =	ssettm $0x7FFFFFFF  }
0xcb: {  	_ =	shalt  }
tec
execute0_lowered:
.L_overlay_start_1:
0x0: {  	(tag) =	ssettag $0x1  }
0x1: {  	s0 =	srdreg.scid;
	s1 =	rddreg [dreg:$0x0]  }
0x2: {  	s7 =	rddreg [dreg:$0x1];
	s26 =	stileid.u32  }
0x3: {  	s4 =	rddreg [dreg:$0x3];
	s5 =	simm.s32 $0x0;
	s20 =	simm.s32 $0x3  }
0x4: {  	s21 =	simm.s32 $0x4E80;
	s22 =	simm.s32 $0x9D00;
	s23 =	simm.s32 $0x80  }
0x5: {  	s24 =	simm.s32 $0xBD00;
	s25 =	simm.s32 $0x1;
	s9 =	smul.u32 $0x278, s26  }
0x6: {  	s28 =	simm.s32 $0x9C80;
	s29 =	simm.s32 $0x0;
	s11 =	smul.u32 $0x9D0, s26  }
0x7: {  	s6 =	sand.u32 $0x1, s0;
	[smem:$0x7FF] =	sst s5;
	s30 =	smul.u32 $0x27800, s26  }
0x8: {  	s13 =	sadd.s32 $0x9C200, s4;
	p0 =	seq.s32 s26, $0xF;
	s2 =	sshll.u32 s6, $0x4  }
0x9: {  	s10 =	smul.u32 $0x2710, s6;
	_ =	strace $0x8000004A;
	s6 =	ssub.s32 $0x2, s6  }
0xa: {  	s2 =	sor.u32 s26, s2;
	s11 =	sadd.s32 s11, s7;
	s12 =	sshrl.u32 s6, $0x1  }
0xb: {  	s31 =	sshrl.u32 s30, $0x2;
	s8 =	smul.u32 $0x9D0, s2;
	s9 =	sadd.s32 s9, s10  }
0xc: {  	s26 =	simm.s32 $0x2;
	s19 =	ssub.s32 s6, s12;
	s9 =	sshll.u32 s9, $0x3  }
0xd: {  	s19 =	smax.u32 s19, $0x1;
	s8 =	sadd.s32 s8, s7;
	s18 =	sadd.s32 s9, s7  }
0xe: {  	s7 =	sadd.s32 $0x17800, s11;
	s6 =	sadd.s32 $0x3E00, s8;
	s8 =	sadd.s32 s31, s4  }
0xf: {  	s14 =	sadd.s32 $0x21600, s18;
	s15 =	sadd.s32 $0x21A00, s18;
	s16 =	sadd.s32 $0x21E00, s18  }
0x10: {  	s17 =	sadd.s32 $0x22200, s18;
	s18 =	sadd.s32 $0x22600, s18;
	s9 =	sadd.s32 $0x2000, s8  }
0x11: {  	s10 =	sadd.s32 $0x4000, s8;
	s11 =	sadd.s32 $0x6000, s8;
	s12 =	sadd.s32 $0x8000, s8  }
.LBB2_1:
0x12: {  	[tilespmem:s5], [sflag:$0x3] =	stream.linear.gather [hbm4b:s6+s5], $0x4E80, $0x38;
	[tilespmem:$0x17960] =	vst v63  }
0x13: {  	_ =	swait.ge [sflag:s20], $0x4E80  }
0x14: {  	[sflag:s20] =	ssyncset.done $0x0  }
0x15: {  	[sflag:s20] =	ssyncadd.s32 $0xFFFFB180  }
0x16: {  	[tilespmem:s21], [sflag:$0x3] =	stream.linear.gather [hbm4b:s7+s5], $0x4E80, $0x38;
	[tilespmem:$0x17960] =	vst v63  }
0x17: {  	_ =	swait.ge [sflag:s20], $0x4E80  }
0x18: {  	[sflag:s20] =	ssyncset.done $0x0  }
0x19: {  	[sflag:s20] =	ssyncadd.s32 $0xFFFFB180  }
0x1a: {  	s0 =	rddreg [dreg:$0x2]  }
0x1b: {  	[tilespmem:s22], [sflag:$0x3] =	stream.linear.gather [hbm4b:s0+s5], $0x2000, $0x38;
	[tilespmem:$0x17960] =	vst v63  }
0x1c: {  	_ =	swait.ge [sflag:s20], $0x2000  }
0x1d: {  	[sflag:s20] =	ssyncset.done $0x0  }
0x1e: {  	[sflag:s20] =	ssyncadd.s32 $0xFFFFE000  }
0x1f: {  	[spmem:s8] =	stream.linear.scatter [tilespmem:s22], [sflag:$0x3], $0x2000, $0x38;
	[tilespmem:$0x17960] =	vst v63  }
0x20: {  	_ =	swait.ge [sflag:s20], $0x2000  }
0x21: {  	[sflag:s20] =	ssyncset.done $0x0  }
0x22: {  	[sflag:s20] =	ssyncadd.s32 $0xFFFFE000  }
0x23: {  	[spmem:s9] =	stream.linear.scatter [tilespmem:s22], [sflag:$0x3], $0x2000, $0x38;
	[tilespmem:$0x17960] =	vst v63  }
0x24: {  	_ =	swait.ge [sflag:s20], $0x2000  }
0x25: {  	[sflag:s20] =	ssyncset.done $0x0  }
0x26: {  	[sflag:s20] =	ssyncadd.s32 $0xFFFFE000  }
0x27: {  	[spmem:s10] =	stream.linear.scatter [tilespmem:s22], [sflag:$0x3], $0x2000, $0x38;
	[tilespmem:$0x17960] =	vst v63  }
0x28: {  	_ =	swait.ge [sflag:s20], $0x2000  }
0x29: {  	[sflag:s20] =	ssyncset.done $0x0  }
0x2a: {  	[sflag:s20] =	ssyncadd.s32 $0xFFFFE000  }
0x2b: {  	[spmem:s11] =	stream.linear.scatter [tilespmem:s22], [sflag:$0x3], $0x2000, $0x38;
	[tilespmem:$0x17960] =	vst v63  }
0x2c: {  	_ =	swait.ge [sflag:s20], $0x2000  }
0x2d: {  	[sflag:s20] =	ssyncset.done $0x0  }
0x2e: {  	s30 =	simm.s32 @p0 $0x9D00;
	[sflag:s20] =	ssyncadd.s32 $0xFFFFE000  }
0x2f: {  	[spmem:s13] =	stream.linear.scatter @p0 [tilespmem:s30], [sflag:$0x3], $0x400, $0x38;
	[tilespmem:$0x17960] =	vst v63  }
0x30: {  	s30 =	simm.s32 @p0 $0x3  }
0x31: {  	_ =	swait.ge @p0 [sflag:s30], $0x400  }
0x32: {  	[sflag:s30] =	ssyncset.done @p0 $0x0  }
0x33: {  	[sflag:s30] =	ssyncadd.s32 @p0 $0xFFFFFC00;
	s30 =	simm.s32 @!p0 $0x9D00  }
0x34: {  	[spmem:s12] =	stream.linear.scatter @!p0 [tilespmem:s30], [sflag:$0x3], $0x1E00, $0x38;
	[tilespmem:$0x17960] =	vst v63  }
0x35: {  	s30 =	simm.s32 @!p0 $0x3  }
0x36: {  	_ =	swait.ge @!p0 [sflag:s30], $0x1E00  }
0x37: {  	[sflag:s30] =	ssyncset.done @!p0 $0x0  }
0x38: {  	[sflag:s30] =	ssyncadd.s32 @!p0 $0xFFFFE200  }
0x39: {  	[bflag:$0x0] =	sbarrier.arrive $0xFFFF  }
0x3a: {  	[tilespmem:s22], [sflag:$0x1] =	stream.indirect.gather [hbm4b:s1+s23], $0x40, s5, s23, $0xb8;
	[tilespmem:$0x17960] =	vst v63  }
0x3b: {  	s30 =	simm.s32 $0x80  }
0x3c: {  	[tilespmem:s24], [sflag:$0x2] =	stream.indirect.gather [hbm4b:s1+s23], $0x40, s30, s23, $0xb8;
	[tilespmem:$0x17960] =	vst v63  }
0x3d: {  	_ =	swait.ge [sflag:s25], $0x2000  }
0x3e: {  	[sflag:s25] =	ssyncset.done $0x0  }
0x3f: {  	s30 =	simm.s32 $0x4E80;
	[sflag:s25] =	ssyncadd.s32 $0xFFFFE000  }
0x40: {  	[spmem:s4] =	stream.indirect.scatter.add.f32 [tilespmem:s22], [sflag:$0x3], $0x40, s30, s23, $0xb8;
	[tilespmem:$0x17960] =	vst v63  }
0x41: {  	_ =	swait.ge [sflag:s20], $0x2000  }
0x42: {  	[sflag:s20] =	ssyncset.done $0x0  }
0x43: {  	s30 =	simm.s32 $0x100;
	[sflag:s20] =	ssyncadd.s32 $0xFFFFE000  }
0x44: {  	[tilespmem:s22], [sflag:$0x1] =	stream.indirect.gather [hbm4b:s1+s23], $0x40, s30, s23, $0xb8;
	[tilespmem:$0x17960] =	vst v63  }
0x45: {  	_ =	swait.ge [sflag:s26], $0x2000  }
0x46: {  	[sflag:s26] =	ssyncset.done $0x0  }
0x47: {  	s30 =	simm.s32 $0x4F00;
	[sflag:s26] =	ssyncadd.s32 $0xFFFFE000  }
0x48: {  	[spmem:s4] =	stream.indirect.scatter.add.f32 [tilespmem:s24], [sflag:$0x3], $0x40, s30, s23, $0xb8;
	[tilespmem:$0x17960] =	vst v63  }
0x49: {  	_ =	swait.ge [sflag:s20], $0x2000  }
0x4a: {  	s31 =	simm.s32 $0x800;
	s30 =	simm.s32 $0x100;
	[sflag:s20] =	ssyncset.done $0x0  }
.LBB2_2:
0x4b: {  	s2 =	sadd.s32 $0x80, s30  }
0x4c: {  	[sflag:s20] =	ssyncadd.s32 $0xFFFFE000;
	s0 =	smov.u32 s31;
	s3 =	sadd.s32 $0x400, s31  }
0x4d: {  	[tilespmem:s24], [sflag:$0x2] =	stream.indirect.gather [hbm4b:s1+s23], $0x40, s2, s23, $0xb8;
	[tilespmem:$0x17960] =	vst v63  }
0x4e: {  	p1 =	sne.s32 s31, $0x13400;
	_ =	swait.ge [sflag:s25], $0x2000  }
0x4f: {  	[sflag:s25] =	ssyncset.done $0x0  }
0x50: {  	s2 =	sadd.s32 $0x4E80, s30;
	[sflag:s25] =	ssyncadd.s32 $0xFFFFE000  }
0x51: {  	[spmem:s4] =	stream.indirect.scatter.add.f32 [tilespmem:s22], [sflag:$0x3], $0x40, s2, s23, $0xb8;
	[tilespmem:$0x17960] =	vst v63  }
0x52: {  	_ =	swait.ge [sflag:s20], $0x2000  }
0x53: {  	[sflag:s20] =	ssyncset.done $0x0  }
0x54: {  	s2 =	sadd.s32 $0x100, s30;
	[sflag:s20] =	ssyncadd.s32 $0xFFFFE000  }
0x55: {  	[tilespmem:s22], [sflag:$0x1] =	stream.indirect.gather [hbm4b:s1+s23], $0x40, s2, s23, $0xb8;
	[tilespmem:$0x17960] =	vst v63  }
0x56: {  	_ =	swait.ge [sflag:s26], $0x2000  }
.Ltmp0:
0x57: {  	[sflag:s26] =	ssyncset.done $0x0;
	(pc) =	sbr.rel @p1 .LBB2_2-.Ltmp0, $4  }
0x58: {  	s2 =	sadd.s32 $0x4F00, s30;
	[sflag:s26] =	ssyncadd.s32 $0xFFFFE000  }
0x59: {  	[spmem:s4] =	stream.indirect.scatter.add.f32 [tilespmem:s24], [sflag:$0x3], $0x40, s2, s23, $0xb8;
	[tilespmem:$0x17960] =	vst v63  }
0x5a: {  	_ =	swait.ge [sflag:s20], $0x2000  }
0x5b: {  	s31 =	smov.u32 s3;
	s30 =	sshra.s32 s0, $0x2;
	[sflag:s20] =	ssyncset.done $0x0  }
0x5c: {  	s0 =	sadd.s32 $0x80, s30;
	[sflag:s20] =	ssyncadd.s32 $0xFFFFE000  }
0x5d: {  	[tilespmem:s24], [sflag:$0x2] =	stream.indirect.gather [hbm4b:s1+s23], $0x40, s0, s23, $0xb8;
	[tilespmem:$0x17960] =	vst v63  }
0x5e: {  	_ =	swait.ge [sflag:s25], $0x2000  }
0x5f: {  	[sflag:s25] =	ssyncset.done $0x0  }
0x60: {  	s2 =	sadd.s32 $0x4E80, s30;
	[sflag:s25] =	ssyncadd.s32 $0xFFFFE000  }
0x61: {  	[spmem:s4] =	stream.indirect.scatter.add.f32 [tilespmem:s22], [sflag:$0x3], $0x40, s2, s23, $0xb8;
	[tilespmem:$0x17960] =	vst v63  }
0x62: {  	_ =	swait.ge [sflag:s20], $0x2000  }
0x63: {  	[sflag:s20] =	ssyncset.done $0x0  }
0x64: {  	s3 =	sadd.s32 $0x100, s30;
	[sflag:s20] =	ssyncadd.s32 $0xFFFFE000  }
0x65: {  	[tilespmem:s22], [sflag:$0x1] =	stream.indirect.gather [hbm4b:s1+s23], $0x40, s3, s23, $0xb8;
	[tilespmem:$0x17960] =	vst v63  }
0x66: {  	_ =	swait.ge [sflag:s26], $0x2000  }
0x67: {  	[sflag:s26] =	ssyncset.done $0x0  }
0x68: {  	s31 =	sadd.s32 $0x4F00, s30;
	[sflag:s26] =	ssyncadd.s32 $0xFFFFE000  }
0x69: {  	[spmem:s4] =	stream.indirect.scatter.add.f32 [tilespmem:s24], [sflag:$0x3], $0x40, s31, s23, $0xb8;
	[tilespmem:$0x17960] =	vst v63  }
0x6a: {  	_ =	swait.ge [sflag:s20], $0x2000  }
0x6b: {  	[sflag:s20] =	ssyncset.done $0x0  }
0x6c: {  	[sflag:s20] =	ssyncadd.s32 $0xFFFFE000  }
0x6d: {  	_ =	swait.ge [sflag:s25], $0x2000  }
0x6e: {  	[sflag:s25] =	ssyncset.done $0x0  }
0x6f: {  	[sflag:s25] =	ssyncadd.s32 $0xFFFFE000  }
0x70: {  	[spmem:s4] =	stream.indirect.scatter.add.f32 [tilespmem:s22], [sflag:$0x3], $0x40, s28, s23, $0xb8;
	[tilespmem:$0x17960] =	vst v63  }
0x71: {  	_ =	swait.ge [sflag:s20], $0x2000  }
0x72: {  	[sflag:s20] =	ssyncset.done $0x0  }
0x73: {  	[sflag:s20] =	ssyncadd.s32 $0xFFFFE000  }
0x74: {  	[bflag:$0x0] =	sbarrier.arrive $0xFFFF  }
0x75: {  	[tilespmem:s22], [sflag:$0x3] =	stream.linear.gather [spmem:s8], $0x2000, $0x38;
	[tilespmem:$0x17960] =	vst v63  }
0x76: {  	_ =	swait.ge [sflag:s20], $0x2000  }
0x77: {  	[sflag:s20] =	ssyncset.done $0x0  }
0x78: {  	[sflag:s20] =	ssyncadd.s32 $0xFFFFE000  }
0x79: {  	[hbm4b:s14+s5] =	stream.linear.scatter [tilespmem:s22], [sflag:$0x3], $0x2000, $0x38;
	[tilespmem:$0x17960] =	vst v63  }
0x7a: {  	_ =	swait.ge [sflag:s20], $0x2000  }
0x7b: {  	[sflag:s20] =	ssyncset.done $0x0  }
0x7c: {  	[sflag:s20] =	ssyncadd.s32 $0xFFFFE000  }
0x7d: {  	[tilespmem:s24], [sflag:$0x3] =	stream.linear.gather [spmem:s9], $0x2000, $0x38;
	[tilespmem:$0x17960] =	vst v63  }
0x7e: {  	_ =	swait.ge [sflag:s20], $0x2000  }
0x7f: {  	[sflag:s20] =	ssyncset.done $0x0  }
0x80: {  	[sflag:s20] =	ssyncadd.s32 $0xFFFFE000  }
0x81: {  	[hbm4b:s15+s5] =	stream.linear.scatter [tilespmem:s24], [sflag:$0x3], $0x2000, $0x38;
	[tilespmem:$0x17960] =	vst v63  }
0x82: {  	_ =	swait.ge [sflag:s20], $0x2000  }
0x83: {  	[sflag:s20] =	ssyncset.done $0x0  }
0x84: {  	[sflag:s20] =	ssyncadd.s32 $0xFFFFE000  }
0x85: {  	[tilespmem:s22], [sflag:$0x3] =	stream.linear.gather [spmem:s10], $0x2000, $0x38;
	[tilespmem:$0x17960] =	vst v63  }
0x86: {  	_ =	swait.ge [sflag:s20], $0x2000  }
0x87: {  	[sflag:s20] =	ssyncset.done $0x0  }
0x88: {  	[sflag:s20] =	ssyncadd.s32 $0xFFFFE000  }
0x89: {  	[hbm4b:s16+s5] =	stream.linear.scatter [tilespmem:s22], [sflag:$0x3], $0x2000, $0x38;
	[tilespmem:$0x17960] =	vst v63  }
0x8a: {  	_ =	swait.ge [sflag:s20], $0x2000  }
0x8b: {  	[sflag:s20] =	ssyncset.done $0x0  }
0x8c: {  	[sflag:s20] =	ssyncadd.s32 $0xFFFFE000  }
0x8d: {  	[tilespmem:s24], [sflag:$0x3] =	stream.linear.gather [spmem:s11], $0x2000, $0x38;
	[tilespmem:$0x17960] =	vst v63  }
0x8e: {  	_ =	swait.ge [sflag:s20], $0x2000  }
0x8f: {  	[sflag:s20] =	ssyncset.done $0x0  }
0x90: {  	[sflag:s20] =	ssyncadd.s32 $0xFFFFE000  }
0x91: {  	[hbm4b:s17+s5] =	stream.linear.scatter [tilespmem:s24], [sflag:$0x3], $0x2000, $0x38;
	[tilespmem:$0x17960] =	vst v63  }
0x92: {  	_ =	swait.ge [sflag:s20], $0x2000  }
0x93: {  	[sflag:s20] =	ssyncset.done $0x0  }
0x94: {  	s0 =	simm.s32 @p0 $0x9D00;
	s2 =	simm.s32 @p0 $0x3;
	[sflag:s20] =	ssyncadd.s32 $0xFFFFE000  }
0x95: {  	[tilespmem:s0], [sflag:$0x3] =	stream.linear.gather @p0 [spmem:s13], $0x200, $0x38;
	[tilespmem:$0x17960] =	vst v63  }
0x96: {  	_ =	swait.ge @p0 [sflag:s2], $0x200  }
0x97: {  	[sflag:s2] =	ssyncset.done @p0 $0x0  }
0x98: {  	s3 =	simm.s32 @p0 $0x0;
	[sflag:s2] =	ssyncadd.s32 @p0 $0xFFFFFE00  }
0x99: {  	[hbm4b:s18+s3] =	stream.linear.scatter @p0 [tilespmem:s0], [sflag:$0x3], $0x200, $0x38;
	[tilespmem:$0x17960] =	vst v63  }
0x9a: {  	_ =	swait.ge @p0 [sflag:s2], $0x200  }
0x9b: {  	[sflag:s2] =	ssyncset.done @p0 $0x0  }
0x9c: {  	s0 =	simm.s32 @!p0 $0x9D00;
	[sflag:s2] =	ssyncadd.s32 @p0 $0xFFFFFE00;
	s2 =	simm.s32 @!p0 $0x3  }
0x9d: {  	[tilespmem:s0], [sflag:$0x3] =	stream.linear.gather @!p0 [spmem:s12], $0x1E00, $0x38;
	[tilespmem:$0x17960] =	vst v63  }
0x9e: {  	s29 =	sadd.s32 $0x1, s29;
	_ =	swait.ge @!p0 [sflag:s2], $0x1E00  }
0x9f: {  	p1 =	sne.s32 s29, s19;
	[sflag:s2] =	ssyncset.done @!p0 $0x0  }
.Ltmp1:
0xa0: {  	s3 =	simm.s32 @!p0 $0x0;
	[sflag:s2] =	ssyncadd.s32 @!p0 $0xFFFFE200;
	(pc) =	sbr.rel @p1 .LBB2_1-.Ltmp1, $4  }
0xa1: {  	[hbm4b:s18+s3] =	stream.linear.scatter @!p0 [tilespmem:s0], [sflag:$0x3], $0x1E00, $0x38;
	[tilespmem:$0x17960] =	vst v63  }
0xa2: {  	_ =	swait.ge @!p0 [sflag:s2], $0x1E00  }
0xa3: {  	[sflag:s2] =	ssyncset.done @!p0 $0x0  }
0xa4: {  	[sflag:s2] =	ssyncadd.s32 @!p0 $0xFFFFE200  }
0xa5: {  	_ =	sfence.sel $0x180000  }
0xa6: {  	[bflag:$0x0] =	sbarrier.arrive $0xFFFF  }
0xa7: {  	_ =	strace $0x9000004A  }
0xa8: {  	s0 =	stileid.u32;
	[bflag:$0x2] =	sbarrier.arrive $0xFFFF  }
0xa9: {  	p0 =	sne.s32 s0, $0x0;
	s0 =	rddreg [dreg:$0x4]  }
0xaa: {  	s0 =	sadd.s32 @!p0 $0x100000, s0  }
0xab: {  	[sflag:s0] =	ssyncadd.tile.s32 @!p0 $0x1;
	_ =	shalt  }
.Lfunc_end2:
_tile_overlayer_lowered:
.L_overlay_start_2:
0xac: {  	(tag) =	ssettag $0x2  }
0xad: {  	s0 =	rddreg [dreg:$0x0];
	s2 =	stileid.u32  }
0xae: {  	s1 =	rddreg [dreg:$0x1];
	p0 =	sne.s32 s2, $0x0  }
0xaf: {  	s3 =	rddreg [dreg:$0x2];
	[bflag:$0x3] =	sbarrier.arrive $0xFFFF;
	s2 =	simm.s32 @!p0 $0x1C03  }
0xb0: {  	[timem:s3], [sflag:s2] =	dma.local @!p0 [hbm:s0], s1  }
0xb1: {  	s0 =	simm.s32 @!p0 $0x3  }
0xb2: {  	_ =	swait.ge @!p0 [sflag:s0], s1  }
0xb3: {  	s1 =	ssub.s32 @!p0 $0x0, s1;
	[sflag:s0] =	ssyncset.done @!p0 $0x0  }
0xb4: {  	[sflag:s0] =	ssyncadd.s32 @!p0 s1  }
0xb5: {  	[bflag:$0x3] =	sbarrier.arrive $0xFFFF  }
0xb6: {  	_ =	shalt  }

</sc_bundles>
